<compile_context>
chip_gen: v7x
topology: tpu7x:2x2x1
jax: 0.10.2.dev20260603
libtpu: 0.0.44.dev20260713+nightly
codegen_flags: <defaults>
</compile_context>

<pallas_src>
import functools

import jax
import jax.numpy as jnp
from jax import lax
from jax.experimental import pallas as pl
from jax.experimental.pallas import tpu as pltpu
from jax.experimental.pallas import tpu_sc as plsc

N = 10000
E = 320000
D = 128
H1 = 32
H2 = 16

NC = 2
NS = 16
NW = NC * NS
CH = 128
NBUF = 8
CHUNKS = -(-(-(-E // (NW * CH))) // NBUF) * NBUF
EPAD = NW * CHUNKS * CH
NP = -(-N // 128) * 128
RPT = NP // NS

_mesh = plsc.VectorSubcoreMesh(core_axis_name="c", subcore_axis_name="s")
_sc_params = pltpu.CompilerParams(use_tc_tiling_on_sc=False)


_DGRP = 16


@functools.partial(
    pl.kernel,
    out_type=jax.ShapeDtypeStruct((NC, NP, H1), jnp.float32),
    mesh=_mesh,
    scratch_types=[
        pltpu.VMEM_SHARED((NP, H1), jnp.float32),
        pltpu.VMEM((CHUNKS, CH), jnp.int32),
        pltpu.VMEM((CH, H1), jnp.float32),
        pltpu.SemaphoreType.DMA,
    ],
    compiler_params=_sc_params,
)
def _sc_degree(dst_hbm, zeros_hbm, ones_hbm, out_hbm, acc_sh, didx, ones_v, sem):
    c = lax.axis_index("c")
    s = lax.axis_index("s")
    wid = s * NC + c
    r0 = s * RPT
    pltpu.sync_copy(zeros_hbm.at[pl.ds(r0, RPT)], acc_sh.at[pl.ds(r0, RPT)])
    pltpu.sync_copy(dst_hbm.at[wid], didx)
    pltpu.sync_copy(ones_hbm, ones_v)
    plsc.subcore_barrier()

    def wave(g, carry):
        for b in range(_DGRP):
            pltpu.async_copy(ones_v, acc_sh.at[didx.at[g * _DGRP + b]], sem,
                             add=True)
        for b in range(_DGRP):
            pltpu.make_async_copy(ones_v, acc_sh.at[didx.at[g * _DGRP + b]],
                                  sem).wait()
        return carry

    lax.fori_loop(0, CHUNKS // _DGRP, wave, 0)
    plsc.subcore_barrier()
    pltpu.sync_copy(acc_sh.at[pl.ds(r0, RPT)], out_hbm.at[c, pl.ds(r0, RPT)])


@functools.partial(
    pl.kernel,
    out_type=jax.ShapeDtypeStruct((NC, NP, H1), jnp.float32),
    mesh=_mesh,
    scratch_types=[
        pltpu.VMEM_SHARED((NP, H1), jnp.float32),
        pltpu.VMEM((CHUNKS, CH), jnp.int32),
        pltpu.VMEM((CHUNKS, CH), jnp.int32),
        *[pltpu.VMEM((CH, H1), jnp.float32) for _ in range(NBUF)],
        *[pltpu.SemaphoreType.DMA for _ in range(2 * NBUF)],
    ],
    compiler_params=_sc_params,
)
def _sc_push(src_hbm, dst_hbm, h_hbm, zeros_hbm, out_hbm,
             acc_sh, sidx, didx, *bufs_and_sems):
    rows = bufs_and_sems[:NBUF]
    gsem = bufs_and_sems[NBUF:2 * NBUF]
    ssem = bufs_and_sems[2 * NBUF:]
    c = lax.axis_index("c")
    s = lax.axis_index("s")
    wid = s * NC + c
    r0 = s * RPT
    pltpu.sync_copy(zeros_hbm.at[pl.ds(r0, RPT)], acc_sh.at[pl.ds(r0, RPT)])
    pltpu.sync_copy(src_hbm.at[wid], sidx)
    pltpu.sync_copy(dst_hbm.at[wid], didx)
    plsc.subcore_barrier()

    for b in range(NBUF):
        pltpu.async_copy(h_hbm.at[sidx.at[b]], rows[b], gsem[b])

    def group(g, carry):
        for b in range(NBUF):
            j = g * NBUF + b
            pltpu.make_async_copy(h_hbm.at[sidx.at[j]], rows[b], gsem[b]).wait()
            pltpu.async_copy(rows[b], acc_sh.at[didx.at[j]], ssem[b], add=True)
            jn = j + NBUF

            @pl.when(jn < CHUNKS)
            def _():
                pltpu.make_async_copy(rows[b], acc_sh.at[didx.at[j]],
                                      ssem[b]).wait()
                pltpu.async_copy(h_hbm.at[sidx.at[jn]], rows[b], gsem[b])

        return carry

    lax.fori_loop(0, CHUNKS // NBUF, group, 0)
    for b in range(NBUF):
        pltpu.make_async_copy(rows[b], acc_sh.at[didx.at[0]], ssem[b]).wait()
    plsc.subcore_barrier()
    pltpu.sync_copy(acc_sh.at[pl.ds(r0, RPT)], out_hbm.at[c, pl.ds(r0, RPT)])



NPK = NP * H1 // 128
NK = N * H1 // 128
_BMK = NPK // 4


def _blockdiag4(W):
    z = jnp.zeros_like(W)
    r1 = jnp.concatenate([W, z, z, z], axis=1)
    r2 = jnp.concatenate([z, W, z, z], axis=1)
    r3 = jnp.concatenate([z, z, W, z], axis=1)
    r4 = jnp.concatenate([z, z, z, W], axis=1)
    return jnp.concatenate([r1, r2, r3, r4], axis=0)


_ER = E // CH


def _edges_body(e_ref, src_ref, dst_ref):
    w = pl.program_id(0)
    flat = ((w * CHUNKS + lax.broadcasted_iota(jnp.int32, (CHUNKS, CH), 0))
            * CH + lax.broadcasted_iota(jnp.int32, (CHUNKS, CH), 1))
    valid = flat < E
    padv = N + flat % (NP - N)
    src_ref[0] = jnp.where(valid, e_ref[0], padv)
    dst_ref[0] = jnp.where(valid, e_ref[1], padv)


def _tc_edges(e3):
    return pl.pallas_call(
        _edges_body,
        grid=(NW,),
        in_specs=[pl.BlockSpec((2, CHUNKS, CH), lambda w: (0, w, 0))],
        out_specs=[
            pl.BlockSpec((1, CHUNKS, CH), lambda w: (w, 0, 0)),
            pl.BlockSpec((1, CHUNKS, CH), lambda w: (w, 0, 0)),
        ],
        out_shape=[
            jax.ShapeDtypeStruct((NW, CHUNKS, CH), jnp.int32),
            jax.ShapeDtypeStruct((NW, CHUNKS, CH), jnp.int32),
        ],
    )(e3)


def _mm1_body(x4_ref, w1b_ref, h1_ref):
    h1_ref[...] = jnp.dot(x4_ref[...], w1b_ref[...],
                          preferred_element_type=jnp.float32)


def _tc_mm1(x4, W1b):
    return pl.pallas_call(
        _mm1_body,
        grid=(NPK // _BMK,),
        in_specs=[
            pl.BlockSpec((_BMK, 4 * D), lambda i: (i, 0)),
            pl.BlockSpec((4 * D, 128), lambda i: (0, 0)),
        ],
        out_specs=pl.BlockSpec((_BMK, 128), lambda i: (i, 0)),
        out_shape=jax.ShapeDtypeStruct((NPK, 128), jnp.float32),
    )(x4, W1b)


def _scale_body(d0_ref, d1_ref, h1_ref, h1s_ref, dinv_ref):
    dinv = lax.rsqrt(1.0 + d0_ref[0] + d1_ref[0])
    h1s_ref[...] = h1_ref[...] * dinv
    dinv_ref[...] = dinv


def _tc_scale(degp4, h1p):
    return pl.pallas_call(
        _scale_body,
        grid=(NPK // _BMK,),
        in_specs=[
            pl.BlockSpec((1, _BMK, 128), lambda i: (0, i, 0)),
            pl.BlockSpec((1, _BMK, 128), lambda i: (1, i, 0)),
            pl.BlockSpec((_BMK, 128), lambda i: (i, 0)),
        ],
        out_specs=[
            pl.BlockSpec((_BMK, 128), lambda i: (i, 0)),
            pl.BlockSpec((_BMK, 128), lambda i: (i, 0)),
        ],
        out_shape=[
            jax.ShapeDtypeStruct((NPK, 128), jnp.float32),
            jax.ShapeDtypeStruct((NPK, 128), jnp.float32),
        ],
    )(degp4, degp4, h1p)


def _mid_body(p0_ref, p1_ref, h1s_ref, dinv_ref, w23b_ref, b1_ref, gs_ref):
    dinv = dinv_ref[...]
    hidden1 = dinv * (p0_ref[0] + p1_ref[0] + h1s_ref[...]) + b1_ref[...]
    g = jnp.dot(hidden1, w23b_ref[...], preferred_element_type=jnp.float32)
    i = pl.program_id(0)
    row = i * _BMK + lax.broadcasted_iota(jnp.int32, (_BMK, 128), 0)
    gs_ref[...] = jnp.where(row < NK, dinv * g, 0.0)


def _tc_mid(agg1p, h1sp, dinvp, W23b, b1p):
    return pl.pallas_call(
        _mid_body,
        grid=(NPK // _BMK,),
        in_specs=[
            pl.BlockSpec((1, _BMK, 128), lambda i: (0, i, 0)),
            pl.BlockSpec((1, _BMK, 128), lambda i: (1, i, 0)),
            pl.BlockSpec((_BMK, 128), lambda i: (i, 0)),
            pl.BlockSpec((_BMK, 128), lambda i: (i, 0)),
            pl.BlockSpec((128, 128), lambda i: (0, 0)),
            pl.BlockSpec((1, 128), lambda i: (0, 0)),
        ],
        out_specs=pl.BlockSpec((_BMK, 128), lambda i: (i, 0)),
        out_shape=jax.ShapeDtypeStruct((NPK, 128), jnp.float32),
    )(agg1p, agg1p, h1sp, dinvp, W23b, b1p)


_BMA = 200
_BM = 2000
_PHA = N // _BM
_PHB = N // _BMA


def _dec_body(q0_ref, q1_ref, gs_ref, dinv_ref, b23_ref,
              mu_ref, lv_ref, adj_ref, scr_ref):
    i = pl.program_id(0)

    @pl.when(i < _PHA)
    def _finalize():
        m = (dinv_ref[:, :1] * (q0_ref[0] + q1_ref[0] + gs_ref[...])
             + b23_ref[...])
        mu = m[:, :H2]
        mu_ref[...] = mu
        lv_ref[...] = m[:, H2:]
        scr_ref[pl.ds(i * _BM, _BM), :] = mu

    @pl.when(i >= _PHA)
    def _decode():
        r = (i - _PHA) * _BMA
        a = scr_ref[pl.ds(r, _BMA), :]
        z = lax.dot_general(a, scr_ref[...], (((1,), (1,)), ((), ())),
                            preferred_element_type=jnp.float32)
        adj_ref[...] = 0.5 * jnp.tanh(0.5 * z) + 0.5


def _tc_dec(agg2, gs_nm, dinv_nm, b23r):
    clampA = lambda i: (jnp.minimum(i, _PHA - 1), 0)
    clampA3 = lambda c: lambda i: (c, jnp.minimum(i, _PHA - 1), 0)
    return pl.pallas_call(
        _dec_body,
        grid=(_PHA + _PHB,),
        in_specs=[
            pl.BlockSpec((1, _BM, H1), clampA3(0)),
            pl.BlockSpec((1, _BM, H1), clampA3(1)),
            pl.BlockSpec((_BM, H1), clampA),
            pl.BlockSpec((_BM, H1), clampA),
            pl.BlockSpec((1, H1), lambda i: (0, 0)),
        ],
        out_specs=[
            pl.BlockSpec((_BM, H2), clampA),
            pl.BlockSpec((_BM, H2), clampA),
            pl.BlockSpec((_BMA, N), lambda i: (jnp.maximum(i - _PHA, 0), 0)),
        ],
        out_shape=[
            jax.ShapeDtypeStruct((N, H2), jnp.float32),
            jax.ShapeDtypeStruct((N, H2), jnp.float32),
            jax.ShapeDtypeStruct((N, N), jnp.float32),
        ],
        scratch_shapes=[pltpu.VMEM((N, H2), jnp.float32)],
    )(agg2, agg2, gs_nm, dinv_nm, b23r)


def kernel(x, edge_index, W1, b1, W2, b2, W3, b3):
    src_t, dst_t = _tc_edges(edge_index.reshape(2, _ER, CH))

    zeros32 = jnp.zeros((NP, H1), jnp.float32)
    ones_blk = jnp.ones((CH, H1), jnp.float32)
    x_p = jnp.pad(x, ((0, NP - N), (0, 0)))
    x4 = x_p.reshape(NPK, 4 * D)

    degp = _sc_degree(dst_t, zeros32, ones_blk)
    W1b = _blockdiag4(W1)
    h1p = _tc_mm1(x4, W1b)
    h1sp, dinvp = _tc_scale(degp.reshape(NC, NPK, 128), h1p)

    agg1 = _sc_push(src_t, dst_t, h1sp.reshape(NP, H1), zeros32)

    W23b = _blockdiag4(jnp.concatenate([W2, W3], axis=1))
    b1p = jnp.tile(b1, 4).reshape(1, 128)
    gsp = _tc_mid(agg1.reshape(NC, NPK, 128), h1sp, dinvp, W23b, b1p)

    agg2 = _sc_push(src_t, dst_t, gsp.reshape(NP, H1), zeros32)

    b23 = jnp.concatenate([b2, b3]).reshape(1, H1)
    mu, logvar, adj = _tc_dec(agg2, gsp.reshape(NP, H1),
                              dinvp.reshape(NP, H1), b23)
    return (adj, mu, logvar)

# --- scband reference (transcript-rebuilt; emitter-appended) ---
"""Pipeline reference for scband-gcnmodel-feedback-28905129902431 (READ-ONLY COPY).

The authoritative reference and input builder live on the scoring server;
editing this copy changes nothing except your own understanding.
"""

import jax, jax.numpy as jnp
import numpy as np

N = 10000
E = 320000
D = 128
H1 = 32
H2 = 16


def _glorot(key, fan_in, fan_out):
    r = float(np.sqrt(6.0 / (fan_in + fan_out)))
    return jax.random.uniform(key, (fan_in, fan_out), minval=-r, maxval=r, dtype=jnp.float32)


def setup_inputs(seed: int = 0) -> dict:
    key = jax.random.key(seed)
    ks = jax.random.split(key, 8)
    x = jax.random.normal(ks[0], (N, D), dtype=jnp.float32)
    edge_index = jax.random.randint(ks[1], (2, E), 0, N, dtype=jnp.int32)
    W1 = _glorot(ks[2], D, H1)
    b1 = jnp.zeros((H1,), dtype=jnp.float32)
    W2 = _glorot(ks[3], H1, H2)
    b2 = jnp.zeros((H2,), dtype=jnp.float32)
    W3 = _glorot(ks[4], H1, H2)
    b3 = jnp.zeros((H2,), dtype=jnp.float32)
    return {"x": x, "edge_index": edge_index, "W1": W1, "b1": b1, "W2": W2, "b2": b2, "W3": W3, "b3": b3}


def _gcn_conv(x, edge_index, W, b):
    # PyG GCNConv: x' = D^{-1/2} (A + I) D^{-1/2} (x W) + b
    h = x @ W
    src = edge_index[0]
    dst = edge_index[1]
    loop = jnp.arange(N, dtype=src.dtype)
    src = jnp.concatenate([src, loop])
    dst = jnp.concatenate([dst, loop])
    deg = jnp.zeros((N,), dtype=h.dtype).at[dst].add(1.0)
    dinv = jax.lax.rsqrt(jnp.maximum(deg, 1e-12))
    norm = dinv[src] * dinv[dst]
    msg = h[src] * norm[:, None]
    out = jnp.zeros((N, h.shape[1]), dtype=h.dtype).at[dst].add(msg)
    return out + b


def reference(x, edge_index, W1, b1, W2, b2, W3, b3):
    # encode
    hidden1 = _gcn_conv(x, edge_index, W1, b1)
    mu = _gcn_conv(hidden1, edge_index, W2, b2)
    logvar = _gcn_conv(hidden1, edge_index, W3, b3)
    # reparameterize in eval mode -> z = mu (module is only runnable in eval:
    # InnerProductDecoder was constructed with dropout=16 which errors if training)
    z = mu
    # InnerProductDecoder: sigmoid(z z^T), dropout is a no-op in eval mode
    adj = jax.nn.sigmoid(z @ z.T)
    return (adj, mu, logvar)

if __name__ == "__main__":
    import jax
    _d = setup_inputs()
    print(jax.jit(kernel)(*tuple(_d.values())))

</pallas_src>

<mosaic_0001>
#map = affine_map<(d0, d1) -> (0, 0, 0)>
#map1 = affine_map<(d0, d1) -> (0, 0)>
module attributes {stable_mosaic.version = 14 : i64} {
  func.func @_sc_degree(%arg0: i32, %arg1: i32, %arg2: memref<32x80x128xi32, #tpu.memory_space<hbm>>, %arg3: memref<10112x32xf32, #tpu.memory_space<hbm>>, %arg4: memref<128x32xf32, #tpu.memory_space<hbm>>, %arg5: memref<2x10112x32xf32, #tpu.memory_space<hbm>>, %arg6: memref<10112x32xf32, #tpu.memory_space<vmem_shared>>, %arg7: memref<80x128xi32, #tpu.memory_space<vmem>>, %arg8: memref<128x32xf32, #tpu.memory_space<vmem>>, %arg9: memref<!tpu.dma_semaphore, #tpu.memory_space<semaphore_mem>>) attributes {dimension_semantics = [#tpu.dimension_semantics<core_parallel>, #tpu.dimension_semantics<subcore_parallel>], iteration_bounds = array<i64: 2, 16>, scalar_prefetch = 0 : i64, scratch_operands = 4 : i64, tpu.core_type = #tpu.core_type<sc_vector_subcore>, window_params = [{transform_indices = #map}, {transform_indices = #map1}, {transform_indices = #map1}, {transform_indices = #map}]} {
    %mul3A = arith.constant 2 : i32
    %mul3A_0 = arith.muli %arg1, %mul3A : i32
    %add3A = arith.addi %mul3A_0, %arg0 : i32
    %mul3A_1 = arith.constant 632 : i32
    %mul3A_2 = arith.muli %arg1, %mul3A_1 : i32
    "tpu.region"() ({
      %run_scoped3A = tpu.sem_alloc : memref<!tpu.dma_semaphore, #tpu.memory_space<semaphore_mem>>
      %dma_start3A = arith.constant 0 : i32
      %dma_start3A_9 = tpu.memref_slice %arg6[%mul3A_2, %dma_start3A] : memref<10112x32xf32, #tpu.memory_space<vmem_shared>> -> memref<632x32xf32, #tpu.memory_space<vmem_shared>>
      %dma_start3A_10 = arith.constant 0 : i32
      %dma_start3A_11 = tpu.memref_slice %arg3[%mul3A_2, %dma_start3A_10] : memref<10112x32xf32, #tpu.memory_space<hbm>> -> memref<632x32xf32, #tpu.memory_space<hbm>>
      tpu.enqueue_dma source(%dma_start3A_11 : memref<632x32xf32, #tpu.memory_space<hbm>>) target(%dma_start3A_9 : memref<632x32xf32, #tpu.memory_space<vmem_shared>>) target_semaphore(%run_scoped3A : memref<!tpu.dma_semaphore, #tpu.memory_space<semaphore_mem>>)
      %dma_wait3A = arith.constant 0 : i32
      %dma_wait3A_12 = tpu.memref_slice %arg6[%mul3A_2, %dma_wait3A] : memref<10112x32xf32, #tpu.memory_space<vmem_shared>> -> memref<632x32xf32, #tpu.memory_space<vmem_shared>>
      %dma_wait3A_13 = arith.constant 0 : i32
      %dma_wait3A_14 = tpu.memref_slice %arg3[%mul3A_2, %dma_wait3A_13] : memref<10112x32xf32, #tpu.memory_space<hbm>> -> memref<632x32xf32, #tpu.memory_space<hbm>>
      tpu.wait_dma2 semaphore(%run_scoped3A : memref<!tpu.dma_semaphore, #tpu.memory_space<semaphore_mem>>) src(%dma_wait3A_14 : memref<632x32xf32, #tpu.memory_space<hbm>>) dst(%dma_wait3A_12 : memref<632x32xf32, #tpu.memory_space<vmem_shared>>)
      tpu.yield
    }) : () -> ()
    "tpu.region"() ({
      %run_scoped3A = tpu.sem_alloc : memref<!tpu.dma_semaphore, #tpu.memory_space<semaphore_mem>>
      %dma_start3A = arith.constant 0 : i32
      %dma_start3A_9 = arith.constant 0 : i32
      %dma_start3A_10 = tpu.memref_slice %arg2[%add3A, %dma_start3A, %dma_start3A_9] : memref<32x80x128xi32, #tpu.memory_space<hbm>> -> memref<1x80x128xi32, #tpu.memory_space<hbm>>
      %dma_start3A_11 = tpu.memref_squeeze %dma_start3A_10 : memref<1x80x128xi32, #tpu.memory_space<hbm>> -> memref<80x128xi32, #tpu.memory_space<hbm>>
      %dma_start3A_12 = arith.constant 0 : i32
      %dma_start3A_13 = arith.constant 0 : i32
      %dma_start3A_14 = tpu.memref_slice %arg2[%add3A, %dma_start3A_12, %dma_start3A_13] : memref<32x80x128xi32, #tpu.memory_space<hbm>> -> memref<1x80x128xi32, #tpu.memory_space<hbm>>
      %dma_start3A_15 = tpu.memref_squeeze %dma_start3A_14 : memref<1x80x128xi32, #tpu.memory_space<hbm>> -> memref<80x128xi32, #tpu.memory_space<hbm>>
      tpu.enqueue_dma source(%dma_start3A_15 : memref<80x128xi32, #tpu.memory_space<hbm>>) target(%arg7 : memref<80x128xi32, #tpu.memory_space<vmem>>) target_semaphore(%run_scoped3A : memref<!tpu.dma_semaphore, #tpu.memory_space<semaphore_mem>>)
      %dma_wait3A = arith.constant 0 : i32
      %dma_wait3A_16 = arith.constant 0 : i32
      %dma_wait3A_17 = tpu.memref_slice %arg2[%add3A, %dma_wait3A, %dma_wait3A_16] : memref<32x80x128xi32, #tpu.memory_space<hbm>> -> memref<1x80x128xi32, #tpu.memory_space<hbm>>
      %dma_wait3A_18 = tpu.memref_squeeze %dma_wait3A_17 : memref<1x80x128xi32, #tpu.memory_space<hbm>> -> memref<80x128xi32, #tpu.memory_space<hbm>>
      %dma_wait3A_19 = arith.constant 0 : i32
      %dma_wait3A_20 = arith.constant 0 : i32
      %dma_wait3A_21 = tpu.memref_slice %arg2[%add3A, %dma_wait3A_19, %dma_wait3A_20] : memref<32x80x128xi32, #tpu.memory_space<hbm>> -> memref<1x80x128xi32, #tpu.memory_space<hbm>>
      %dma_wait3A_22 = tpu.memref_squeeze %dma_wait3A_21 : memref<1x80x128xi32, #tpu.memory_space<hbm>> -> memref<80x128xi32, #tpu.memory_space<hbm>>
      tpu.wait_dma2 semaphore(%run_scoped3A : memref<!tpu.dma_semaphore, #tpu.memory_space<semaphore_mem>>) src(%dma_wait3A_22 : memref<80x128xi32, #tpu.memory_space<hbm>>) dst(%arg7 : memref<80x128xi32, #tpu.memory_space<vmem>>)
      tpu.yield
    }) : () -> ()
    "tpu.region"() ({
      %run_scoped3A = tpu.sem_alloc : memref<!tpu.dma_semaphore, #tpu.memory_space<semaphore_mem>>
      tpu.enqueue_dma source(%arg4 : memref<128x32xf32, #tpu.memory_space<hbm>>) target(%arg8 : memref<128x32xf32, #tpu.memory_space<vmem>>) target_semaphore(%run_scoped3A : memref<!tpu.dma_semaphore, #tpu.memory_space<semaphore_mem>>)
      tpu.wait_dma2 semaphore(%run_scoped3A : memref<!tpu.dma_semaphore, #tpu.memory_space<semaphore_mem>>) src(%arg4 : memref<128x32xf32, #tpu.memory_space<hbm>>) dst(%arg8 : memref<128x32xf32, #tpu.memory_space<vmem>>)
      tpu.yield
    }) : () -> ()
    %barrier3A = arith.constant 0 : index
    tpu.barrier barrier_id(%barrier3A)
    %scan3A = arith.constant 0 : i32
    %scan3A_3 = arith.constant 0 : i32
    %scan3A_4 = arith.constant 5 : i32
    %scan3A_5 = arith.addi %scan3A_3, %scan3A_4 : i32
    %scan3A_6 = arith.constant 1 : i32
    scf.for %scan3A_9 = %scan3A_3 to %scan3A_5 step %scan3A_6  : i32 {
      %mul3A_10 = arith.constant 16 : i32
      %mul3A_11 = arith.muli %scan3A_9, %mul3A_10 : i32
      %add3A_12 = arith.constant 0 : i32
      %add3A_13 = arith.addi %mul3A_11, %add3A_12 : i32
      %dma_start3A = arith.constant 0 : i32
      %dma_start3A_14 = tpu.memref_slice %arg7[%add3A_13, %dma_start3A] : memref<80x128xi32, #tpu.memory_space<vmem>> -> memref<1x128xi32, #tpu.memory_space<vmem>>
      %dma_start3A_15 = tpu.memref_squeeze %dma_start3A_14 : memref<1x128xi32, #tpu.memory_space<vmem>> -> memref<128xi32, #tpu.memory_space<vmem>>
      %dma_start3A_16 = arith.constant 0 : i32
      %dma_start3A_17 = arith.constant 0 : i32
      %dma_start3A_18 = tpu.memref_slice %arg6[%dma_start3A_16, %dma_start3A_17] : memref<10112x32xf32, #tpu.memory_space<vmem_shared>> -> memref<10112x32xf32, #tpu.memory_space<vmem_shared>>
      tpu.enqueue_indirect_dma source(%arg8 : memref<128x32xf32, #tpu.memory_space<vmem>>) target(%dma_start3A_18 : memref<10112x32xf32, #tpu.memory_space<vmem_shared>>) offsets(%dma_start3A_15 : memref<128xi32, #tpu.memory_space<vmem>>) semaphore(%arg9 : memref<!tpu.dma_semaphore, #tpu.memory_space<semaphore_mem>>) {add = true}
      %mul3A_19 = arith.constant 16 : i32
      %mul3A_20 = arith.muli %scan3A_9, %mul3A_19 : i32
      %add3A_21 = arith.constant 1 : i32
      %add3A_22 = arith.addi %mul3A_20, %add3A_21 : i32
      %dma_start3A_23 = arith.constant 0 : i32
      %dma_start3A_24 = tpu.memref_slice %arg7[%add3A_22, %dma_start3A_23] : memref<80x128xi32, #tpu.memory_space<vmem>> -> memref<1x128xi32, #tpu.memory_space<vmem>>
      %dma_start3A_25 = tpu.memref_squeeze %dma_start3A_24 : memref<1x128xi32, #tpu.memory_space<vmem>> -> memref<128xi32, #tpu.memory_space<vmem>>
      %dma_start3A_26 = arith.constant 0 : i32
      %dma_start3A_27 = arith.constant 0 : i32
      %dma_start3A_28 = tpu.memref_slice %arg6[%dma_start3A_26, %dma_start3A_27] : memref<10112x32xf32, #tpu.memory_space<vmem_shared>> -> memref<10112x32xf32, #tpu.memory_space<vmem_shared>>
      tpu.enqueue_indirect_dma source(%arg8 : memref<128x32xf32, #tpu.memory_space<vmem>>) target(%dma_start3A_28 : memref<10112x32xf32, #tpu.memory_space<vmem_shared>>) offsets(%dma_start3A_25 : memref<128xi32, #tpu.memory_space<vmem>>) semaphore(%arg9 : memref<!tpu.dma_semaphore, #tpu.memory_space<semaphore_mem>>) {add = true}
      %mul3A_29 = arith.constant 16 : i32
      %mul3A_30 = arith.muli %scan3A_9, %mul3A_29 : i32
      %add3A_31 = arith.constant 2 : i32
      %add3A_32 = arith.addi %mul3A_30, %add3A_31 : i32
      %dma_start3A_33 = arith.constant 0 : i32
      %dma_start3A_34 = tpu.memref_slice %arg7[%add3A_32, %dma_start3A_33] : memref<80x128xi32, #tpu.memory_space<vmem>> -> memref<1x128xi32, #tpu.memory_space<vmem>>
      %dma_start3A_35 = tpu.memref_squeeze %dma_start3A_34 : memref<1x128xi32, #tpu.memory_space<vmem>> -> memref<128xi32, #tpu.memory_space<vmem>>
      %dma_start3A_36 = arith.constant 0 : i32
      %dma_start3A_37 = arith.constant 0 : i32
      %dma_start3A_38 = tpu.memref_slice %arg6[%dma_start3A_36, %dma_start3A_37] : memref<10112x32xf32, #tpu.memory_space<vmem_shared>> -> memref<10112x32xf32, #tpu.memory_space<vmem_shared>>
      tpu.enqueue_indirect_dma source(%arg8 : memref<128x32xf32, #tpu.memory_space<vmem>>) target(%dma_start3A_38 : memref<10112x32xf32, #tpu.memory_space<vmem_shared>>) offsets(%dma_start3A_35 : memref<128xi32, #tpu.memory_space<vmem>>) semaphore(%arg9 : memref<!tpu.dma_semaphore, #tpu.memory_space<semaphore_mem>>) {add = true}
      %mul3A_39 = arith.constant 16 : i32
      %mul3A_40 = arith.muli %scan3A_9, %mul3A_39 : i32
      %add3A_41 = arith.constant 3 : i32
      %add3A_42 = arith.addi %mul3A_40, %add3A_41 : i32
      %dma_start3A_43 = arith.constant 0 : i32
      %dma_start3A_44 = tpu.memref_slice %arg7[%add3A_42, %dma_start3A_43] : memref<80x128xi32, #tpu.memory_space<vmem>> -> memref<1x128xi32, #tpu.memory_space<vmem>>
      %dma_start3A_45 = tpu.memref_squeeze %dma_start3A_44 : memref<1x128xi32, #tpu.memory_space<vmem>> -> memref<128xi32, #tpu.memory_space<vmem>>
      %dma_start3A_46 = arith.constant 0 : i32
      %dma_start3A_47 = arith.constant 0 : i32
      %dma_start3A_48 = tpu.memref_slice %arg6[%dma_start3A_46, %dma_start3A_47] : memref<10112x32xf32, #tpu.memory_space<vmem_shared>> -> memref<10112x32xf32, #tpu.memory_space<vmem_shared>>
      tpu.enqueue_indirect_dma source(%arg8 : memref<128x32xf32, #tpu.memory_space<vmem>>) target(%dma_start3A_48 : memref<10112x32xf32, #tpu.memory_space<vmem_shared>>) offsets(%dma_start3A_45 : memref<128xi32, #tpu.memory_space<vmem>>) semaphore(%arg9 : memref<!tpu.dma_semaphore, #tpu.memory_space<semaphore_mem>>) {add = true}
      %mul3A_49 = arith.constant 16 : i32
      %mul3A_50 = arith.muli %scan3A_9, %mul3A_49 : i32
      %add3A_51 = arith.constant 4 : i32
      %add3A_52 = arith.addi %mul3A_50, %add3A_51 : i32
      %dma_start3A_53 = arith.constant 0 : i32
      %dma_start3A_54 = tpu.memref_slice %arg7[%add3A_52, %dma_start3A_53] : memref<80x128xi32, #tpu.memory_space<vmem>> -> memref<1x128xi32, #tpu.memory_space<vmem>>
      %dma_start3A_55 = tpu.memref_squeeze %dma_start3A_54 : memref<1x128xi32, #tpu.memory_space<vmem>> -> memref<128xi32, #tpu.memory_space<vmem>>
      %dma_start3A_56 = arith.constant 0 : i32
      %dma_start3A_57 = arith.constant 0 : i32
      %dma_start3A_58 = tpu.memref_slice %arg6[%dma_start3A_56, %dma_start3A_57] : memref<10112x32xf32, #tpu.memory_space<vmem_shared>> -> memref<10112x32xf32, #tpu.memory_space<vmem_shared>>
      tpu.enqueue_indirect_dma source(%arg8 : memref<128x32xf32, #tpu.memory_space<vmem>>) target(%dma_start3A_58 : memref<10112x32xf32, #tpu.memory_space<vmem_shared>>) offsets(%dma_start3A_55 : memref<128xi32, #tpu.memory_space<vmem>>) semaphore(%arg9 : memref<!tpu.dma_semaphore, #tpu.memory_space<semaphore_mem>>) {add = true}
      %mul3A_59 = arith.constant 16 : i32
      %mul3A_60 = arith.muli %scan3A_9, %mul3A_59 : i32
      %add3A_61 = arith.constant 5 : i32
      %add3A_62 = arith.addi %mul3A_60, %add3A_61 : i32
      %dma_start3A_63 = arith.constant 0 : i32
      %dma_start3A_64 = tpu.memref_slice %arg7[%add3A_62, %dma_start3A_63] : memref<80x128xi32, #tpu.memory_space<vmem>> -> memref<1x128xi32, #tpu.memory_space<vmem>>
      %dma_start3A_65 = tpu.memref_squeeze %dma_start3A_64 : memref<1x128xi32, #tpu.memory_space<vmem>> -> memref<128xi32, #tpu.memory_space<vmem>>
      %dma_start3A_66 = arith.constant 0 : i32
      %dma_start3A_67 = arith.constant 0 : i32
      %dma_start3A_68 = tpu.memref_slice %arg6[%dma_start3A_66, %dma_start3A_67] : memref<10112x32xf32, #tpu.memory_space<vmem_shared>> -> memref<10112x32xf32, #tpu.memory_space<vmem_shared>>
      tpu.enqueue_indirect_dma source(%arg8 : memref<128x32xf32, #tpu.memory_space<vmem>>) target(%dma_start3A_68 : memref<10112x32xf32, #tpu.memory_space<vmem_shared>>) offsets(%dma_start3A_65 : memref<128xi32, #tpu.memory_space<vmem>>) semaphore(%arg9 : memref<!tpu.dma_semaphore, #tpu.memory_space<semaphore_mem>>) {add = true}
      %mul3A_69 = arith.constant 16 : i32
      %mul3A_70 = arith.muli %scan3A_9, %mul3A_69 : i32
      %add3A_71 = arith.constant 6 : i32
      %add3A_72 = arith.addi %mul3A_70, %add3A_71 : i32
      %dma_start3A_73 = arith.constant 0 : i32
      %dma_start3A_74 = tpu.memref_slice %arg7[%add3A_72, %dma_start3A_73] : memref<80x128xi32, #tpu.memory_space<vmem>> -> memref<1x128xi32, #tpu.memory_space<vmem>>
      %dma_start3A_75 = tpu.memref_squeeze %dma_start3A_74 : memref<1x128xi32, #tpu.memory_space<vmem>> -> memref<128xi32, #tpu.memory_space<vmem>>
      %dma_start3A_76 = arith.constant 0 : i32
      %dma_start3A_77 = arith.constant 0 : i32
      %dma_start3A_78 = tpu.memref_slice %arg6[%dma_start3A_76, %dma_start3A_77] : memref<10112x32xf32, #tpu.memory_space<vmem_shared>> -> memref<10112x32xf32, #tpu.memory_space<vmem_shared>>
      tpu.enqueue_indirect_dma source(%arg8 : memref<128x32xf32, #tpu.memory_space<vmem>>) target(%dma_start3A_78 : memref<10112x32xf32, #tpu.memory_space<vmem_shared>>) offsets(%dma_start3A_75 : memref<128xi32, #tpu.memory_space<vmem>>) semaphore(%arg9 : memref<!tpu.dma_semaphore, #tpu.memory_space<semaphore_mem>>) {add = true}
      %mul3A_79 = arith.constant 16 : i32
      %mul3A_80 = arith.muli %scan3A_9, %mul3A_79 : i32
      %add3A_81 = arith.constant 7 : i32
      %add3A_82 = arith.addi %mul3A_80, %add3A_81 : i32
      %dma_start3A_83 = arith.constant 0 : i32
      %dma_start3A_84 = tpu.memref_slice %arg7[%add3A_82, %dma_start3A_83] : memref<80x128xi32, #tpu.memory_space<vmem>> -> memref<1x128xi32, #tpu.memory_space<vmem>>
      %dma_start3A_85 = tpu.memref_squeeze %dma_start3A_84 : memref<1x128xi32, #tpu.memory_space<vmem>> -> memref<128xi32, #tpu.memory_space<vmem>>
      %dma_start3A_86 = arith.constant 0 : i32
      %dma_start3A_87 = arith.constant 0 : i32
      %dma_start3A_88 = tpu.memref_slice %arg6[%dma_start3A_86, %dma_start3A_87] : memref<10112x32xf32, #tpu.memory_space<vmem_shared>> -> memref<10112x32xf32, #tpu.memory_space<vmem_shared>>
      tpu.enqueue_indirect_dma source(%arg8 : memref<128x32xf32, #tpu.memory_space<vmem>>) target(%dma_start3A_88 : memref<10112x32xf32, #tpu.memory_space<vmem_shared>>) offsets(%dma_start3A_85 : memref<128xi32, #tpu.memory_space<vmem>>) semaphore(%arg9 : memref<!tpu.dma_semaphore, #tpu.memory_space<semaphore_mem>>) {add = true}
      %mul3A_89 = arith.constant 16 : i32
      %mul3A_90 = arith.muli %scan3A_9, %mul3A_89 : i32
      %add3A_91 = arith.constant 8 : i32
      %add3A_92 = arith.addi %mul3A_90, %add3A_91 : i32
      %dma_start3A_93 = arith.constant 0 : i32
      %dma_start3A_94 = tpu.memref_slice %arg7[%add3A_92, %dma_start3A_93] : memref<80x128xi32, #tpu.memory_space<vmem>> -> memref<1x128xi32, #tpu.memory_space<vmem>>
      %dma_start3A_95 = tpu.memref_squeeze %dma_start3A_94 : memref<1x128xi32, #tpu.memory_space<vmem>> -> memref<128xi32, #tpu.memory_space<vmem>>
      %dma_start3A_96 = arith.constant 0 : i32
      %dma_start3A_97 = arith.constant 0 : i32
      %dma_start3A_98 = tpu.memref_slice %arg6[%dma_start3A_96, %dma_start3A_97] : memref<10112x32xf32, #tpu.memory_space<vmem_shared>> -> memref<10112x32xf32, #tpu.memory_space<vmem_shared>>
      tpu.enqueue_indirect_dma source(%arg8 : memref<128x32xf32, #tpu.memory_space<vmem>>) target(%dma_start3A_98 : memref<10112x32xf32, #tpu.memory_space<vmem_shared>>) offsets(%dma_start3A_95 : memref<128xi32, #tpu.memory_space<vmem>>) semaphore(%arg9 : memref<!tpu.dma_semaphore, #tpu.memory_space<semaphore_mem>>) {add = true}
      %mul3A_99 = arith.constant 16 : i32
      %mul3A_100 = arith.muli %scan3A_9, %mul3A_99 : i32
      %add3A_101 = arith.constant 9 : i32
      %add3A_102 = arith.addi %mul3A_100, %add3A_101 : i32
      %dma_start3A_103 = arith.constant 0 : i32
      %dma_start3A_104 = tpu.memref_slice %arg7[%add3A_102, %dma_start3A_103] : memref<80x128xi32, #tpu.memory_space<vmem>> -> memref<1x128xi32, #tpu.memory_space<vmem>>
      %dma_start3A_105 = tpu.memref_squeeze %dma_start3A_104 : memref<1x128xi32, #tpu.memory_space<vmem>> -> memref<128xi32, #tpu.memory_space<vmem>>
      %dma_start3A_106 = arith.constant 0 : i32
      %dma_start3A_107 = arith.constant 0 : i32
      %dma_start3A_108 = tpu.memref_slice %arg6[%dma_start3A_106, %dma_start3A_107] : memref<10112x32xf32, #tpu.memory_space<vmem_shared>> -> memref<10112x32xf32, #tpu.memory_space<vmem_shared>>
      tpu.enqueue_indirect_dma source(%arg8 : memref<128x32xf32, #tpu.memory_space<vmem>>) target(%dma_start3A_108 : memref<10112x32xf32, #tpu.memory_space<vmem_shared>>) offsets(%dma_start3A_105 : memref<128xi32, #tpu.memory_space<vmem>>) semaphore(%arg9 : memref<!tpu.dma_semaphore, #tpu.memory_space<semaphore_mem>>) {add = true}
      %mul3A_109 = arith.constant 16 : i32
      %mul3A_110 = arith.muli %scan3A_9, %mul3A_109 : i32
      %add3A_111 = arith.constant 10 : i32
      %add3A_112 = arith.addi %mul3A_110, %add3A_111 : i32
      %dma_start3A_113 = arith.constant 0 : i32
      %dma_start3A_114 = tpu.memref_slice %arg7[%add3A_112, %dma_start3A_113] : memref<80x128xi32, #tpu.memory_space<vmem>> -> memref<1x128xi32, #tpu.memory_space<vmem>>
      %dma_start3A_115 = tpu.memref_squeeze %dma_start3A_114 : memref<1x128xi32, #tpu.memory_space<vmem>> -> memref<128xi32, #tpu.memory_space<vmem>>
      %dma_start3A_116 = arith.constant 0 : i32
      %dma_start3A_117 = arith.constant 0 : i32
      %dma_start3A_118 = tpu.memref_slice %arg6[%dma_start3A_116, %dma_start3A_117] : memref<10112x32xf32, #tpu.memory_space<vmem_shared>> -> memref<10112x32xf32, #tpu.memory_space<vmem_shared>>
      tpu.enqueue_indirect_dma source(%arg8 : memref<128x32xf32, #tpu.memory_space<vmem>>) target(%dma_start3A_118 : memref<10112x32xf32, #tpu.memory_space<vmem_shared>>) offsets(%dma_start3A_115 : memref<128xi32, #tpu.memory_space<vmem>>) semaphore(%arg9 : memref<!tpu.dma_semaphore, #tpu.memory_space<semaphore_mem>>) {add = true}
      %mul3A_119 = arith.constant 16 : i32
      %mul3A_120 = arith.muli %scan3A_9, %mul3A_119 : i32
      %add3A_121 = arith.constant 11 : i32
      %add3A_122 = arith.addi %mul3A_120, %add3A_121 : i32
      %dma_start3A_123 = arith.constant 0 : i32
      %dma_start3A_124 = tpu.memref_slice %arg7[%add3A_122, %dma_start3A_123] : memref<80x128xi32, #tpu.memory_space<vmem>> -> memref<1x128xi32, #tpu.memory_space<vmem>>
      %dma_start3A_125 = tpu.memref_squeeze %dma_start3A_124 : memref<1x128xi32, #tpu.memory_space<vmem>> -> memref<128xi32, #tpu.memory_space<vmem>>
      %dma_start3A_126 = arith.constant 0 : i32
      %dma_start3A_127 = arith.constant 0 : i32
      %dma_start3A_128 = tpu.memref_slice %arg6[%dma_start3A_126, %dma_start3A_127] : memref<10112x32xf32, #tpu.memory_space<vmem_shared>> -> memref<10112x32xf32, #tpu.memory_space<vmem_shared>>
      tpu.enqueue_indirect_dma source(%arg8 : memref<128x32xf32, #tpu.memory_space<vmem>>) target(%dma_start3A_128 : memref<10112x32xf32, #tpu.memory_space<vmem_shared>>) offsets(%dma_start3A_125 : memref<128xi32, #tpu.memory_space<vmem>>) semaphore(%arg9 : memref<!tpu.dma_semaphore, #tpu.memory_space<semaphore_mem>>) {add = true}
      %mul3A_129 = arith.constant 16 : i32
      %mul3A_130 = arith.muli %scan3A_9, %mul3A_129 : i32
      %add3A_131 = arith.constant 12 : i32
      %add3A_132 = arith.addi %mul3A_130, %add3A_131 : i32
      %dma_start3A_133 = arith.constant 0 : i32
      %dma_start3A_134 = tpu.memref_slice %arg7[%add3A_132, %dma_start3A_133] : memref<80x128xi32, #tpu.memory_space<vmem>> -> memref<1x128xi32, #tpu.memory_space<vmem>>
      %dma_start3A_135 = tpu.memref_squeeze %dma_start3A_134 : memref<1x128xi32, #tpu.memory_space<vmem>> -> memref<128xi32, #tpu.memory_space<vmem>>
      %dma_start3A_136 = arith.constant 0 : i32
      %dma_start3A_137 = arith.constant 0 : i32
      %dma_start3A_138 = tpu.memref_slice %arg6[%dma_start3A_136, %dma_start3A_137] : memref<10112x32xf32, #tpu.memory_space<vmem_shared>> -> memref<10112x32xf32, #tpu.memory_space<vmem_shared>>
      tpu.enqueue_indirect_dma source(%arg8 : memref<128x32xf32, #tpu.memory_space<vmem>>) target(%dma_start3A_138 : memref<10112x32xf32, #tpu.memory_space<vmem_shared>>) offsets(%dma_start3A_135 : memref<128xi32, #tpu.memory_space<vmem>>) semaphore(%arg9 : memref<!tpu.dma_semaphore, #tpu.memory_space<semaphore_mem>>) {add = true}
      %mul3A_139 = arith.constant 16 : i32
      %mul3A_140 = arith.muli %scan3A_9, %mul3A_139 : i32
      %add3A_141 = arith.constant 13 : i32
      %add3A_142 = arith.addi %mul3A_140, %add3A_141 : i32
      %dma_start3A_143 = arith.constant 0 : i32
      %dma_start3A_144 = tpu.memref_slice %arg7[%add3A_142, %dma_start3A_143] : memref<80x128xi32, #tpu.memory_space<vmem>> -> memref<1x128xi32, #tpu.memory_space<vmem>>
      %dma_start3A_145 = tpu.memref_squeeze %dma_start3A_144 : memref<1x128xi32, #tpu.memory_space<vmem>> -> memref<128xi32, #tpu.memory_space<vmem>>
      %dma_start3A_146 = arith.constant 0 : i32
      %dma_start3A_147 = arith.constant 0 : i32
      %dma_start3A_148 = tpu.memref_slice %arg6[%dma_start3A_146, %dma_start3A_147] : memref<10112x32xf32, #tpu.memory_space<vmem_shared>> -> memref<10112x32xf32, #tpu.memory_space<vmem_shared>>
      tpu.enqueue_indirect_dma source(%arg8 : memref<128x32xf32, #tpu.memory_space<vmem>>) target(%dma_start3A_148 : memref<10112x32xf32, #tpu.memory_space<vmem_shared>>) offsets(%dma_start3A_145 : memref<128xi32, #tpu.memory_space<vmem>>) semaphore(%arg9 : memref<!tpu.dma_semaphore, #tpu.memory_space<semaphore_mem>>) {add = true}
      %mul3A_149 = arith.constant 16 : i32
      %mul3A_150 = arith.muli %scan3A_9, %mul3A_149 : i32
      %add3A_151 = arith.constant 14 : i32
      %add3A_152 = arith.addi %mul3A_150, %add3A_151 : i32
      %dma_start3A_153 = arith.constant 0 : i32
      %dma_start3A_154 = tpu.memref_slice %arg7[%add3A_152, %dma_start3A_153] : memref<80x128xi32, #tpu.memory_space<vmem>> -> memref<1x128xi32, #tpu.memory_space<vmem>>
      %dma_start3A_155 = tpu.memref_squeeze %dma_start3A_154 : memref<1x128xi32, #tpu.memory_space<vmem>> -> memref<128xi32, #tpu.memory_space<vmem>>
      %dma_start3A_156 = arith.constant 0 : i32
      %dma_start3A_157 = arith.constant 0 : i32
      %dma_start3A_158 = tpu.memref_slice %arg6[%dma_start3A_156, %dma_start3A_157] : memref<10112x32xf32, #tpu.memory_space<vmem_shared>> -> memref<10112x32xf32, #tpu.memory_space<vmem_shared>>
      tpu.enqueue_indirect_dma source(%arg8 : memref<128x32xf32, #tpu.memory_space<vmem>>) target(%dma_start3A_158 : memref<10112x32xf32, #tpu.memory_space<vmem_shared>>) offsets(%dma_start3A_155 : memref<128xi32, #tpu.memory_space<vmem>>) semaphore(%arg9 : memref<!tpu.dma_semaphore, #tpu.memory_space<semaphore_mem>>) {add = true}
      %mul3A_159 = arith.constant 16 : i32
      %mul3A_160 = arith.muli %scan3A_9, %mul3A_159 : i32
      %add3A_161 = arith.constant 15 : i32
      %add3A_162 = arith.addi %mul3A_160, %add3A_161 : i32
      %dma_start3A_163 = arith.constant 0 : i32
      %dma_start3A_164 = tpu.memref_slice %arg7[%add3A_162, %dma_start3A_163] : memref<80x128xi32, #tpu.memory_space<vmem>> -> memref<1x128xi32, #tpu.memory_space<vmem>>
      %dma_start3A_165 = tpu.memref_squeeze %dma_start3A_164 : memref<1x128xi32, #tpu.memory_space<vmem>> -> memref<128xi32, #tpu.memory_space<vmem>>
      %dma_start3A_166 = arith.constant 0 : i32
      %dma_start3A_167 = arith.constant 0 : i32
      %dma_start3A_168 = tpu.memref_slice %arg6[%dma_start3A_166, %dma_start3A_167] : memref<10112x32xf32, #tpu.memory_space<vmem_shared>> -> memref<10112x32xf32, #tpu.memory_space<vmem_shared>>
      tpu.enqueue_indirect_dma source(%arg8 : memref<128x32xf32, #tpu.memory_space<vmem>>) target(%dma_start3A_168 : memref<10112x32xf32, #tpu.memory_space<vmem_shared>>) offsets(%dma_start3A_165 : memref<128xi32, #tpu.memory_space<vmem>>) semaphore(%arg9 : memref<!tpu.dma_semaphore, #tpu.memory_space<semaphore_mem>>) {add = true}
      %mul3A_169 = arith.constant 16 : i32
      %mul3A_170 = arith.muli %scan3A_9, %mul3A_169 : i32
      %add3A_171 = arith.constant 0 : i32
      %add3A_172 = arith.addi %mul3A_170, %add3A_171 : i32
      %dma_wait3A = arith.constant 0 : i32
      %dma_wait3A_173 = tpu.memref_slice %arg7[%add3A_172, %dma_wait3A] : memref<80x128xi32, #tpu.memory_space<vmem>> -> memref<1x128xi32, #tpu.memory_space<vmem>>
      %dma_wait3A_174 = tpu.memref_squeeze %dma_wait3A_173 : memref<1x128xi32, #tpu.memory_space<vmem>> -> memref<128xi32, #tpu.memory_space<vmem>>
      %dma_wait3A_175 = arith.constant 0 : i32
      %dma_wait3A_176 = arith.constant 0 : i32
      %dma_wait3A_177 = tpu.memref_slice %arg6[%dma_wait3A_175, %dma_wait3A_176] : memref<10112x32xf32, #tpu.memory_space<vmem_shared>> -> memref<10112x32xf32, #tpu.memory_space<vmem_shared>>
      tpu.wait_indirect_dma semaphore(%arg9 : memref<!tpu.dma_semaphore, #tpu.memory_space<semaphore_mem>>) src(%arg8 : memref<128x32xf32, #tpu.memory_space<vmem>>) dst(%dma_wait3A_177 : memref<10112x32xf32, #tpu.memory_space<vmem_shared>>)
      %mul3A_178 = arith.constant 16 : i32
      %mul3A_179 = arith.muli %scan3A_9, %mul3A_178 : i32
      %add3A_180 = arith.constant 1 : i32
      %add3A_181 = arith.addi %mul3A_179, %add3A_180 : i32
      %dma_wait3A_182 = arith.constant 0 : i32
      %dma_wait3A_183 = tpu.memref_slice %arg7[%add3A_181, %dma_wait3A_182] : memref<80x128xi32, #tpu.memory_space<vmem>> -> memref<1x128xi32, #tpu.memory_space<vmem>>
      %dma_wait3A_184 = tpu.memref_squeeze %dma_wait3A_183 : memref<1x128xi32, #tpu.memory_space<vmem>> -> memref<128xi32, #tpu.memory_space<vmem>>
      %dma_wait3A_185 = arith.constant 0 : i32
      %dma_wait3A_186 = arith.constant 0 : i32
      %dma_wait3A_187 = tpu.memref_slice %arg6[%dma_wait3A_185, %dma_wait3A_186] : memref<10112x32xf32, #tpu.memory_space<vmem_shared>> -> memref<10112x32xf32, #tpu.memory_space<vmem_shared>>
      tpu.wait_indirect_dma semaphore(%arg9 : memref<!tpu.dma_semaphore, #tpu.memory_space<semaphore_mem>>) src(%arg8 : memref<128x32xf32, #tpu.memory_space<vmem>>) dst(%dma_wait3A_187 : memref<10112x32xf32, #tpu.memory_space<vmem_shared>>)
      %mul3A_188 = arith.constant 16 : i32
      %mul3A_189 = arith.muli %scan3A_9, %mul3A_188 : i32
      %add3A_190 = arith.constant 2 : i32
      %add3A_191 = arith.addi %mul3A_189, %add3A_190 : i32
      %dma_wait3A_192 = arith.constant 0 : i32
      %dma_wait3A_193 = tpu.memref_slice %arg7[%add3A_191, %dma_wait3A_192] : memref<80x128xi32, #tpu.memory_space<vmem>> -> memref<1x128xi32, #tpu.memory_space<vmem>>
      %dma_wait3A_194 = tpu.memref_squeeze %dma_wait3A_193 : memref<1x128xi32, #tpu.memory_space<vmem>> -> memref<128xi32, #tpu.memory_space<vmem>>
      %dma_wait3A_195 = arith.constant 0 : i32
      %dma_wait3A_196 = arith.constant 0 : i32
      %dma_wait3A_197 = tpu.memref_slice %arg6[%dma_wait3A_195, %dma_wait3A_196] : memref<10112x32xf32, #tpu.memory_space<vmem_shared>> -> memref<10112x32xf32, #tpu.memory_space<vmem_shared>>
      tpu.wait_indirect_dma semaphore(%arg9 : memref<!tpu.dma_semaphore, #tpu.memory_space<semaphore_mem>>) src(%arg8 : memref<128x32xf32, #tpu.memory_space<vmem>>) dst(%dma_wait3A_197 : memref<10112x32xf32, #tpu.memory_space<vmem_shared>>)
      %mul3A_198 = arith.constant 16 : i32
      %mul3A_199 = arith.muli %scan3A_9, %mul3A_198 : i32
      %add3A_200 = arith.constant 3 : i32
      %add3A_201 = arith.addi %mul3A_199, %add3A_200 : i32
      %dma_wait3A_202 = arith.constant 0 : i32
      %dma_wait3A_203 = tpu.memref_slice %arg7[%add3A_201, %dma_wait3A_202] : memref<80x128xi32, #tpu.memory_space<vmem>> -> memref<1x128xi32, #tpu.memory_space<vmem>>
      %dma_wait3A_204 = tpu.memref_squeeze %dma_wait3A_203 : memref<1x128xi32, #tpu.memory_space<vmem>> -> memref<128xi32, #tpu.memory_space<vmem>>
      %dma_wait3A_205 = arith.constant 0 : i32
      %dma_wait3A_206 = arith.constant 0 : i32
      %dma_wait3A_207 = tpu.memref_slice %arg6[%dma_wait3A_205, %dma_wait3A_206] : memref<10112x32xf32, #tpu.memory_space<vmem_shared>> -> memref<10112x32xf32, #tpu.memory_space<vmem_shared>>
      tpu.wait_indirect_dma semaphore(%arg9 : memref<!tpu.dma_semaphore, #tpu.memory_space<semaphore_mem>>) src(%arg8 : memref<128x32xf32, #tpu.memory_space<vmem>>) dst(%dma_wait3A_207 : memref<10112x32xf32, #tpu.memory_space<vmem_shared>>)
      %mul3A_208 = arith.constant 16 : i32
      %mul3A_209 = arith.muli %scan3A_9, %mul3A_208 : i32
      %add3A_210 = arith.constant 4 : i32
      %add3A_211 = arith.addi %mul3A_209, %add3A_210 : i32
      %dma_wait3A_212 = arith.constant 0 : i32
      %dma_wait3A_213 = tpu.memref_slice %arg7[%add3A_211, %dma_wait3A_212] : memref<80x128xi32, #tpu.memory_space<vmem>> -> memref<1x128xi32, #tpu.memory_space<vmem>>
      %dma_wait3A_214 = tpu.memref_squeeze %dma_wait3A_213 : memref<1x128xi32, #tpu.memory_space<vmem>> -> memref<128xi32, #tpu.memory_space<vmem>>
      %dma_wait3A_215 = arith.constant 0 : i32
      %dma_wait3A_216 = arith.constant 0 : i32
      %dma_wait3A_217 = tpu.memref_slice %arg6[%dma_wait3A_215, %dma_wait3A_216] : memref<10112x32xf32, #tpu.memory_space<vmem_shared>> -> memref<10112x32xf32, #tpu.memory_space<vmem_shared>>
      tpu.wait_indirect_dma semaphore(%arg9 : memref<!tpu.dma_semaphore, #tpu.memory_space<semaphore_mem>>) src(%arg8 : memref<128x32xf32, #tpu.memory_space<vmem>>) dst(%dma_wait3A_217 : memref<10112x32xf32, #tpu.memory_space<vmem_shared>>)
      %mul3A_218 = arith.constant 16 : i32
      %mul3A_219 = arith.muli %scan3A_9, %mul3A_218 : i32
      %add3A_220 = arith.constant 5 : i32
      %add3A_221 = arith.addi %mul3A_219, %add3A_220 : i32
      %dma_wait3A_222 = arith.constant 0 : i32
      %dma_wait3A_223 = tpu.memref_slice %arg7[%add3A_221, %dma_wait3A_222] : memref<80x128xi32, #tpu.memory_space<vmem>> -> memref<1x128xi32, #tpu.memory_space<vmem>>
      %dma_wait3A_224 = tpu.memref_squeeze %dma_wait3A_223 : memref<1x128xi32, #tpu.memory_space<vmem>> -> memref<128xi32, #tpu.memory_space<vmem>>
      %dma_wait3A_225 = arith.constant 0 : i32
      %dma_wait3A_226 = arith.constant 0 : i32
      %dma_wait3A_227 = tpu.memref_slice %arg6[%dma_wait3A_225, %dma_wait3A_226] : memref<10112x32xf32, #tpu.memory_space<vmem_shared>> -> memref<10112x32xf32, #tpu.memory_space<vmem_shared>>
      tpu.wait_indirect_dma semaphore(%arg9 : memref<!tpu.dma_semaphore, #tpu.memory_space<semaphore_mem>>) src(%arg8 : memref<128x32xf32, #tpu.memory_space<vmem>>) dst(%dma_wait3A_227 : memref<10112x32xf32, #tpu.memory_space<vmem_shared>>)
      %mul3A_228 = arith.constant 16 : i32
      %mul3A_229 = arith.muli %scan3A_9, %mul3A_228 : i32
      %add3A_230 = arith.constant 6 : i32
      %add3A_231 = arith.addi %mul3A_229, %add3A_230 : i32
      %dma_wait3A_232 = arith.constant 0 : i32
      %dma_wait3A_233 = tpu.memref_slice %arg7[%add3A_231, %dma_wait3A_232] : memref<80x128xi32, #tpu.memory_space<vmem>> -> memref<1x128xi32, #tpu.memory_space<vmem>>
      %dma_wait3A_234 = tpu.memref_squeeze %dma_wait3A_233 : memref<1x128xi32, #tpu.memory_space<vmem>> -> memref<128xi32, #tpu.memory_space<vmem>>
      %dma_wait3A_235 = arith.constant 0 : i32
      %dma_wait3A_236 = arith.constant 0 : i32
      %dma_wait3A_237 = tpu.memref_slice %arg6[%dma_wait3A_235, %dma_wait3A_236] : memref<10112x32xf32, #tpu.memory_space<vmem_shared>> -> memref<10112x32xf32, #tpu.memory_space<vmem_shared>>
      tpu.wait_indirect_dma semaphore(%arg9 : memref<!tpu.dma_semaphore, #tpu.memory_space<semaphore_mem>>) src(%arg8 : memref<128x32xf32, #tpu.memory_space<vmem>>) dst(%dma_wait3A_237 : memref<10112x32xf32, #tpu.memory_space<vmem_shared>>)
      %mul3A_238 = arith.constant 16 : i32
      %mul3A_239 = arith.muli %scan3A_9, %mul3A_238 : i32
      %add3A_240 = arith.constant 7 : i32
      %add3A_241 = arith.addi %mul3A_239, %add3A_240 : i32
      %dma_wait3A_242 = arith.constant 0 : i32
      %dma_wait3A_243 = tpu.memref_slice %arg7[%add3A_241, %dma_wait3A_242] : memref<80x128xi32, #tpu.memory_space<vmem>> -> memref<1x128xi32, #tpu.memory_space<vmem>>
      %dma_wait3A_244 = tpu.memref_squeeze %dma_wait3A_243 : memref<1x128xi32, #tpu.memory_space<vmem>> -> memref<128xi32, #tpu.memory_space<vmem>>
      %dma_wait3A_245 = arith.constant 0 : i32
      %dma_wait3A_246 = arith.constant 0 : i32
      %dma_wait3A_247 = tpu.memref_slice %arg6[%dma_wait3A_245, %dma_wait3A_246] : memref<10112x32xf32, #tpu.memory_space<vmem_shared>> -> memref<10112x32xf32, #tpu.memory_space<vmem_shared>>
      tpu.wait_indirect_dma semaphore(%arg9 : memref<!tpu.dma_semaphore, #tpu.memory_space<semaphore_mem>>) src(%arg8 : memref<128x32xf32, #tpu.memory_space<vmem>>) dst(%dma_wait3A_247 : memref<10112x32xf32, #tpu.memory_space<vmem_shared>>)
      %mul3A_248 = arith.constant 16 : i32
      %mul3A_249 = arith.muli %scan3A_9, %mul3A_248 : i32
      %add3A_250 = arith.constant 8 : i32
      %add3A_251 = arith.addi %mul3A_249, %add3A_250 : i32
      %dma_wait3A_252 = arith.constant 0 : i32
      %dma_wait3A_253 = tpu.memref_slice %arg7[%add3A_251, %dma_wait3A_252] : memref<80x128xi32, #tpu.memory_space<vmem>> -> memref<1x128xi32, #tpu.memory_space<vmem>>
      %dma_wait3A_254 = tpu.memref_squeeze %dma_wait3A_253 : memref<1x128xi32, #tpu.memory_space<vmem>> -> memref<128xi32, #tpu.memory_space<vmem>>
      %dma_wait3A_255 = arith.constant 0 : i32
      %dma_wait3A_256 = arith.constant 0 : i32
      %dma_wait3A_257 = tpu.memref_slice %arg6[%dma_wait3A_255, %dma_wait3A_256] : memref<10112x32xf32, #tpu.memory_space<vmem_shared>> -> memref<10112x32xf32, #tpu.memory_space<vmem_shared>>
      tpu.wait_indirect_dma semaphore(%arg9 : memref<!tpu.dma_semaphore, #tpu.memory_space<semaphore_mem>>) src(%arg8 : memref<128x32xf32, #tpu.memory_space<vmem>>) dst(%dma_wait3A_257 : memref<10112x32xf32, #tpu.memory_space<vmem_shared>>)
      %mul3A_258 = arith.constant 16 : i32
      %mul3A_259 = arith.muli %scan3A_9, %mul3A_258 : i32
      %add3A_260 = arith.constant 9 : i32
      %add3A_261 = arith.addi %mul3A_259, %add3A_260 : i32
      %dma_wait3A_262 = arith.constant 0 : i32
      %dma_wait3A_263 = tpu.memref_slice %arg7[%add3A_261, %dma_wait3A_262] : memref<80x128xi32, #tpu.memory_space<vmem>> -> memref<1x128xi32, #tpu.memory_space<vmem>>
      %dma_wait3A_264 = tpu.memref_squeeze %dma_wait3A_263 : memref<1x128xi32, #tpu.memory_space<vmem>> -> memref<128xi32, #tpu.memory_space<vmem>>
      %dma_wait3A_265 = arith.constant 0 : i32
      %dma_wait3A_266 = arith.constant 0 : i32
      %dma_wait3A_267 = tpu.memref_slice %arg6[%dma_wait3A_265, %dma_wait3A_266] : memref<10112x32xf32, #tpu.memory_space<vmem_shared>> -> memref<10112x32xf32, #tpu.memory_space<vmem_shared>>
      tpu.wait_indirect_dma semaphore(%arg9 : memref<!tpu.dma_semaphore, #tpu.memory_space<semaphore_mem>>) src(%arg8 : memref<128x32xf32, #tpu.memory_space<vmem>>) dst(%dma_wait3A_267 : memref<10112x32xf32, #tpu.memory_space<vmem_shared>>)
      %mul3A_268 = arith.constant 16 : i32
      %mul3A_269 = arith.muli %scan3A_9, %mul3A_268 : i32
      %add3A_270 = arith.constant 10 : i32
      %add3A_271 = arith.addi %mul3A_269, %add3A_270 : i32
      %dma_wait3A_272 = arith.constant 0 : i32
      %dma_wait3A_273 = tpu.memref_slice %arg7[%add3A_271, %dma_wait3A_272] : memref<80x128xi32, #tpu.memory_space<vmem>> -> memref<1x128xi32, #tpu.memory_space<vmem>>
      %dma_wait3A_274 = tpu.memref_squeeze %dma_wait3A_273 : memref<1x128xi32, #tpu.memory_space<vmem>> -> memref<128xi32, #tpu.memory_space<vmem>>
      %dma_wait3A_275 = arith.constant 0 : i32
      %dma_wait3A_276 = arith.constant 0 : i32
      %dma_wait3A_277 = tpu.memref_slice %arg6[%dma_wait3A_275, %dma_wait3A_276] : memref<10112x32xf32, #tpu.memory_space<vmem_shared>> -> memref<10112x32xf32, #tpu.memory_space<vmem_shared>>
      tpu.wait_indirect_dma semaphore(%arg9 : memref<!tpu.dma_semaphore, #tpu.memory_space<semaphore_mem>>) src(%arg8 : memref<128x32xf32, #tpu.memory_space<vmem>>) dst(%dma_wait3A_277 : memref<10112x32xf32, #tpu.memory_space<vmem_shared>>)
      %mul3A_278 = arith.constant 16 : i32
      %mul3A_279 = arith.muli %scan3A_9, %mul3A_278 : i32
      %add3A_280 = arith.constant 11 : i32
      %add3A_281 = arith.addi %mul3A_279, %add3A_280 : i32
      %dma_wait3A_282 = arith.constant 0 : i32
      %dma_wait3A_283 = tpu.memref_slice %arg7[%add3A_281, %dma_wait3A_282] : memref<80x128xi32, #tpu.memory_space<vmem>> -> memref<1x128xi32, #tpu.memory_space<vmem>>
      %dma_wait3A_284 = tpu.memref_squeeze %dma_wait3A_283 : memref<1x128xi32, #tpu.memory_space<vmem>> -> memref<128xi32, #tpu.memory_space<vmem>>
      %dma_wait3A_285 = arith.constant 0 : i32
      %dma_wait3A_286 = arith.constant 0 : i32
      %dma_wait3A_287 = tpu.memref_slice %arg6[%dma_wait3A_285, %dma_wait3A_286] : memref<10112x32xf32, #tpu.memory_space<vmem_shared>> -> memref<10112x32xf32, #tpu.memory_space<vmem_shared>>
      tpu.wait_indirect_dma semaphore(%arg9 : memref<!tpu.dma_semaphore, #tpu.memory_space<semaphore_mem>>) src(%arg8 : memref<128x32xf32, #tpu.memory_space<vmem>>) dst(%dma_wait3A_287 : memref<10112x32xf32, #tpu.memory_space<vmem_shared>>)
      %mul3A_288 = arith.constant 16 : i32
      %mul3A_289 = arith.muli %scan3A_9, %mul3A_288 : i32
      %add3A_290 = arith.constant 12 : i32
      %add3A_291 = arith.addi %mul3A_289, %add3A_290 : i32
      %dma_wait3A_292 = arith.constant 0 : i32
      %dma_wait3A_293 = tpu.memref_slice %arg7[%add3A_291, %dma_wait3A_292] : memref<80x128xi32, #tpu.memory_space<vmem>> -> memref<1x128xi32, #tpu.memory_space<vmem>>
      %dma_wait3A_294 = tpu.memref_squeeze %dma_wait3A_293 : memref<1x128xi32, #tpu.memory_space<vmem>> -> memref<128xi32, #tpu.memory_space<vmem>>
      %dma_wait3A_295 = arith.constant 0 : i32
      %dma_wait3A_296 = arith.constant 0 : i32
      %dma_wait3A_297 = tpu.memref_slice %arg6[%dma_wait3A_295, %dma_wait3A_296] : memref<10112x32xf32, #tpu.memory_space<vmem_shared>> -> memref<10112x32xf32, #tpu.memory_space<vmem_shared>>
      tpu.wait_indirect_dma semaphore(%arg9 : memref<!tpu.dma_semaphore, #tpu.memory_space<semaphore_mem>>) src(%arg8 : memref<128x32xf32, #tpu.memory_space<vmem>>) dst(%dma_wait3A_297 : memref<10112x32xf32, #tpu.memory_space<vmem_shared>>)
      %mul3A_298 = arith.constant 16 : i32
      %mul3A_299 = arith.muli %scan3A_9, %mul3A_298 : i32
      %add3A_300 = arith.constant 13 : i32
      %add3A_301 = arith.addi %mul3A_299, %add3A_300 : i32
      %dma_wait3A_302 = arith.constant 0 : i32
      %dma_wait3A_303 = tpu.memref_slice %arg7[%add3A_301, %dma_wait3A_302] : memref<80x128xi32, #tpu.memory_space<vmem>> -> memref<1x128xi32, #tpu.memory_space<vmem>>
      %dma_wait3A_304 = tpu.memref_squeeze %dma_wait3A_303 : memref<1x128xi32, #tpu.memory_space<vmem>> -> memref<128xi32, #tpu.memory_space<vmem>>
      %dma_wait3A_305 = arith.constant 0 : i32
      %dma_wait3A_306 = arith.constant 0 : i32
      %dma_wait3A_307 = tpu.memref_slice %arg6[%dma_wait3A_305, %dma_wait3A_306] : memref<10112x32xf32, #tpu.memory_space<vmem_shared>> -> memref<10112x32xf32, #tpu.memory_space<vmem_shared>>
      tpu.wait_indirect_dma semaphore(%arg9 : memref<!tpu.dma_semaphore, #tpu.memory_space<semaphore_mem>>) src(%arg8 : memref<128x32xf32, #tpu.memory_space<vmem>>) dst(%dma_wait3A_307 : memref<10112x32xf32, #tpu.memory_space<vmem_shared>>)
      %mul3A_308 = arith.constant 16 : i32
      %mul3A_309 = arith.muli %scan3A_9, %mul3A_308 : i32
      %add3A_310 = arith.constant 14 : i32
      %add3A_311 = arith.addi %mul3A_309, %add3A_310 : i32
      %dma_wait3A_312 = arith.constant 0 : i32
      %dma_wait3A_313 = tpu.memref_slice %arg7[%add3A_311, %dma_wait3A_312] : memref<80x128xi32, #tpu.memory_space<vmem>> -> memref<1x128xi32, #tpu.memory_space<vmem>>
      %dma_wait3A_314 = tpu.memref_squeeze %dma_wait3A_313 : memref<1x128xi32, #tpu.memory_space<vmem>> -> memref<128xi32, #tpu.memory_space<vmem>>
      %dma_wait3A_315 = arith.constant 0 : i32
      %dma_wait3A_316 = arith.constant 0 : i32
      %dma_wait3A_317 = tpu.memref_slice %arg6[%dma_wait3A_315, %dma_wait3A_316] : memref<10112x32xf32, #tpu.memory_space<vmem_shared>> -> memref<10112x32xf32, #tpu.memory_space<vmem_shared>>
      tpu.wait_indirect_dma semaphore(%arg9 : memref<!tpu.dma_semaphore, #tpu.memory_space<semaphore_mem>>) src(%arg8 : memref<128x32xf32, #tpu.memory_space<vmem>>) dst(%dma_wait3A_317 : memref<10112x32xf32, #tpu.memory_space<vmem_shared>>)
      %mul3A_318 = arith.constant 16 : i32
      %mul3A_319 = arith.muli %scan3A_9, %mul3A_318 : i32
      %add3A_320 = arith.constant 15 : i32
      %add3A_321 = arith.addi %mul3A_319, %add3A_320 : i32
      %dma_wait3A_322 = arith.constant 0 : i32
      %dma_wait3A_323 = tpu.memref_slice %arg7[%add3A_321, %dma_wait3A_322] : memref<80x128xi32, #tpu.memory_space<vmem>> -> memref<1x128xi32, #tpu.memory_space<vmem>>
      %dma_wait3A_324 = tpu.memref_squeeze %dma_wait3A_323 : memref<1x128xi32, #tpu.memory_space<vmem>> -> memref<128xi32, #tpu.memory_space<vmem>>
      %dma_wait3A_325 = arith.constant 0 : i32
      %dma_wait3A_326 = arith.constant 0 : i32
      %dma_wait3A_327 = tpu.memref_slice %arg6[%dma_wait3A_325, %dma_wait3A_326] : memref<10112x32xf32, #tpu.memory_space<vmem_shared>> -> memref<10112x32xf32, #tpu.memory_space<vmem_shared>>
      tpu.wait_indirect_dma semaphore(%arg9 : memref<!tpu.dma_semaphore, #tpu.memory_space<semaphore_mem>>) src(%arg8 : memref<128x32xf32, #tpu.memory_space<vmem>>) dst(%dma_wait3A_327 : memref<10112x32xf32, #tpu.memory_space<vmem_shared>>)
    }
    %scan3A_7 = arith.constant 5 : i32
    %barrier3A_8 = arith.constant 0 : index
    tpu.barrier barrier_id(%barrier3A_8)
    "tpu.region"() ({
      %run_scoped3A = tpu.sem_alloc : memref<!tpu.dma_semaphore, #tpu.memory_space<semaphore_mem>>
      %dma_start3A = arith.constant 0 : i32
      %dma_start3A_9 = tpu.memref_slice %arg5[%arg0, %mul3A_2, %dma_start3A] : memref<2x10112x32xf32, #tpu.memory_space<hbm>> -> memref<1x632x32xf32, #tpu.memory_space<hbm>>
      %dma_start3A_10 = tpu.memref_squeeze %dma_start3A_9 : memref<1x632x32xf32, #tpu.memory_space<hbm>> -> memref<632x32xf32, #tpu.memory_space<hbm>>
      %dma_start3A_11 = arith.constant 0 : i32
      %dma_start3A_12 = tpu.memref_slice %arg6[%mul3A_2, %dma_start3A_11] : memref<10112x32xf32, #tpu.memory_space<vmem_shared>> -> memref<632x32xf32, #tpu.memory_space<vmem_shared>>
      tpu.enqueue_dma source(%dma_start3A_12 : memref<632x32xf32, #tpu.memory_space<vmem_shared>>) target(%dma_start3A_10 : memref<632x32xf32, #tpu.memory_space<hbm>>) target_semaphore(%run_scoped3A : memref<!tpu.dma_semaphore, #tpu.memory_space<semaphore_mem>>)
      %dma_wait3A = arith.constant 0 : i32
      %dma_wait3A_13 = tpu.memref_slice %arg5[%arg0, %mul3A_2, %dma_wait3A] : memref<2x10112x32xf32, #tpu.memory_space<hbm>> -> memref<1x632x32xf32, #tpu.memory_space<hbm>>
      %dma_wait3A_14 = tpu.memref_squeeze %dma_wait3A_13 : memref<1x632x32xf32, #tpu.memory_space<hbm>> -> memref<632x32xf32, #tpu.memory_space<hbm>>
      %dma_wait3A_15 = arith.constant 0 : i32
      %dma_wait3A_16 = tpu.memref_slice %arg6[%mul3A_2, %dma_wait3A_15] : memref<10112x32xf32, #tpu.memory_space<vmem_shared>> -> memref<632x32xf32, #tpu.memory_space<vmem_shared>>
      tpu.wait_dma2 semaphore(%run_scoped3A : memref<!tpu.dma_semaphore, #tpu.memory_space<semaphore_mem>>) src(%dma_wait3A_16 : memref<632x32xf32, #tpu.memory_space<vmem_shared>>) dst(%dma_wait3A_14 : memref<632x32xf32, #tpu.memory_space<hbm>>)
      tpu.yield
    }) : () -> ()
    return
  }
}

#map = affine_map<(d0, d1) -> (0, 0, 0)>
#map1 = affine_map<(d0, d1) -> (0, 0)>
module attributes {stable_mosaic.version = 14 : i64} {
  func.func @_sc_push(%arg0: i32, %arg1: i32, %arg2: memref<32x80x128xi32, #tpu.memory_space<hbm>>, %arg3: memref<32x80x128xi32, #tpu.memory_space<hbm>>, %arg4: memref<10112x32xf32, #tpu.memory_space<hbm>>, %arg5: memref<10112x32xf32, #tpu.memory_space<hbm>>, %arg6: memref<2x10112x32xf32, #tpu.memory_space<hbm>>, %arg7: memref<10112x32xf32, #tpu.memory_space<vmem_shared>>, %arg8: memref<80x128xi32, #tpu.memory_space<vmem>>, %arg9: memref<80x128xi32, #tpu.memory_space<vmem>>, %arg10: memref<128x32xf32, #tpu.memory_space<vmem>>, %arg11: memref<128x32xf32, #tpu.memory_space<vmem>>, %arg12: memref<128x32xf32, #tpu.memory_space<vmem>>, %arg13: memref<128x32xf32, #tpu.memory_space<vmem>>, %arg14: memref<128x32xf32, #tpu.memory_space<vmem>>, %arg15: memref<128x32xf32, #tpu.memory_space<vmem>>, %arg16: memref<128x32xf32, #tpu.memory_space<vmem>>, %arg17: memref<128x32xf32, #tpu.memory_space<vmem>>, %arg18: memref<!tpu.dma_semaphore, #tpu.memory_space<semaphore_mem>>, %arg19: memref<!tpu.dma_semaphore, #tpu.memory_space<semaphore_mem>>, %arg20: memref<!tpu.dma_semaphore, #tpu.memory_space<semaphore_mem>>, %arg21: memref<!tpu.dma_semaphore, #tpu.memory_space<semaphore_mem>>, %arg22: memref<!tpu.dma_semaphore, #tpu.memory_space<semaphore_mem>>, %arg23: memref<!tpu.dma_semaphore, #tpu.memory_space<semaphore_mem>>, %arg24: memref<!tpu.dma_semaphore, #tpu.memory_space<semaphore_mem>>, %arg25: memref<!tpu.dma_semaphore, #tpu.memory_space<semaphore_mem>>, %arg26: memref<!tpu.dma_semaphore, #tpu.memory_space<semaphore_mem>>, %arg27: memref<!tpu.dma_semaphore, #tpu.memory_space<semaphore_mem>>, %arg28: memref<!tpu.dma_semaphore, #tpu.memory_space<semaphore_mem>>, %arg29: memref<!tpu.dma_semaphore, #tpu.memory_space<semaphore_mem>>, %arg30: memref<!tpu.dma_semaphore, #tpu.memory_space<semaphore_mem>>, %arg31: memref<!tpu.dma_semaphore, #tpu.memory_space<semaphore_mem>>, %arg32: memref<!tpu.dma_semaphore, #tpu.memory_space<semaphore_mem>>, %arg33: memref<!tpu.dma_semaphore, #tpu.memory_space<semaphore_mem>>) attributes {dimension_semantics = [#tpu.dimension_semantics<core_parallel>, #tpu.dimension_semantics<subcore_parallel>], iteration_bounds = array<i64: 2, 16>, scalar_prefetch = 0 : i64, scratch_operands = 27 : i64, tpu.core_type = #tpu.core_type<sc_vector_subcore>, window_params = [{transform_indices = #map}, {transform_indices = #map}, {transform_indices = #map1}, {transform_indices = #map1}, {transform_indices = #map}]} {
    %mul3A = arith.constant 2 : i32
    %mul3A_0 = arith.muli %arg1, %mul3A : i32
    %add3A = arith.addi %mul3A_0, %arg0 : i32
    %mul3A_1 = arith.constant 632 : i32
    %mul3A_2 = arith.muli %arg1, %mul3A_1 : i32
    "tpu.region"() ({
      %run_scoped3A = tpu.sem_alloc : memref<!tpu.dma_semaphore, #tpu.memory_space<semaphore_mem>>
      %dma_start3A_119 = arith.constant 0 : i32
      %dma_start3A_120 = tpu.memref_slice %arg7[%mul3A_2, %dma_start3A_119] : memref<10112x32xf32, #tpu.memory_space<vmem_shared>> -> memref<632x32xf32, #tpu.memory_space<vmem_shared>>
      %dma_start3A_121 = arith.constant 0 : i32
      %dma_start3A_122 = tpu.memref_slice %arg5[%mul3A_2, %dma_start3A_121] : memref<10112x32xf32, #tpu.memory_space<hbm>> -> memref<632x32xf32, #tpu.memory_space<hbm>>
      tpu.enqueue_dma source(%dma_start3A_122 : memref<632x32xf32, #tpu.memory_space<hbm>>) target(%dma_start3A_120 : memref<632x32xf32, #tpu.memory_space<vmem_shared>>) target_semaphore(%run_scoped3A : memref<!tpu.dma_semaphore, #tpu.memory_space<semaphore_mem>>)
      %dma_wait3A_123 = arith.constant 0 : i32
      %dma_wait3A_124 = tpu.memref_slice %arg7[%mul3A_2, %dma_wait3A_123] : memref<10112x32xf32, #tpu.memory_space<vmem_shared>> -> memref<632x32xf32, #tpu.memory_space<vmem_shared>>
      %dma_wait3A_125 = arith.constant 0 : i32
      %dma_wait3A_126 = tpu.memref_slice %arg5[%mul3A_2, %dma_wait3A_125] : memref<10112x32xf32, #tpu.memory_space<hbm>> -> memref<632x32xf32, #tpu.memory_space<hbm>>
      tpu.wait_dma2 semaphore(%run_scoped3A : memref<!tpu.dma_semaphore, #tpu.memory_space<semaphore_mem>>) src(%dma_wait3A_126 : memref<632x32xf32, #tpu.memory_space<hbm>>) dst(%dma_wait3A_124 : memref<632x32xf32, #tpu.memory_space<vmem_shared>>)
      tpu.yield
    }) : () -> ()
    "tpu.region"() ({
      %run_scoped3A = tpu.sem_alloc : memref<!tpu.dma_semaphore, #tpu.memory_space<semaphore_mem>>
      %dma_start3A_119 = arith.constant 0 : i32
      %dma_start3A_120 = arith.constant 0 : i32
      %dma_start3A_121 = tpu.memref_slice %arg2[%add3A, %dma_start3A_119, %dma_start3A_120] : memref<32x80x128xi32, #tpu.memory_space<hbm>> -> memref<1x80x128xi32, #tpu.memory_space<hbm>>
      %dma_start3A_122 = tpu.memref_squeeze %dma_start3A_121 : memref<1x80x128xi32, #tpu.memory_space<hbm>> -> memref<80x128xi32, #tpu.memory_space<hbm>>
      %dma_start3A_123 = arith.constant 0 : i32
      %dma_start3A_124 = arith.constant 0 : i32
      %dma_start3A_125 = tpu.memref_slice %arg2[%add3A, %dma_start3A_123, %dma_start3A_124] : memref<32x80x128xi32, #tpu.memory_space<hbm>> -> memref<1x80x128xi32, #tpu.memory_space<hbm>>
      %dma_start3A_126 = tpu.memref_squeeze %dma_start3A_125 : memref<1x80x128xi32, #tpu.memory_space<hbm>> -> memref<80x128xi32, #tpu.memory_space<hbm>>
      tpu.enqueue_dma source(%dma_start3A_126 : memref<80x128xi32, #tpu.memory_space<hbm>>) target(%arg8 : memref<80x128xi32, #tpu.memory_space<vmem>>) target_semaphore(%run_scoped3A : memref<!tpu.dma_semaphore, #tpu.memory_space<semaphore_mem>>)
      %dma_wait3A_127 = arith.constant 0 : i32
      %dma_wait3A_128 = arith.constant 0 : i32
      %dma_wait3A_129 = tpu.memref_slice %arg2[%add3A, %dma_wait3A_127, %dma_wait3A_128] : memref<32x80x128xi32, #tpu.memory_space<hbm>> -> memref<1x80x128xi32, #tpu.memory_space<hbm>>
      %dma_wait3A_130 = tpu.memref_squeeze %dma_wait3A_129 : memref<1x80x128xi32, #tpu.memory_space<hbm>> -> memref<80x128xi32, #tpu.memory_space<hbm>>
      %dma_wait3A_131 = arith.constant 0 : i32
      %dma_wait3A_132 = arith.constant 0 : i32
      %dma_wait3A_133 = tpu.memref_slice %arg2[%add3A, %dma_wait3A_131, %dma_wait3A_132] : memref<32x80x128xi32, #tpu.memory_space<hbm>> -> memref<1x80x128xi32, #tpu.memory_space<hbm>>
      %dma_wait3A_134 = tpu.memref_squeeze %dma_wait3A_133 : memref<1x80x128xi32, #tpu.memory_space<hbm>> -> memref<80x128xi32, #tpu.memory_space<hbm>>
      tpu.wait_dma2 semaphore(%run_scoped3A : memref<!tpu.dma_semaphore, #tpu.memory_space<semaphore_mem>>) src(%dma_wait3A_134 : memref<80x128xi32, #tpu.memory_space<hbm>>) dst(%arg8 : memref<80x128xi32, #tpu.memory_space<vmem>>)
      tpu.yield
    }) : () -> ()
    "tpu.region"() ({
      %run_scoped3A = tpu.sem_alloc : memref<!tpu.dma_semaphore, #tpu.memory_space<semaphore_mem>>
      %dma_start3A_119 = arith.constant 0 : i32
      %dma_start3A_120 = arith.constant 0 : i32
      %dma_start3A_121 = tpu.memref_slice %arg3[%add3A, %dma_start3A_119, %dma_start3A_120] : memref<32x80x128xi32, #tpu.memory_space<hbm>> -> memref<1x80x128xi32, #tpu.memory_space<hbm>>
      %dma_start3A_122 = tpu.memref_squeeze %dma_start3A_121 : memref<1x80x128xi32, #tpu.memory_space<hbm>> -> memref<80x128xi32, #tpu.memory_space<hbm>>
      %dma_start3A_123 = arith.constant 0 : i32
      %dma_start3A_124 = arith.constant 0 : i32
      %dma_start3A_125 = tpu.memref_slice %arg3[%add3A, %dma_start3A_123, %dma_start3A_124] : memref<32x80x128xi32, #tpu.memory_space<hbm>> -> memref<1x80x128xi32, #tpu.memory_space<hbm>>
      %dma_start3A_126 = tpu.memref_squeeze %dma_start3A_125 : memref<1x80x128xi32, #tpu.memory_space<hbm>> -> memref<80x128xi32, #tpu.memory_space<hbm>>
      tpu.enqueue_dma source(%dma_start3A_126 : memref<80x128xi32, #tpu.memory_space<hbm>>) target(%arg9 : memref<80x128xi32, #tpu.memory_space<vmem>>) target_semaphore(%run_scoped3A : memref<!tpu.dma_semaphore, #tpu.memory_space<semaphore_mem>>)
      %dma_wait3A_127 = arith.constant 0 : i32
      %dma_wait3A_128 = arith.constant 0 : i32
      %dma_wait3A_129 = tpu.memref_slice %arg3[%add3A, %dma_wait3A_127, %dma_wait3A_128] : memref<32x80x128xi32, #tpu.memory_space<hbm>> -> memref<1x80x128xi32, #tpu.memory_space<hbm>>
      %dma_wait3A_130 = tpu.memref_squeeze %dma_wait3A_129 : memref<1x80x128xi32, #tpu.memory_space<hbm>> -> memref<80x128xi32, #tpu.memory_space<hbm>>
      %dma_wait3A_131 = arith.constant 0 : i32
      %dma_wait3A_132 = arith.constant 0 : i32
      %dma_wait3A_133 = tpu.memref_slice %arg3[%add3A, %dma_wait3A_131, %dma_wait3A_132] : memref<32x80x128xi32, #tpu.memory_space<hbm>> -> memref<1x80x128xi32, #tpu.memory_space<hbm>>
      %dma_wait3A_134 = tpu.memref_squeeze %dma_wait3A_133 : memref<1x80x128xi32, #tpu.memory_space<hbm>> -> memref<80x128xi32, #tpu.memory_space<hbm>>
      tpu.wait_dma2 semaphore(%run_scoped3A : memref<!tpu.dma_semaphore, #tpu.memory_space<semaphore_mem>>) src(%dma_wait3A_134 : memref<80x128xi32, #tpu.memory_space<hbm>>) dst(%arg9 : memref<80x128xi32, #tpu.memory_space<vmem>>)
      tpu.yield
    }) : () -> ()
    %barrier3A = arith.constant 0 : index
    tpu.barrier barrier_id(%barrier3A)
    %dma_start3A = arith.constant 0 : i32
    %dma_start3A_3 = arith.constant 0 : i32
    %dma_start3A_4 = tpu.memref_slice %arg8[%dma_start3A, %dma_start3A_3] : memref<80x128xi32, #tpu.memory_space<vmem>> -> memref<1x128xi32, #tpu.memory_space<vmem>>
    %dma_start3A_5 = tpu.memref_squeeze %dma_start3A_4 : memref<1x128xi32, #tpu.memory_space<vmem>> -> memref<128xi32, #tpu.memory_space<vmem>>
    %dma_start3A_6 = arith.constant 0 : i32
    %dma_start3A_7 = arith.constant 0 : i32
    %dma_start3A_8 = tpu.memref_slice %arg4[%dma_start3A_6, %dma_start3A_7] : memref<10112x32xf32, #tpu.memory_space<hbm>> -> memref<10112x32xf32, #tpu.memory_space<hbm>>
    tpu.enqueue_indirect_dma source(%dma_start3A_8 : memref<10112x32xf32, #tpu.memory_space<hbm>>) target(%arg10 : memref<128x32xf32, #tpu.memory_space<vmem>>) offsets(%dma_start3A_5 : memref<128xi32, #tpu.memory_space<vmem>>) semaphore(%arg18 : memref<!tpu.dma_semaphore, #tpu.memory_space<semaphore_mem>>)
    %dma_start3A_9 = arith.constant 1 : i32
    %dma_start3A_10 = arith.constant 0 : i32
    %dma_start3A_11 = tpu.memref_slice %arg8[%dma_start3A_9, %dma_start3A_10] : memref<80x128xi32, #tpu.memory_space<vmem>> -> memref<1x128xi32, #tpu.memory_space<vmem>>
    %dma_start3A_12 = tpu.memref_squeeze %dma_start3A_11 : memref<1x128xi32, #tpu.memory_space<vmem>> -> memref<128xi32, #tpu.memory_space<vmem>>
    %dma_start3A_13 = arith.constant 0 : i32
    %dma_start3A_14 = arith.constant 0 : i32
    %dma_start3A_15 = tpu.memref_slice %arg4[%dma_start3A_13, %dma_start3A_14] : memref<10112x32xf32, #tpu.memory_space<hbm>> -> memref<10112x32xf32, #tpu.memory_space<hbm>>
    tpu.enqueue_indirect_dma source(%dma_start3A_15 : memref<10112x32xf32, #tpu.memory_space<hbm>>) target(%arg11 : memref<128x32xf32, #tpu.memory_space<vmem>>) offsets(%dma_start3A_12 : memref<128xi32, #tpu.memory_space<vmem>>) semaphore(%arg19 : memref<!tpu.dma_semaphore, #tpu.memory_space<semaphore_mem>>)
    %dma_start3A_16 = arith.constant 2 : i32
    %dma_start3A_17 = arith.constant 0 : i32
    %dma_start3A_18 = tpu.memref_slice %arg8[%dma_start3A_16, %dma_start3A_17] : memref<80x128xi32, #tpu.memory_space<vmem>> -> memref<1x128xi32, #tpu.memory_space<vmem>>
    %dma_start3A_19 = tpu.memref_squeeze %dma_start3A_18 : memref<1x128xi32, #tpu.memory_space<vmem>> -> memref<128xi32, #tpu.memory_space<vmem>>
    %dma_start3A_20 = arith.constant 0 : i32
    %dma_start3A_21 = arith.constant 0 : i32
    %dma_start3A_22 = tpu.memref_slice %arg4[%dma_start3A_20, %dma_start3A_21] : memref<10112x32xf32, #tpu.memory_space<hbm>> -> memref<10112x32xf32, #tpu.memory_space<hbm>>
    tpu.enqueue_indirect_dma source(%dma_start3A_22 : memref<10112x32xf32, #tpu.memory_space<hbm>>) target(%arg12 : memref<128x32xf32, #tpu.memory_space<vmem>>) offsets(%dma_start3A_19 : memref<128xi32, #tpu.memory_space<vmem>>) semaphore(%arg20 : memref<!tpu.dma_semaphore, #tpu.memory_space<semaphore_mem>>)
    %dma_start3A_23 = arith.constant 3 : i32
    %dma_start3A_24 = arith.constant 0 : i32
    %dma_start3A_25 = tpu.memref_slice %arg8[%dma_start3A_23, %dma_start3A_24] : memref<80x128xi32, #tpu.memory_space<vmem>> -> memref<1x128xi32, #tpu.memory_space<vmem>>
    %dma_start3A_26 = tpu.memref_squeeze %dma_start3A_25 : memref<1x128xi32, #tpu.memory_space<vmem>> -> memref<128xi32, #tpu.memory_space<vmem>>
    %dma_start3A_27 = arith.constant 0 : i32
    %dma_start3A_28 = arith.constant 0 : i32
    %dma_start3A_29 = tpu.memref_slice %arg4[%dma_start3A_27, %dma_start3A_28] : memref<10112x32xf32, #tpu.memory_space<hbm>> -> memref<10112x32xf32, #tpu.memory_space<hbm>>
    tpu.enqueue_indirect_dma source(%dma_start3A_29 : memref<10112x32xf32, #tpu.memory_space<hbm>>) target(%arg13 : memref<128x32xf32, #tpu.memory_space<vmem>>) offsets(%dma_start3A_26 : memref<128xi32, #tpu.memory_space<vmem>>) semaphore(%arg21 : memref<!tpu.dma_semaphore, #tpu.memory_space<semaphore_mem>>)
    %dma_start3A_30 = arith.constant 4 : i32
    %dma_start3A_31 = arith.constant 0 : i32
    %dma_start3A_32 = tpu.memref_slice %arg8[%dma_start3A_30, %dma_start3A_31] : memref<80x128xi32, #tpu.memory_space<vmem>> -> memref<1x128xi32, #tpu.memory_space<vmem>>
    %dma_start3A_33 = tpu.memref_squeeze %dma_start3A_32 : memref<1x128xi32, #tpu.memory_space<vmem>> -> memref<128xi32, #tpu.memory_space<vmem>>
    %dma_start3A_34 = arith.constant 0 : i32
    %dma_start3A_35 = arith.constant 0 : i32
    %dma_start3A_36 = tpu.memref_slice %arg4[%dma_start3A_34, %dma_start3A_35] : memref<10112x32xf32, #tpu.memory_space<hbm>> -> memref<10112x32xf32, #tpu.memory_space<hbm>>
    tpu.enqueue_indirect_dma source(%dma_start3A_36 : memref<10112x32xf32, #tpu.memory_space<hbm>>) target(%arg14 : memref<128x32xf32, #tpu.memory_space<vmem>>) offsets(%dma_start3A_33 : memref<128xi32, #tpu.memory_space<vmem>>) semaphore(%arg22 : memref<!tpu.dma_semaphore, #tpu.memory_space<semaphore_mem>>)
    %dma_start3A_37 = arith.constant 5 : i32
    %dma_start3A_38 = arith.constant 0 : i32
    %dma_start3A_39 = tpu.memref_slice %arg8[%dma_start3A_37, %dma_start3A_38] : memref<80x128xi32, #tpu.memory_space<vmem>> -> memref<1x128xi32, #tpu.memory_space<vmem>>
    %dma_start3A_40 = tpu.memref_squeeze %dma_start3A_39 : memref<1x128xi32, #tpu.memory_space<vmem>> -> memref<128xi32, #tpu.memory_space<vmem>>
    %dma_start3A_41 = arith.constant 0 : i32
    %dma_start3A_42 = arith.constant 0 : i32
    %dma_start3A_43 = tpu.memref_slice %arg4[%dma_start3A_41, %dma_start3A_42] : memref<10112x32xf32, #tpu.memory_space<hbm>> -> memref<10112x32xf32, #tpu.memory_space<hbm>>
    tpu.enqueue_indirect_dma source(%dma_start3A_43 : memref<10112x32xf32, #tpu.memory_space<hbm>>) target(%arg15 : memref<128x32xf32, #tpu.memory_space<vmem>>) offsets(%dma_start3A_40 : memref<128xi32, #tpu.memory_space<vmem>>) semaphore(%arg23 : memref<!tpu.dma_semaphore, #tpu.memory_space<semaphore_mem>>)
    %dma_start3A_44 = arith.constant 6 : i32
    %dma_start3A_45 = arith.constant 0 : i32
    %dma_start3A_46 = tpu.memref_slice %arg8[%dma_start3A_44, %dma_start3A_45] : memref<80x128xi32, #tpu.memory_space<vmem>> -> memref<1x128xi32, #tpu.memory_space<vmem>>
    %dma_start3A_47 = tpu.memref_squeeze %dma_start3A_46 : memref<1x128xi32, #tpu.memory_space<vmem>> -> memref<128xi32, #tpu.memory_space<vmem>>
    %dma_start3A_48 = arith.constant 0 : i32
    %dma_start3A_49 = arith.constant 0 : i32
    %dma_start3A_50 = tpu.memref_slice %arg4[%dma_start3A_48, %dma_start3A_49] : memref<10112x32xf32, #tpu.memory_space<hbm>> -> memref<10112x32xf32, #tpu.memory_space<hbm>>
    tpu.enqueue_indirect_dma source(%dma_start3A_50 : memref<10112x32xf32, #tpu.memory_space<hbm>>) target(%arg16 : memref<128x32xf32, #tpu.memory_space<vmem>>) offsets(%dma_start3A_47 : memref<128xi32, #tpu.memory_space<vmem>>) semaphore(%arg24 : memref<!tpu.dma_semaphore, #tpu.memory_space<semaphore_mem>>)
    %dma_start3A_51 = arith.constant 7 : i32
    %dma_start3A_52 = arith.constant 0 : i32
    %dma_start3A_53 = tpu.memref_slice %arg8[%dma_start3A_51, %dma_start3A_52] : memref<80x128xi32, #tpu.memory_space<vmem>> -> memref<1x128xi32, #tpu.memory_space<vmem>>
    %dma_start3A_54 = tpu.memref_squeeze %dma_start3A_53 : memref<1x128xi32, #tpu.memory_space<vmem>> -> memref<128xi32, #tpu.memory_space<vmem>>
    %dma_start3A_55 = arith.constant 0 : i32
    %dma_start3A_56 = arith.constant 0 : i32
    %dma_start3A_57 = tpu.memref_slice %arg4[%dma_start3A_55, %dma_start3A_56] : memref<10112x32xf32, #tpu.memory_space<hbm>> -> memref<10112x32xf32, #tpu.memory_space<hbm>>
    tpu.enqueue_indirect_dma source(%dma_start3A_57 : memref<10112x32xf32, #tpu.memory_space<hbm>>) target(%arg17 : memref<128x32xf32, #tpu.memory_space<vmem>>) offsets(%dma_start3A_54 : memref<128xi32, #tpu.memory_space<vmem>>) semaphore(%arg25 : memref<!tpu.dma_semaphore, #tpu.memory_space<semaphore_mem>>)
    %scan3A = arith.constant 0 : i32
    %scan3A_58 = arith.constant 0 : i32
    %scan3A_59 = arith.constant 10 : i32
    %scan3A_60 = arith.addi %scan3A_58, %scan3A_59 : i32
    %scan3A_61 = arith.constant 1 : i32
    scf.for %scan3A_119 = %scan3A_58 to %scan3A_60 step %scan3A_61  : i32 {
      %mul3A_120 = arith.constant 8 : i32
      %mul3A_121 = arith.muli %scan3A_119, %mul3A_120 : i32
      %add3A_122 = arith.constant 0 : i32
      %add3A_123 = arith.addi %mul3A_121, %add3A_122 : i32
      %dma_wait3A_124 = arith.constant 0 : i32
      %dma_wait3A_125 = tpu.memref_slice %arg8[%add3A_123, %dma_wait3A_124] : memref<80x128xi32, #tpu.memory_space<vmem>> -> memref<1x128xi32, #tpu.memory_space<vmem>>
      %dma_wait3A_126 = tpu.memref_squeeze %dma_wait3A_125 : memref<1x128xi32, #tpu.memory_space<vmem>> -> memref<128xi32, #tpu.memory_space<vmem>>
      %dma_wait3A_127 = arith.constant 0 : i32
      %dma_wait3A_128 = arith.constant 0 : i32
      %dma_wait3A_129 = tpu.memref_slice %arg4[%dma_wait3A_127, %dma_wait3A_128] : memref<10112x32xf32, #tpu.memory_space<hbm>> -> memref<10112x32xf32, #tpu.memory_space<hbm>>
      tpu.wait_indirect_dma semaphore(%arg18 : memref<!tpu.dma_semaphore, #tpu.memory_space<semaphore_mem>>) src(%dma_wait3A_129 : memref<10112x32xf32, #tpu.memory_space<hbm>>) dst(%arg10 : memref<128x32xf32, #tpu.memory_space<vmem>>)
      %dma_start3A_130 = arith.constant 0 : i32
      %dma_start3A_131 = tpu.memref_slice %arg9[%add3A_123, %dma_start3A_130] : memref<80x128xi32, #tpu.memory_space<vmem>> -> memref<1x128xi32, #tpu.memory_space<vmem>>
      %dma_start3A_132 = tpu.memref_squeeze %dma_start3A_131 : memref<1x128xi32, #tpu.memory_space<vmem>> -> memref<128xi32, #tpu.memory_space<vmem>>
      %dma_start3A_133 = arith.constant 0 : i32
      %dma_start3A_134 = arith.constant 0 : i32
      %dma_start3A_135 = tpu.memref_slice %arg7[%dma_start3A_133, %dma_start3A_134] : memref<10112x32xf32, #tpu.memory_space<vmem_shared>> -> memref<10112x32xf32, #tpu.memory_space<vmem_shared>>
      tpu.enqueue_indirect_dma source(%arg10 : memref<128x32xf32, #tpu.memory_space<vmem>>) target(%dma_start3A_135 : memref<10112x32xf32, #tpu.memory_space<vmem_shared>>) offsets(%dma_start3A_132 : memref<128xi32, #tpu.memory_space<vmem>>) semaphore(%arg26 : memref<!tpu.dma_semaphore, #tpu.memory_space<semaphore_mem>>) {add = true}
      %add3A_136 = arith.constant 8 : i32
      %add3A_137 = arith.addi %add3A_123, %add3A_136 : i32
      %lt3A = arith.constant 80 : i32
      %lt3A_138 = arith.cmpi slt, %add3A_137, %lt3A : i32
      %convert_element_type3A = arith.extui %lt3A_138 : i1 to i32
      %cond3A = arith.constant 0 : i32
      %cond3A_139 = arith.cmpi ne, %convert_element_type3A, %cond3A : i32
      scf.if %cond3A_139 {
        %dma_wait3A_301 = arith.constant 0 : i32
        %dma_wait3A_302 = tpu.memref_slice %arg9[%add3A_123, %dma_wait3A_301] : memref<80x128xi32, #tpu.memory_space<vmem>> -> memref<1x128xi32, #tpu.memory_space<vmem>>
        %dma_wait3A_303 = tpu.memref_squeeze %dma_wait3A_302 : memref<1x128xi32, #tpu.memory_space<vmem>> -> memref<128xi32, #tpu.memory_space<vmem>>
        %dma_wait3A_304 = arith.constant 0 : i32
        %dma_wait3A_305 = arith.constant 0 : i32
        %dma_wait3A_306 = tpu.memref_slice %arg7[%dma_wait3A_304, %dma_wait3A_305] : memref<10112x32xf32, #tpu.memory_space<vmem_shared>> -> memref<10112x32xf32, #tpu.memory_space<vmem_shared>>
        tpu.wait_indirect_dma semaphore(%arg26 : memref<!tpu.dma_semaphore, #tpu.memory_space<semaphore_mem>>) src(%arg10 : memref<128x32xf32, #tpu.memory_space<vmem>>) dst(%dma_wait3A_306 : memref<10112x32xf32, #tpu.memory_space<vmem_shared>>)
        %dma_start3A_307 = arith.constant 0 : i32
        %dma_start3A_308 = tpu.memref_slice %arg8[%add3A_137, %dma_start3A_307] : memref<80x128xi32, #tpu.memory_space<vmem>> -> memref<1x128xi32, #tpu.memory_space<vmem>>
        %dma_start3A_309 = tpu.memref_squeeze %dma_start3A_308 : memref<1x128xi32, #tpu.memory_space<vmem>> -> memref<128xi32, #tpu.memory_space<vmem>>
        %dma_start3A_310 = arith.constant 0 : i32
        %dma_start3A_311 = arith.constant 0 : i32
        %dma_start3A_312 = tpu.memref_slice %arg4[%dma_start3A_310, %dma_start3A_311] : memref<10112x32xf32, #tpu.memory_space<hbm>> -> memref<10112x32xf32, #tpu.memory_space<hbm>>
        tpu.enqueue_indirect_dma source(%dma_start3A_312 : memref<10112x32xf32, #tpu.memory_space<hbm>>) target(%arg10 : memref<128x32xf32, #tpu.memory_space<vmem>>) offsets(%dma_start3A_309 : memref<128xi32, #tpu.memory_space<vmem>>) semaphore(%arg18 : memref<!tpu.dma_semaphore, #tpu.memory_space<semaphore_mem>>)
      } else {
      }
      %mul3A_140 = arith.constant 8 : i32
      %mul3A_141 = arith.muli %scan3A_119, %mul3A_140 : i32
      %add3A_142 = arith.constant 1 : i32
      %add3A_143 = arith.addi %mul3A_141, %add3A_142 : i32
      %dma_wait3A_144 = arith.constant 0 : i32
      %dma_wait3A_145 = tpu.memref_slice %arg8[%add3A_143, %dma_wait3A_144] : memref<80x128xi32, #tpu.memory_space<vmem>> -> memref<1x128xi32, #tpu.memory_space<vmem>>
      %dma_wait3A_146 = tpu.memref_squeeze %dma_wait3A_145 : memref<1x128xi32, #tpu.memory_space<vmem>> -> memref<128xi32, #tpu.memory_space<vmem>>
      %dma_wait3A_147 = arith.constant 0 : i32
      %dma_wait3A_148 = arith.constant 0 : i32
      %dma_wait3A_149 = tpu.memref_slice %arg4[%dma_wait3A_147, %dma_wait3A_148] : memref<10112x32xf32, #tpu.memory_space<hbm>> -> memref<10112x32xf32, #tpu.memory_space<hbm>>
      tpu.wait_indirect_dma semaphore(%arg19 : memref<!tpu.dma_semaphore, #tpu.memory_space<semaphore_mem>>) src(%dma_wait3A_149 : memref<10112x32xf32, #tpu.memory_space<hbm>>) dst(%arg11 : memref<128x32xf32, #tpu.memory_space<vmem>>)
      %dma_start3A_150 = arith.constant 0 : i32
      %dma_start3A_151 = tpu.memref_slice %arg9[%add3A_143, %dma_start3A_150] : memref<80x128xi32, #tpu.memory_space<vmem>> -> memref<1x128xi32, #tpu.memory_space<vmem>>
      %dma_start3A_152 = tpu.memref_squeeze %dma_start3A_151 : memref<1x128xi32, #tpu.memory_space<vmem>> -> memref<128xi32, #tpu.memory_space<vmem>>
      %dma_start3A_153 = arith.constant 0 : i32
      %dma_start3A_154 = arith.constant 0 : i32
      %dma_start3A_155 = tpu.memref_slice %arg7[%dma_start3A_153, %dma_start3A_154] : memref<10112x32xf32, #tpu.memory_space<vmem_shared>> -> memref<10112x32xf32, #tpu.memory_space<vmem_shared>>
      tpu.enqueue_indirect_dma source(%arg11 : memref<128x32xf32, #tpu.memory_space<vmem>>) target(%dma_start3A_155 : memref<10112x32xf32, #tpu.memory_space<vmem_shared>>) offsets(%dma_start3A_152 : memref<128xi32, #tpu.memory_space<vmem>>) semaphore(%arg27 : memref<!tpu.dma_semaphore, #tpu.memory_space<semaphore_mem>>) {add = true}
      %add3A_156 = arith.constant 8 : i32
      %add3A_157 = arith.addi %add3A_143, %add3A_156 : i32
      %lt3A_158 = arith.constant 80 : i32
      %lt3A_159 = arith.cmpi slt, %add3A_157, %lt3A_158 : i32
      %convert_element_type3A_160 = arith.extui %lt3A_159 : i1 to i32
      %cond3A_161 = arith.constant 0 : i32
      %cond3A_162 = arith.cmpi ne, %convert_element_type3A_160, %cond3A_161 : i32
      scf.if %cond3A_162 {
        %dma_wait3A_301 = arith.constant 0 : i32
        %dma_wait3A_302 = tpu.memref_slice %arg9[%add3A_143, %dma_wait3A_301] : memref<80x128xi32, #tpu.memory_space<vmem>> -> memref<1x128xi32, #tpu.memory_space<vmem>>
        %dma_wait3A_303 = tpu.memref_squeeze %dma_wait3A_302 : memref<1x128xi32, #tpu.memory_space<vmem>> -> memref<128xi32, #tpu.memory_space<vmem>>
        %dma_wait3A_304 = arith.constant 0 : i32
        %dma_wait3A_305 = arith.constant 0 : i32
        %dma_wait3A_306 = tpu.memref_slice %arg7[%dma_wait3A_304, %dma_wait3A_305] : memref<10112x32xf32, #tpu.memory_space<vmem_shared>> -> memref<10112x32xf32, #tpu.memory_space<vmem_shared>>
        tpu.wait_indirect_dma semaphore(%arg27 : memref<!tpu.dma_semaphore, #tpu.memory_space<semaphore_mem>>) src(%arg11 : memref<128x32xf32, #tpu.memory_space<vmem>>) dst(%dma_wait3A_306 : memref<10112x32xf32, #tpu.memory_space<vmem_shared>>)
        %dma_start3A_307 = arith.constant 0 : i32
        %dma_start3A_308 = tpu.memref_slice %arg8[%add3A_157, %dma_start3A_307] : memref<80x128xi32, #tpu.memory_space<vmem>> -> memref<1x128xi32, #tpu.memory_space<vmem>>
        %dma_start3A_309 = tpu.memref_squeeze %dma_start3A_308 : memref<1x128xi32, #tpu.memory_space<vmem>> -> memref<128xi32, #tpu.memory_space<vmem>>
        %dma_start3A_310 = arith.constant 0 : i32
        %dma_start3A_311 = arith.constant 0 : i32
        %dma_start3A_312 = tpu.memref_slice %arg4[%dma_start3A_310, %dma_start3A_311] : memref<10112x32xf32, #tpu.memory_space<hbm>> -> memref<10112x32xf32, #tpu.memory_space<hbm>>
        tpu.enqueue_indirect_dma source(%dma_start3A_312 : memref<10112x32xf32, #tpu.memory_space<hbm>>) target(%arg11 : memref<128x32xf32, #tpu.memory_space<vmem>>) offsets(%dma_start3A_309 : memref<128xi32, #tpu.memory_space<vmem>>) semaphore(%arg19 : memref<!tpu.dma_semaphore, #tpu.memory_space<semaphore_mem>>)
      } else {
      }
      %mul3A_163 = arith.constant 8 : i32
      %mul3A_164 = arith.muli %scan3A_119, %mul3A_163 : i32
      %add3A_165 = arith.constant 2 : i32
      %add3A_166 = arith.addi %mul3A_164, %add3A_165 : i32
      %dma_wait3A_167 = arith.constant 0 : i32
      %dma_wait3A_168 = tpu.memref_slice %arg8[%add3A_166, %dma_wait3A_167] : memref<80x128xi32, #tpu.memory_space<vmem>> -> memref<1x128xi32, #tpu.memory_space<vmem>>
      %dma_wait3A_169 = tpu.memref_squeeze %dma_wait3A_168 : memref<1x128xi32, #tpu.memory_space<vmem>> -> memref<128xi32, #tpu.memory_space<vmem>>
      %dma_wait3A_170 = arith.constant 0 : i32
      %dma_wait3A_171 = arith.constant 0 : i32
      %dma_wait3A_172 = tpu.memref_slice %arg4[%dma_wait3A_170, %dma_wait3A_171] : memref<10112x32xf32, #tpu.memory_space<hbm>> -> memref<10112x32xf32, #tpu.memory_space<hbm>>
      tpu.wait_indirect_dma semaphore(%arg20 : memref<!tpu.dma_semaphore, #tpu.memory_space<semaphore_mem>>) src(%dma_wait3A_172 : memref<10112x32xf32, #tpu.memory_space<hbm>>) dst(%arg12 : memref<128x32xf32, #tpu.memory_space<vmem>>)
      %dma_start3A_173 = arith.constant 0 : i32
      %dma_start3A_174 = tpu.memref_slice %arg9[%add3A_166, %dma_start3A_173] : memref<80x128xi32, #tpu.memory_space<vmem>> -> memref<1x128xi32, #tpu.memory_space<vmem>>
      %dma_start3A_175 = tpu.memref_squeeze %dma_start3A_174 : memref<1x128xi32, #tpu.memory_space<vmem>> -> memref<128xi32, #tpu.memory_space<vmem>>
      %dma_start3A_176 = arith.constant 0 : i32
      %dma_start3A_177 = arith.constant 0 : i32
      %dma_start3A_178 = tpu.memref_slice %arg7[%dma_start3A_176, %dma_start3A_177] : memref<10112x32xf32, #tpu.memory_space<vmem_shared>> -> memref<10112x32xf32, #tpu.memory_space<vmem_shared>>
      tpu.enqueue_indirect_dma source(%arg12 : memref<128x32xf32, #tpu.memory_space<vmem>>) target(%dma_start3A_178 : memref<10112x32xf32, #tpu.memory_space<vmem_shared>>) offsets(%dma_start3A_175 : memref<128xi32, #tpu.memory_space<vmem>>) semaphore(%arg28 : memref<!tpu.dma_semaphore, #tpu.memory_space<semaphore_mem>>) {add = true}
      %add3A_179 = arith.constant 8 : i32
      %add3A_180 = arith.addi %add3A_166, %add3A_179 : i32
      %lt3A_181 = arith.constant 80 : i32
      %lt3A_182 = arith.cmpi slt, %add3A_180, %lt3A_181 : i32
      %convert_element_type3A_183 = arith.extui %lt3A_182 : i1 to i32
      %cond3A_184 = arith.constant 0 : i32
      %cond3A_185 = arith.cmpi ne, %convert_element_type3A_183, %cond3A_184 : i32
      scf.if %cond3A_185 {
        %dma_wait3A_301 = arith.constant 0 : i32
        %dma_wait3A_302 = tpu.memref_slice %arg9[%add3A_166, %dma_wait3A_301] : memref<80x128xi32, #tpu.memory_space<vmem>> -> memref<1x128xi32, #tpu.memory_space<vmem>>
        %dma_wait3A_303 = tpu.memref_squeeze %dma_wait3A_302 : memref<1x128xi32, #tpu.memory_space<vmem>> -> memref<128xi32, #tpu.memory_space<vmem>>
        %dma_wait3A_304 = arith.constant 0 : i32
        %dma_wait3A_305 = arith.constant 0 : i32
        %dma_wait3A_306 = tpu.memref_slice %arg7[%dma_wait3A_304, %dma_wait3A_305] : memref<10112x32xf32, #tpu.memory_space<vmem_shared>> -> memref<10112x32xf32, #tpu.memory_space<vmem_shared>>
        tpu.wait_indirect_dma semaphore(%arg28 : memref<!tpu.dma_semaphore, #tpu.memory_space<semaphore_mem>>) src(%arg12 : memref<128x32xf32, #tpu.memory_space<vmem>>) dst(%dma_wait3A_306 : memref<10112x32xf32, #tpu.memory_space<vmem_shared>>)
        %dma_start3A_307 = arith.constant 0 : i32
        %dma_start3A_308 = tpu.memref_slice %arg8[%add3A_180, %dma_start3A_307] : memref<80x128xi32, #tpu.memory_space<vmem>> -> memref<1x128xi32, #tpu.memory_space<vmem>>
        %dma_start3A_309 = tpu.memref_squeeze %dma_start3A_308 : memref<1x128xi32, #tpu.memory_space<vmem>> -> memref<128xi32, #tpu.memory_space<vmem>>
        %dma_start3A_310 = arith.constant 0 : i32
        %dma_start3A_311 = arith.constant 0 : i32
        %dma_start3A_312 = tpu.memref_slice %arg4[%dma_start3A_310, %dma_start3A_311] : memref<10112x32xf32, #tpu.memory_space<hbm>> -> memref<10112x32xf32, #tpu.memory_space<hbm>>
        tpu.enqueue_indirect_dma source(%dma_start3A_312 : memref<10112x32xf32, #tpu.memory_space<hbm>>) target(%arg12 : memref<128x32xf32, #tpu.memory_space<vmem>>) offsets(%dma_start3A_309 : memref<128xi32, #tpu.memory_space<vmem>>) semaphore(%arg20 : memref<!tpu.dma_semaphore, #tpu.memory_space<semaphore_mem>>)
      } else {
      }
      %mul3A_186 = arith.constant 8 : i32
      %mul3A_187 = arith.muli %scan3A_119, %mul3A_186 : i32
      %add3A_188 = arith.constant 3 : i32
      %add3A_189 = arith.addi %mul3A_187, %add3A_188 : i32
      %dma_wait3A_190 = arith.constant 0 : i32
      %dma_wait3A_191 = tpu.memref_slice %arg8[%add3A_189, %dma_wait3A_190] : memref<80x128xi32, #tpu.memory_space<vmem>> -> memref<1x128xi32, #tpu.memory_space<vmem>>
      %dma_wait3A_192 = tpu.memref_squeeze %dma_wait3A_191 : memref<1x128xi32, #tpu.memory_space<vmem>> -> memref<128xi32, #tpu.memory_space<vmem>>
      %dma_wait3A_193 = arith.constant 0 : i32
      %dma_wait3A_194 = arith.constant 0 : i32
      %dma_wait3A_195 = tpu.memref_slice %arg4[%dma_wait3A_193, %dma_wait3A_194] : memref<10112x32xf32, #tpu.memory_space<hbm>> -> memref<10112x32xf32, #tpu.memory_space<hbm>>
      tpu.wait_indirect_dma semaphore(%arg21 : memref<!tpu.dma_semaphore, #tpu.memory_space<semaphore_mem>>) src(%dma_wait3A_195 : memref<10112x32xf32, #tpu.memory_space<hbm>>) dst(%arg13 : memref<128x32xf32, #tpu.memory_space<vmem>>)
      %dma_start3A_196 = arith.constant 0 : i32
      %dma_start3A_197 = tpu.memref_slice %arg9[%add3A_189, %dma_start3A_196] : memref<80x128xi32, #tpu.memory_space<vmem>> -> memref<1x128xi32, #tpu.memory_space<vmem>>
      %dma_start3A_198 = tpu.memref_squeeze %dma_start3A_197 : memref<1x128xi32, #tpu.memory_space<vmem>> -> memref<128xi32, #tpu.memory_space<vmem>>
      %dma_start3A_199 = arith.constant 0 : i32
      %dma_start3A_200 = arith.constant 0 : i32
      %dma_start3A_201 = tpu.memref_slice %arg7[%dma_start3A_199, %dma_start3A_200] : memref<10112x32xf32, #tpu.memory_space<vmem_shared>> -> memref<10112x32xf32, #tpu.memory_space<vmem_shared>>
      tpu.enqueue_indirect_dma source(%arg13 : memref<128x32xf32, #tpu.memory_space<vmem>>) target(%dma_start3A_201 : memref<10112x32xf32, #tpu.memory_space<vmem_shared>>) offsets(%dma_start3A_198 : memref<128xi32, #tpu.memory_space<vmem>>) semaphore(%arg29 : memref<!tpu.dma_semaphore, #tpu.memory_space<semaphore_mem>>) {add = true}
      %add3A_202 = arith.constant 8 : i32
      %add3A_203 = arith.addi %add3A_189, %add3A_202 : i32
      %lt3A_204 = arith.constant 80 : i32
      %lt3A_205 = arith.cmpi slt, %add3A_203, %lt3A_204 : i32
      %convert_element_type3A_206 = arith.extui %lt3A_205 : i1 to i32
      %cond3A_207 = arith.constant 0 : i32
      %cond3A_208 = arith.cmpi ne, %convert_element_type3A_206, %cond3A_207 : i32
      scf.if %cond3A_208 {
        %dma_wait3A_301 = arith.constant 0 : i32
        %dma_wait3A_302 = tpu.memref_slice %arg9[%add3A_189, %dma_wait3A_301] : memref<80x128xi32, #tpu.memory_space<vmem>> -> memref<1x128xi32, #tpu.memory_space<vmem>>
        %dma_wait3A_303 = tpu.memref_squeeze %dma_wait3A_302 : memref<1x128xi32, #tpu.memory_space<vmem>> -> memref<128xi32, #tpu.memory_space<vmem>>
        %dma_wait3A_304 = arith.constant 0 : i32
        %dma_wait3A_305 = arith.constant 0 : i32
        %dma_wait3A_306 = tpu.memref_slice %arg7[%dma_wait3A_304, %dma_wait3A_305] : memref<10112x32xf32, #tpu.memory_space<vmem_shared>> -> memref<10112x32xf32, #tpu.memory_space<vmem_shared>>
        tpu.wait_indirect_dma semaphore(%arg29 : memref<!tpu.dma_semaphore, #tpu.memory_space<semaphore_mem>>) src(%arg13 : memref<128x32xf32, #tpu.memory_space<vmem>>) dst(%dma_wait3A_306 : memref<10112x32xf32, #tpu.memory_space<vmem_shared>>)
        %dma_start3A_307 = arith.constant 0 : i32
        %dma_start3A_308 = tpu.memref_slice %arg8[%add3A_203, %dma_start3A_307] : memref<80x128xi32, #tpu.memory_space<vmem>> -> memref<1x128xi32, #tpu.memory_space<vmem>>
        %dma_start3A_309 = tpu.memref_squeeze %dma_start3A_308 : memref<1x128xi32, #tpu.memory_space<vmem>> -> memref<128xi32, #tpu.memory_space<vmem>>
        %dma_start3A_310 = arith.constant 0 : i32
        %dma_start3A_311 = arith.constant 0 : i32
        %dma_start3A_312 = tpu.memref_slice %arg4[%dma_start3A_310, %dma_start3A_311] : memref<10112x32xf32, #tpu.memory_space<hbm>> -> memref<10112x32xf32, #tpu.memory_space<hbm>>
        tpu.enqueue_indirect_dma source(%dma_start3A_312 : memref<10112x32xf32, #tpu.memory_space<hbm>>) target(%arg13 : memref<128x32xf32, #tpu.memory_space<vmem>>) offsets(%dma_start3A_309 : memref<128xi32, #tpu.memory_space<vmem>>) semaphore(%arg21 : memref<!tpu.dma_semaphore, #tpu.memory_space<semaphore_mem>>)
      } else {
      }
      %mul3A_209 = arith.constant 8 : i32
      %mul3A_210 = arith.muli %scan3A_119, %mul3A_209 : i32
      %add3A_211 = arith.constant 4 : i32
      %add3A_212 = arith.addi %mul3A_210, %add3A_211 : i32
      %dma_wait3A_213 = arith.constant 0 : i32
      %dma_wait3A_214 = tpu.memref_slice %arg8[%add3A_212, %dma_wait3A_213] : memref<80x128xi32, #tpu.memory_space<vmem>> -> memref<1x128xi32, #tpu.memory_space<vmem>>
      %dma_wait3A_215 = tpu.memref_squeeze %dma_wait3A_214 : memref<1x128xi32, #tpu.memory_space<vmem>> -> memref<128xi32, #tpu.memory_space<vmem>>
      %dma_wait3A_216 = arith.constant 0 : i32
      %dma_wait3A_217 = arith.constant 0 : i32
      %dma_wait3A_218 = tpu.memref_slice %arg4[%dma_wait3A_216, %dma_wait3A_217] : memref<10112x32xf32, #tpu.memory_space<hbm>> -> memref<10112x32xf32, #tpu.memory_space<hbm>>
      tpu.wait_indirect_dma semaphore(%arg22 : memref<!tpu.dma_semaphore, #tpu.memory_space<semaphore_mem>>) src(%dma_wait3A_218 : memref<10112x32xf32, #tpu.memory_space<hbm>>) dst(%arg14 : memref<128x32xf32, #tpu.memory_space<vmem>>)
      %dma_start3A_219 = arith.constant 0 : i32
      %dma_start3A_220 = tpu.memref_slice %arg9[%add3A_212, %dma_start3A_219] : memref<80x128xi32, #tpu.memory_space<vmem>> -> memref<1x128xi32, #tpu.memory_space<vmem>>
      %dma_start3A_221 = tpu.memref_squeeze %dma_start3A_220 : memref<1x128xi32, #tpu.memory_space<vmem>> -> memref<128xi32, #tpu.memory_space<vmem>>
      %dma_start3A_222 = arith.constant 0 : i32
      %dma_start3A_223 = arith.constant 0 : i32
      %dma_start3A_224 = tpu.memref_slice %arg7[%dma_start3A_222, %dma_start3A_223] : memref<10112x32xf32, #tpu.memory_space<vmem_shared>> -> memref<10112x32xf32, #tpu.memory_space<vmem_shared>>
      tpu.enqueue_indirect_dma source(%arg14 : memref<128x32xf32, #tpu.memory_space<vmem>>) target(%dma_start3A_224 : memref<10112x32xf32, #tpu.memory_space<vmem_shared>>) offsets(%dma_start3A_221 : memref<128xi32, #tpu.memory_space<vmem>>) semaphore(%arg30 : memref<!tpu.dma_semaphore, #tpu.memory_space<semaphore_mem>>) {add = true}
      %add3A_225 = arith.constant 8 : i32
      %add3A_226 = arith.addi %add3A_212, %add3A_225 : i32
      %lt3A_227 = arith.constant 80 : i32
      %lt3A_228 = arith.cmpi slt, %add3A_226, %lt3A_227 : i32
      %convert_element_type3A_229 = arith.extui %lt3A_228 : i1 to i32
      %cond3A_230 = arith.constant 0 : i32
      %cond3A_231 = arith.cmpi ne, %convert_element_type3A_229, %cond3A_230 : i32
      scf.if %cond3A_231 {
        %dma_wait3A_301 = arith.constant 0 : i32
        %dma_wait3A_302 = tpu.memref_slice %arg9[%add3A_212, %dma_wait3A_301] : memref<80x128xi32, #tpu.memory_space<vmem>> -> memref<1x128xi32, #tpu.memory_space<vmem>>
        %dma_wait3A_303 = tpu.memref_squeeze %dma_wait3A_302 : memref<1x128xi32, #tpu.memory_space<vmem>> -> memref<128xi32, #tpu.memory_space<vmem>>
        %dma_wait3A_304 = arith.constant 0 : i32
        %dma_wait3A_305 = arith.constant 0 : i32
        %dma_wait3A_306 = tpu.memref_slice %arg7[%dma_wait3A_304, %dma_wait3A_305] : memref<10112x32xf32, #tpu.memory_space<vmem_shared>> -> memref<10112x32xf32, #tpu.memory_space<vmem_shared>>
        tpu.wait_indirect_dma semaphore(%arg30 : memref<!tpu.dma_semaphore, #tpu.memory_space<semaphore_mem>>) src(%arg14 : memref<128x32xf32, #tpu.memory_space<vmem>>) dst(%dma_wait3A_306 : memref<10112x32xf32, #tpu.memory_space<vmem_shared>>)
        %dma_start3A_307 = arith.constant 0 : i32
        %dma_start3A_308 = tpu.memref_slice %arg8[%add3A_226, %dma_start3A_307] : memref<80x128xi32, #tpu.memory_space<vmem>> -> memref<1x128xi32, #tpu.memory_space<vmem>>
        %dma_start3A_309 = tpu.memref_squeeze %dma_start3A_308 : memref<1x128xi32, #tpu.memory_space<vmem>> -> memref<128xi32, #tpu.memory_space<vmem>>
        %dma_start3A_310 = arith.constant 0 : i32
        %dma_start3A_311 = arith.constant 0 : i32
        %dma_start3A_312 = tpu.memref_slice %arg4[%dma_start3A_310, %dma_start3A_311] : memref<10112x32xf32, #tpu.memory_space<hbm>> -> memref<10112x32xf32, #tpu.memory_space<hbm>>
        tpu.enqueue_indirect_dma source(%dma_start3A_312 : memref<10112x32xf32, #tpu.memory_space<hbm>>) target(%arg14 : memref<128x32xf32, #tpu.memory_space<vmem>>) offsets(%dma_start3A_309 : memref<128xi32, #tpu.memory_space<vmem>>) semaphore(%arg22 : memref<!tpu.dma_semaphore, #tpu.memory_space<semaphore_mem>>)
      } else {
      }
      %mul3A_232 = arith.constant 8 : i32
      %mul3A_233 = arith.muli %scan3A_119, %mul3A_232 : i32
      %add3A_234 = arith.constant 5 : i32
      %add3A_235 = arith.addi %mul3A_233, %add3A_234 : i32
      %dma_wait3A_236 = arith.constant 0 : i32
      %dma_wait3A_237 = tpu.memref_slice %arg8[%add3A_235, %dma_wait3A_236] : memref<80x128xi32, #tpu.memory_space<vmem>> -> memref<1x128xi32, #tpu.memory_space<vmem>>
      %dma_wait3A_238 = tpu.memref_squeeze %dma_wait3A_237 : memref<1x128xi32, #tpu.memory_space<vmem>> -> memref<128xi32, #tpu.memory_space<vmem>>
      %dma_wait3A_239 = arith.constant 0 : i32
      %dma_wait3A_240 = arith.constant 0 : i32
      %dma_wait3A_241 = tpu.memref_slice %arg4[%dma_wait3A_239, %dma_wait3A_240] : memref<10112x32xf32, #tpu.memory_space<hbm>> -> memref<10112x32xf32, #tpu.memory_space<hbm>>
      tpu.wait_indirect_dma semaphore(%arg23 : memref<!tpu.dma_semaphore, #tpu.memory_space<semaphore_mem>>) src(%dma_wait3A_241 : memref<10112x32xf32, #tpu.memory_space<hbm>>) dst(%arg15 : memref<128x32xf32, #tpu.memory_space<vmem>>)
      %dma_start3A_242 = arith.constant 0 : i32
      %dma_start3A_243 = tpu.memref_slice %arg9[%add3A_235, %dma_start3A_242] : memref<80x128xi32, #tpu.memory_space<vmem>> -> memref<1x128xi32, #tpu.memory_space<vmem>>
      %dma_start3A_244 = tpu.memref_squeeze %dma_start3A_243 : memref<1x128xi32, #tpu.memory_space<vmem>> -> memref<128xi32, #tpu.memory_space<vmem>>
      %dma_start3A_245 = arith.constant 0 : i32
      %dma_start3A_246 = arith.constant 0 : i32
      %dma_start3A_247 = tpu.memref_slice %arg7[%dma_start3A_245, %dma_start3A_246] : memref<10112x32xf32, #tpu.memory_space<vmem_shared>> -> memref<10112x32xf32, #tpu.memory_space<vmem_shared>>
      tpu.enqueue_indirect_dma source(%arg15 : memref<128x32xf32, #tpu.memory_space<vmem>>) target(%dma_start3A_247 : memref<10112x32xf32, #tpu.memory_space<vmem_shared>>) offsets(%dma_start3A_244 : memref<128xi32, #tpu.memory_space<vmem>>) semaphore(%arg31 : memref<!tpu.dma_semaphore, #tpu.memory_space<semaphore_mem>>) {add = true}
      %add3A_248 = arith.constant 8 : i32
      %add3A_249 = arith.addi %add3A_235, %add3A_248 : i32
      %lt3A_250 = arith.constant 80 : i32
      %lt3A_251 = arith.cmpi slt, %add3A_249, %lt3A_250 : i32
      %convert_element_type3A_252 = arith.extui %lt3A_251 : i1 to i32
      %cond3A_253 = arith.constant 0 : i32
      %cond3A_254 = arith.cmpi ne, %convert_element_type3A_252, %cond3A_253 : i32
      scf.if %cond3A_254 {
        %dma_wait3A_301 = arith.constant 0 : i32
        %dma_wait3A_302 = tpu.memref_slice %arg9[%add3A_235, %dma_wait3A_301] : memref<80x128xi32, #tpu.memory_space<vmem>> -> memref<1x128xi32, #tpu.memory_space<vmem>>
        %dma_wait3A_303 = tpu.memref_squeeze %dma_wait3A_302 : memref<1x128xi32, #tpu.memory_space<vmem>> -> memref<128xi32, #tpu.memory_space<vmem>>
        %dma_wait3A_304 = arith.constant 0 : i32
        %dma_wait3A_305 = arith.constant 0 : i32
        %dma_wait3A_306 = tpu.memref_slice %arg7[%dma_wait3A_304, %dma_wait3A_305] : memref<10112x32xf32, #tpu.memory_space<vmem_shared>> -> memref<10112x32xf32, #tpu.memory_space<vmem_shared>>
        tpu.wait_indirect_dma semaphore(%arg31 : memref<!tpu.dma_semaphore, #tpu.memory_space<semaphore_mem>>) src(%arg15 : memref<128x32xf32, #tpu.memory_space<vmem>>) dst(%dma_wait3A_306 : memref<10112x32xf32, #tpu.memory_space<vmem_shared>>)
        %dma_start3A_307 = arith.constant 0 : i32
        %dma_start3A_308 = tpu.memref_slice %arg8[%add3A_249, %dma_start3A_307] : memref<80x128xi32, #tpu.memory_space<vmem>> -> memref<1x128xi32, #tpu.memory_space<vmem>>
        %dma_start3A_309 = tpu.memref_squeeze %dma_start3A_308 : memref<1x128xi32, #tpu.memory_space<vmem>> -> memref<128xi32, #tpu.memory_space<vmem>>
        %dma_start3A_310 = arith.constant 0 : i32
        %dma_start3A_311 = arith.constant 0 : i32
        %dma_start3A_312 = tpu.memref_slice %arg4[%dma_start3A_310, %dma_start3A_311] : memref<10112x32xf32, #tpu.memory_space<hbm>> -> memref<10112x32xf32, #tpu.memory_space<hbm>>
        tpu.enqueue_indirect_dma source(%dma_start3A_312 : memref<10112x32xf32, #tpu.memory_space<hbm>>) target(%arg15 : memref<128x32xf32, #tpu.memory_space<vmem>>) offsets(%dma_start3A_309 : memref<128xi32, #tpu.memory_space<vmem>>) semaphore(%arg23 : memref<!tpu.dma_semaphore, #tpu.memory_space<semaphore_mem>>)
      } else {
      }
      %mul3A_255 = arith.constant 8 : i32
      %mul3A_256 = arith.muli %scan3A_119, %mul3A_255 : i32
      %add3A_257 = arith.constant 6 : i32
      %add3A_258 = arith.addi %mul3A_256, %add3A_257 : i32
      %dma_wait3A_259 = arith.constant 0 : i32
      %dma_wait3A_260 = tpu.memref_slice %arg8[%add3A_258, %dma_wait3A_259] : memref<80x128xi32, #tpu.memory_space<vmem>> -> memref<1x128xi32, #tpu.memory_space<vmem>>
      %dma_wait3A_261 = tpu.memref_squeeze %dma_wait3A_260 : memref<1x128xi32, #tpu.memory_space<vmem>> -> memref<128xi32, #tpu.memory_space<vmem>>
      %dma_wait3A_262 = arith.constant 0 : i32
      %dma_wait3A_263 = arith.constant 0 : i32
      %dma_wait3A_264 = tpu.memref_slice %arg4[%dma_wait3A_262, %dma_wait3A_263] : memref<10112x32xf32, #tpu.memory_space<hbm>> -> memref<10112x32xf32, #tpu.memory_space<hbm>>
      tpu.wait_indirect_dma semaphore(%arg24 : memref<!tpu.dma_semaphore, #tpu.memory_space<semaphore_mem>>) src(%dma_wait3A_264 : memref<10112x32xf32, #tpu.memory_space<hbm>>) dst(%arg16 : memref<128x32xf32, #tpu.memory_space<vmem>>)
      %dma_start3A_265 = arith.constant 0 : i32
      %dma_start3A_266 = tpu.memref_slice %arg9[%add3A_258, %dma_start3A_265] : memref<80x128xi32, #tpu.memory_space<vmem>> -> memref<1x128xi32, #tpu.memory_space<vmem>>
      %dma_start3A_267 = tpu.memref_squeeze %dma_start3A_266 : memref<1x128xi32, #tpu.memory_space<vmem>> -> memref<128xi32, #tpu.memory_space<vmem>>
      %dma_start3A_268 = arith.constant 0 : i32
      %dma_start3A_269 = arith.constant 0 : i32
      %dma_start3A_270 = tpu.memref_slice %arg7[%dma_start3A_268, %dma_start3A_269] : memref<10112x32xf32, #tpu.memory_space<vmem_shared>> -> memref<10112x32xf32, #tpu.memory_space<vmem_shared>>
      tpu.enqueue_indirect_dma source(%arg16 : memref<128x32xf32, #tpu.memory_space<vmem>>) target(%dma_start3A_270 : memref<10112x32xf32, #tpu.memory_space<vmem_shared>>) offsets(%dma_start3A_267 : memref<128xi32, #tpu.memory_space<vmem>>) semaphore(%arg32 : memref<!tpu.dma_semaphore, #tpu.memory_space<semaphore_mem>>) {add = true}
      %add3A_271 = arith.constant 8 : i32
      %add3A_272 = arith.addi %add3A_258, %add3A_271 : i32
      %lt3A_273 = arith.constant 80 : i32
      %lt3A_274 = arith.cmpi slt, %add3A_272, %lt3A_273 : i32
      %convert_element_type3A_275 = arith.extui %lt3A_274 : i1 to i32
      %cond3A_276 = arith.constant 0 : i32
      %cond3A_277 = arith.cmpi ne, %convert_element_type3A_275, %cond3A_276 : i32
      scf.if %cond3A_277 {
        %dma_wait3A_301 = arith.constant 0 : i32
        %dma_wait3A_302 = tpu.memref_slice %arg9[%add3A_258, %dma_wait3A_301] : memref<80x128xi32, #tpu.memory_space<vmem>> -> memref<1x128xi32, #tpu.memory_space<vmem>>
        %dma_wait3A_303 = tpu.memref_squeeze %dma_wait3A_302 : memref<1x128xi32, #tpu.memory_space<vmem>> -> memref<128xi32, #tpu.memory_space<vmem>>
        %dma_wait3A_304 = arith.constant 0 : i32
        %dma_wait3A_305 = arith.constant 0 : i32
        %dma_wait3A_306 = tpu.memref_slice %arg7[%dma_wait3A_304, %dma_wait3A_305] : memref<10112x32xf32, #tpu.memory_space<vmem_shared>> -> memref<10112x32xf32, #tpu.memory_space<vmem_shared>>
        tpu.wait_indirect_dma semaphore(%arg32 : memref<!tpu.dma_semaphore, #tpu.memory_space<semaphore_mem>>) src(%arg16 : memref<128x32xf32, #tpu.memory_space<vmem>>) dst(%dma_wait3A_306 : memref<10112x32xf32, #tpu.memory_space<vmem_shared>>)
        %dma_start3A_307 = arith.constant 0 : i32
        %dma_start3A_308 = tpu.memref_slice %arg8[%add3A_272, %dma_start3A_307] : memref<80x128xi32, #tpu.memory_space<vmem>> -> memref<1x128xi32, #tpu.memory_space<vmem>>
        %dma_start3A_309 = tpu.memref_squeeze %dma_start3A_308 : memref<1x128xi32, #tpu.memory_space<vmem>> -> memref<128xi32, #tpu.memory_space<vmem>>
        %dma_start3A_310 = arith.constant 0 : i32
        %dma_start3A_311 = arith.constant 0 : i32
        %dma_start3A_312 = tpu.memref_slice %arg4[%dma_start3A_310, %dma_start3A_311] : memref<10112x32xf32, #tpu.memory_space<hbm>> -> memref<10112x32xf32, #tpu.memory_space<hbm>>
        tpu.enqueue_indirect_dma source(%dma_start3A_312 : memref<10112x32xf32, #tpu.memory_space<hbm>>) target(%arg16 : memref<128x32xf32, #tpu.memory_space<vmem>>) offsets(%dma_start3A_309 : memref<128xi32, #tpu.memory_space<vmem>>) semaphore(%arg24 : memref<!tpu.dma_semaphore, #tpu.memory_space<semaphore_mem>>)
      } else {
      }
      %mul3A_278 = arith.constant 8 : i32
      %mul3A_279 = arith.muli %scan3A_119, %mul3A_278 : i32
      %add3A_280 = arith.constant 7 : i32
      %add3A_281 = arith.addi %mul3A_279, %add3A_280 : i32
      %dma_wait3A_282 = arith.constant 0 : i32
      %dma_wait3A_283 = tpu.memref_slice %arg8[%add3A_281, %dma_wait3A_282] : memref<80x128xi32, #tpu.memory_space<vmem>> -> memref<1x128xi32, #tpu.memory_space<vmem>>
      %dma_wait3A_284 = tpu.memref_squeeze %dma_wait3A_283 : memref<1x128xi32, #tpu.memory_space<vmem>> -> memref<128xi32, #tpu.memory_space<vmem>>
      %dma_wait3A_285 = arith.constant 0 : i32
      %dma_wait3A_286 = arith.constant 0 : i32
      %dma_wait3A_287 = tpu.memref_slice %arg4[%dma_wait3A_285, %dma_wait3A_286] : memref<10112x32xf32, #tpu.memory_space<hbm>> -> memref<10112x32xf32, #tpu.memory_space<hbm>>
      tpu.wait_indirect_dma semaphore(%arg25 : memref<!tpu.dma_semaphore, #tpu.memory_space<semaphore_mem>>) src(%dma_wait3A_287 : memref<10112x32xf32, #tpu.memory_space<hbm>>) dst(%arg17 : memref<128x32xf32, #tpu.memory_space<vmem>>)
      %dma_start3A_288 = arith.constant 0 : i32
      %dma_start3A_289 = tpu.memref_slice %arg9[%add3A_281, %dma_start3A_288] : memref<80x128xi32, #tpu.memory_space<vmem>> -> memref<1x128xi32, #tpu.memory_space<vmem>>
      %dma_start3A_290 = tpu.memref_squeeze %dma_start3A_289 : memref<1x128xi32, #tpu.memory_space<vmem>> -> memref<128xi32, #tpu.memory_space<vmem>>
      %dma_start3A_291 = arith.constant 0 : i32
      %dma_start3A_292 = arith.constant 0 : i32
      %dma_start3A_293 = tpu.memref_slice %arg7[%dma_start3A_291, %dma_start3A_292] : memref<10112x32xf32, #tpu.memory_space<vmem_shared>> -> memref<10112x32xf32, #tpu.memory_space<vmem_shared>>
      tpu.enqueue_indirect_dma source(%arg17 : memref<128x32xf32, #tpu.memory_space<vmem>>) target(%dma_start3A_293 : memref<10112x32xf32, #tpu.memory_space<vmem_shared>>) offsets(%dma_start3A_290 : memref<128xi32, #tpu.memory_space<vmem>>) semaphore(%arg33 : memref<!tpu.dma_semaphore, #tpu.memory_space<semaphore_mem>>) {add = true}
      %add3A_294 = arith.constant 8 : i32
      %add3A_295 = arith.addi %add3A_281, %add3A_294 : i32
      %lt3A_296 = arith.constant 80 : i32
      %lt3A_297 = arith.cmpi slt, %add3A_295, %lt3A_296 : i32
      %convert_element_type3A_298 = arith.extui %lt3A_297 : i1 to i32
      %cond3A_299 = arith.constant 0 : i32
      %cond3A_300 = arith.cmpi ne, %convert_element_type3A_298, %cond3A_299 : i32
      scf.if %cond3A_300 {
        %dma_wait3A_301 = arith.constant 0 : i32
        %dma_wait3A_302 = tpu.memref_slice %arg9[%add3A_281, %dma_wait3A_301] : memref<80x128xi32, #tpu.memory_space<vmem>> -> memref<1x128xi32, #tpu.memory_space<vmem>>
        %dma_wait3A_303 = tpu.memref_squeeze %dma_wait3A_302 : memref<1x128xi32, #tpu.memory_space<vmem>> -> memref<128xi32, #tpu.memory_space<vmem>>
        %dma_wait3A_304 = arith.constant 0 : i32
        %dma_wait3A_305 = arith.constant 0 : i32
        %dma_wait3A_306 = tpu.memref_slice %arg7[%dma_wait3A_304, %dma_wait3A_305] : memref<10112x32xf32, #tpu.memory_space<vmem_shared>> -> memref<10112x32xf32, #tpu.memory_space<vmem_shared>>
        tpu.wait_indirect_dma semaphore(%arg33 : memref<!tpu.dma_semaphore, #tpu.memory_space<semaphore_mem>>) src(%arg17 : memref<128x32xf32, #tpu.memory_space<vmem>>) dst(%dma_wait3A_306 : memref<10112x32xf32, #tpu.memory_space<vmem_shared>>)
        %dma_start3A_307 = arith.constant 0 : i32
        %dma_start3A_308 = tpu.memref_slice %arg8[%add3A_295, %dma_start3A_307] : memref<80x128xi32, #tpu.memory_space<vmem>> -> memref<1x128xi32, #tpu.memory_space<vmem>>
        %dma_start3A_309 = tpu.memref_squeeze %dma_start3A_308 : memref<1x128xi32, #tpu.memory_space<vmem>> -> memref<128xi32, #tpu.memory_space<vmem>>
        %dma_start3A_310 = arith.constant 0 : i32
        %dma_start3A_311 = arith.constant 0 : i32
        %dma_start3A_312 = tpu.memref_slice %arg4[%dma_start3A_310, %dma_start3A_311] : memref<10112x32xf32, #tpu.memory_space<hbm>> -> memref<10112x32xf32, #tpu.memory_space<hbm>>
        tpu.enqueue_indirect_dma source(%dma_start3A_312 : memref<10112x32xf32, #tpu.memory_space<hbm>>) target(%arg17 : memref<128x32xf32, #tpu.memory_space<vmem>>) offsets(%dma_start3A_309 : memref<128xi32, #tpu.memory_space<vmem>>) semaphore(%arg25 : memref<!tpu.dma_semaphore, #tpu.memory_space<semaphore_mem>>)
      } else {
      }
    }
    %scan3A_62 = arith.constant 10 : i32
    %dma_wait3A = arith.constant 0 : i32
    %dma_wait3A_63 = arith.constant 0 : i32
    %dma_wait3A_64 = tpu.memref_slice %arg9[%dma_wait3A, %dma_wait3A_63] : memref<80x128xi32, #tpu.memory_space<vmem>> -> memref<1x128xi32, #tpu.memory_space<vmem>>
    %dma_wait3A_65 = tpu.memref_squeeze %dma_wait3A_64 : memref<1x128xi32, #tpu.memory_space<vmem>> -> memref<128xi32, #tpu.memory_space<vmem>>
    %dma_wait3A_66 = arith.constant 0 : i32
    %dma_wait3A_67 = arith.constant 0 : i32
    %dma_wait3A_68 = tpu.memref_slice %arg7[%dma_wait3A_66, %dma_wait3A_67] : memref<10112x32xf32, #tpu.memory_space<vmem_shared>> -> memref<10112x32xf32, #tpu.memory_space<vmem_shared>>
    tpu.wait_indirect_dma semaphore(%arg26 : memref<!tpu.dma_semaphore, #tpu.memory_space<semaphore_mem>>) src(%arg10 : memref<128x32xf32, #tpu.memory_space<vmem>>) dst(%dma_wait3A_68 : memref<10112x32xf32, #tpu.memory_space<vmem_shared>>)
    %dma_wait3A_69 = arith.constant 0 : i32
    %dma_wait3A_70 = arith.constant 0 : i32
    %dma_wait3A_71 = tpu.memref_slice %arg9[%dma_wait3A_69, %dma_wait3A_70] : memref<80x128xi32, #tpu.memory_space<vmem>> -> memref<1x128xi32, #tpu.memory_space<vmem>>
    %dma_wait3A_72 = tpu.memref_squeeze %dma_wait3A_71 : memref<1x128xi32, #tpu.memory_space<vmem>> -> memref<128xi32, #tpu.memory_space<vmem>>
    %dma_wait3A_73 = arith.constant 0 : i32
    %dma_wait3A_74 = arith.constant 0 : i32
    %dma_wait3A_75 = tpu.memref_slice %arg7[%dma_wait3A_73, %dma_wait3A_74] : memref<10112x32xf32, #tpu.memory_space<vmem_shared>> -> memref<10112x32xf32, #tpu.memory_space<vmem_shared>>
    tpu.wait_indirect_dma semaphore(%arg27 : memref<!tpu.dma_semaphore, #tpu.memory_space<semaphore_mem>>) src(%arg11 : memref<128x32xf32, #tpu.memory_space<vmem>>) dst(%dma_wait3A_75 : memref<10112x32xf32, #tpu.memory_space<vmem_shared>>)
    %dma_wait3A_76 = arith.constant 0 : i32
    %dma_wait3A_77 = arith.constant 0 : i32
    %dma_wait3A_78 = tpu.memref_slice %arg9[%dma_wait3A_76, %dma_wait3A_77] : memref<80x128xi32, #tpu.memory_space<vmem>> -> memref<1x128xi32, #tpu.memory_space<vmem>>
    %dma_wait3A_79 = tpu.memref_squeeze %dma_wait3A_78 : memref<1x128xi32, #tpu.memory_space<vmem>> -> memref<128xi32, #tpu.memory_space<vmem>>
    %dma_wait3A_80 = arith.constant 0 : i32
    %dma_wait3A_81 = arith.constant 0 : i32
    %dma_wait3A_82 = tpu.memref_slice %arg7[%dma_wait3A_80, %dma_wait3A_81] : memref<10112x32xf32, #tpu.memory_space<vmem_shared>> -> memref<10112x32xf32, #tpu.memory_space<vmem_shared>>
    tpu.wait_indirect_dma semaphore(%arg28 : memref<!tpu.dma_semaphore, #tpu.memory_space<semaphore_mem>>) src(%arg12 : memref<128x32xf32, #tpu.memory_space<vmem>>) dst(%dma_wait3A_82 : memref<10112x32xf32, #tpu.memory_space<vmem_shared>>)
    %dma_wait3A_83 = arith.constant 0 : i32
    %dma_wait3A_84 = arith.constant 0 : i32
    %dma_wait3A_85 = tpu.memref_slice %arg9[%dma_wait3A_83, %dma_wait3A_84] : memref<80x128xi32, #tpu.memory_space<vmem>> -> memref<1x128xi32, #tpu.memory_space<vmem>>
    %dma_wait3A_86 = tpu.memref_squeeze %dma_wait3A_85 : memref<1x128xi32, #tpu.memory_space<vmem>> -> memref<128xi32, #tpu.memory_space<vmem>>
    %dma_wait3A_87 = arith.constant 0 : i32
    %dma_wait3A_88 = arith.constant 0 : i32
    %dma_wait3A_89 = tpu.memref_slice %arg7[%dma_wait3A_87, %dma_wait3A_88] : memref<10112x32xf32, #tpu.memory_space<vmem_shared>> -> memref<10112x32xf32, #tpu.memory_space<vmem_shared>>
    tpu.wait_indirect_dma semaphore(%arg29 : memref<!tpu.dma_semaphore, #tpu.memory_space<semaphore_mem>>) src(%arg13 : memref<128x32xf32, #tpu.memory_space<vmem>>) dst(%dma_wait3A_89 : memref<10112x32xf32, #tpu.memory_space<vmem_shared>>)
    %dma_wait3A_90 = arith.constant 0 : i32
    %dma_wait3A_91 = arith.constant 0 : i32
    %dma_wait3A_92 = tpu.memref_slice %arg9[%dma_wait3A_90, %dma_wait3A_91] : memref<80x128xi32, #tpu.memory_space<vmem>> -> memref<1x128xi32, #tpu.memory_space<vmem>>
    %dma_wait3A_93 = tpu.memref_squeeze %dma_wait3A_92 : memref<1x128xi32, #tpu.memory_space<vmem>> -> memref<128xi32, #tpu.memory_space<vmem>>
    %dma_wait3A_94 = arith.constant 0 : i32
    %dma_wait3A_95 = arith.constant 0 : i32
    %dma_wait3A_96 = tpu.memref_slice %arg7[%dma_wait3A_94, %dma_wait3A_95] : memref<10112x32xf32, #tpu.memory_space<vmem_shared>> -> memref<10112x32xf32, #tpu.memory_space<vmem_shared>>
    tpu.wait_indirect_dma semaphore(%arg30 : memref<!tpu.dma_semaphore, #tpu.memory_space<semaphore_mem>>) src(%arg14 : memref<128x32xf32, #tpu.memory_space<vmem>>) dst(%dma_wait3A_96 : memref<10112x32xf32, #tpu.memory_space<vmem_shared>>)
    %dma_wait3A_97 = arith.constant 0 : i32
    %dma_wait3A_98 = arith.constant 0 : i32
    %dma_wait3A_99 = tpu.memref_slice %arg9[%dma_wait3A_97, %dma_wait3A_98] : memref<80x128xi32, #tpu.memory_space<vmem>> -> memref<1x128xi32, #tpu.memory_space<vmem>>
    %dma_wait3A_100 = tpu.memref_squeeze %dma_wait3A_99 : memref<1x128xi32, #tpu.memory_space<vmem>> -> memref<128xi32, #tpu.memory_space<vmem>>
    %dma_wait3A_101 = arith.constant 0 : i32
    %dma_wait3A_102 = arith.constant 0 : i32
    %dma_wait3A_103 = tpu.memref_slice %arg7[%dma_wait3A_101, %dma_wait3A_102] : memref<10112x32xf32, #tpu.memory_space<vmem_shared>> -> memref<10112x32xf32, #tpu.memory_space<vmem_shared>>
    tpu.wait_indirect_dma semaphore(%arg31 : memref<!tpu.dma_semaphore, #tpu.memory_space<semaphore_mem>>) src(%arg15 : memref<128x32xf32, #tpu.memory_space<vmem>>) dst(%dma_wait3A_103 : memref<10112x32xf32, #tpu.memory_space<vmem_shared>>)
    %dma_wait3A_104 = arith.constant 0 : i32
    %dma_wait3A_105 = arith.constant 0 : i32
    %dma_wait3A_106 = tpu.memref_slice %arg9[%dma_wait3A_104, %dma_wait3A_105] : memref<80x128xi32, #tpu.memory_space<vmem>> -> memref<1x128xi32, #tpu.memory_space<vmem>>
    %dma_wait3A_107 = tpu.memref_squeeze %dma_wait3A_106 : memref<1x128xi32, #tpu.memory_space<vmem>> -> memref<128xi32, #tpu.memory_space<vmem>>
    %dma_wait3A_108 = arith.constant 0 : i32
    %dma_wait3A_109 = arith.constant 0 : i32
    %dma_wait3A_110 = tpu.memref_slice %arg7[%dma_wait3A_108, %dma_wait3A_109] : memref<10112x32xf32, #tpu.memory_space<vmem_shared>> -> memref<10112x32xf32, #tpu.memory_space<vmem_shared>>
    tpu.wait_indirect_dma semaphore(%arg32 : memref<!tpu.dma_semaphore, #tpu.memory_space<semaphore_mem>>) src(%arg16 : memref<128x32xf32, #tpu.memory_space<vmem>>) dst(%dma_wait3A_110 : memref<10112x32xf32, #tpu.memory_space<vmem_shared>>)
    %dma_wait3A_111 = arith.constant 0 : i32
    %dma_wait3A_112 = arith.constant 0 : i32
    %dma_wait3A_113 = tpu.memref_slice %arg9[%dma_wait3A_111, %dma_wait3A_112] : memref<80x128xi32, #tpu.memory_space<vmem>> -> memref<1x128xi32, #tpu.memory_space<vmem>>
    %dma_wait3A_114 = tpu.memref_squeeze %dma_wait3A_113 : memref<1x128xi32, #tpu.memory_space<vmem>> -> memref<128xi32, #tpu.memory_space<vmem>>
    %dma_wait3A_115 = arith.constant 0 : i32
    %dma_wait3A_116 = arith.constant 0 : i32
    %dma_wait3A_117 = tpu.memref_slice %arg7[%dma_wait3A_115, %dma_wait3A_116] : memref<10112x32xf32, #tpu.memory_space<vmem_shared>> -> memref<10112x32xf32, #tpu.memory_space<vmem_shared>>
    tpu.wait_indirect_dma semaphore(%arg33 : memref<!tpu.dma_semaphore, #tpu.memory_space<semaphore_mem>>) src(%arg17 : memref<128x32xf32, #tpu.memory_space<vmem>>) dst(%dma_wait3A_117 : memref<10112x32xf32, #tpu.memory_space<vmem_shared>>)
    %barrier3A_118 = arith.constant 0 : index
    tpu.barrier barrier_id(%barrier3A_118)
    "tpu.region"() ({
      %run_scoped3A = tpu.sem_alloc : memref<!tpu.dma_semaphore, #tpu.memory_space<semaphore_mem>>
      %dma_start3A_119 = arith.constant 0 : i32
      %dma_start3A_120 = tpu.memref_slice %arg6[%arg0, %mul3A_2, %dma_start3A_119] : memref<2x10112x32xf32, #tpu.memory_space<hbm>> -> memref<1x632x32xf32, #tpu.memory_space<hbm>>
      %dma_start3A_121 = tpu.memref_squeeze %dma_start3A_120 : memref<1x632x32xf32, #tpu.memory_space<hbm>> -> memref<632x32xf32, #tpu.memory_space<hbm>>
      %dma_start3A_122 = arith.constant 0 : i32
      %dma_start3A_123 = tpu.memref_slice %arg7[%mul3A_2, %dma_start3A_122] : memref<10112x32xf32, #tpu.memory_space<vmem_shared>> -> memref<632x32xf32, #tpu.memory_space<vmem_shared>>
      tpu.enqueue_dma source(%dma_start3A_123 : memref<632x32xf32, #tpu.memory_space<vmem_shared>>) target(%dma_start3A_121 : memref<632x32xf32, #tpu.memory_space<hbm>>) target_semaphore(%run_scoped3A : memref<!tpu.dma_semaphore, #tpu.memory_space<semaphore_mem>>)
      %dma_wait3A_124 = arith.constant 0 : i32
      %dma_wait3A_125 = tpu.memref_slice %arg6[%arg0, %mul3A_2, %dma_wait3A_124] : memref<2x10112x32xf32, #tpu.memory_space<hbm>> -> memref<1x632x32xf32, #tpu.memory_space<hbm>>
      %dma_wait3A_126 = tpu.memref_squeeze %dma_wait3A_125 : memref<1x632x32xf32, #tpu.memory_space<hbm>> -> memref<632x32xf32, #tpu.memory_space<hbm>>
      %dma_wait3A_127 = arith.constant 0 : i32
      %dma_wait3A_128 = tpu.memref_slice %arg7[%mul3A_2, %dma_wait3A_127] : memref<10112x32xf32, #tpu.memory_space<vmem_shared>> -> memref<632x32xf32, #tpu.memory_space<vmem_shared>>
      tpu.wait_dma2 semaphore(%run_scoped3A : memref<!tpu.dma_semaphore, #tpu.memory_space<semaphore_mem>>) src(%dma_wait3A_128 : memref<632x32xf32, #tpu.memory_space<vmem_shared>>) dst(%dma_wait3A_126 : memref<632x32xf32, #tpu.memory_space<hbm>>)
      tpu.yield
    }) : () -> ()
    return
  }
}

#map = affine_map<(d0, d1) -> (0, 0, 0)>
#map1 = affine_map<(d0, d1) -> (0, 0)>
module attributes {stable_mosaic.version = 14 : i64} {
  func.func @_sc_push(%arg0: i32, %arg1: i32, %arg2: memref<32x80x128xi32, #tpu.memory_space<hbm>>, %arg3: memref<32x80x128xi32, #tpu.memory_space<hbm>>, %arg4: memref<10112x32xf32, #tpu.memory_space<hbm>>, %arg5: memref<10112x32xf32, #tpu.memory_space<hbm>>, %arg6: memref<2x10112x32xf32, #tpu.memory_space<hbm>>, %arg7: memref<10112x32xf32, #tpu.memory_space<vmem_shared>>, %arg8: memref<80x128xi32, #tpu.memory_space<vmem>>, %arg9: memref<80x128xi32, #tpu.memory_space<vmem>>, %arg10: memref<128x32xf32, #tpu.memory_space<vmem>>, %arg11: memref<128x32xf32, #tpu.memory_space<vmem>>, %arg12: memref<128x32xf32, #tpu.memory_space<vmem>>, %arg13: memref<128x32xf32, #tpu.memory_space<vmem>>, %arg14: memref<128x32xf32, #tpu.memory_space<vmem>>, %arg15: memref<128x32xf32, #tpu.memory_space<vmem>>, %arg16: memref<128x32xf32, #tpu.memory_space<vmem>>, %arg17: memref<128x32xf32, #tpu.memory_space<vmem>>, %arg18: memref<!tpu.dma_semaphore, #tpu.memory_space<semaphore_mem>>, %arg19: memref<!tpu.dma_semaphore, #tpu.memory_space<semaphore_mem>>, %arg20: memref<!tpu.dma_semaphore, #tpu.memory_space<semaphore_mem>>, %arg21: memref<!tpu.dma_semaphore, #tpu.memory_space<semaphore_mem>>, %arg22: memref<!tpu.dma_semaphore, #tpu.memory_space<semaphore_mem>>, %arg23: memref<!tpu.dma_semaphore, #tpu.memory_space<semaphore_mem>>, %arg24: memref<!tpu.dma_semaphore, #tpu.memory_space<semaphore_mem>>, %arg25: memref<!tpu.dma_semaphore, #tpu.memory_space<semaphore_mem>>, %arg26: memref<!tpu.dma_semaphore, #tpu.memory_space<semaphore_mem>>, %arg27: memref<!tpu.dma_semaphore, #tpu.memory_space<semaphore_mem>>, %arg28: memref<!tpu.dma_semaphore, #tpu.memory_space<semaphore_mem>>, %arg29: memref<!tpu.dma_semaphore, #tpu.memory_space<semaphore_mem>>, %arg30: memref<!tpu.dma_semaphore, #tpu.memory_space<semaphore_mem>>, %arg31: memref<!tpu.dma_semaphore, #tpu.memory_space<semaphore_mem>>, %arg32: memref<!tpu.dma_semaphore, #tpu.memory_space<semaphore_mem>>, %arg33: memref<!tpu.dma_semaphore, #tpu.memory_space<semaphore_mem>>) attributes {dimension_semantics = [#tpu.dimension_semantics<core_parallel>, #tpu.dimension_semantics<subcore_parallel>], iteration_bounds = array<i64: 2, 16>, scalar_prefetch = 0 : i64, scratch_operands = 27 : i64, tpu.core_type = #tpu.core_type<sc_vector_subcore>, window_params = [{transform_indices = #map}, {transform_indices = #map}, {transform_indices = #map1}, {transform_indices = #map1}, {transform_indices = #map}]} {
    %mul3A = arith.constant 2 : i32
    %mul3A_0 = arith.muli %arg1, %mul3A : i32
    %add3A = arith.addi %mul3A_0, %arg0 : i32
    %mul3A_1 = arith.constant 632 : i32
    %mul3A_2 = arith.muli %arg1, %mul3A_1 : i32
    "tpu.region"() ({
      %run_scoped3A = tpu.sem_alloc : memref<!tpu.dma_semaphore, #tpu.memory_space<semaphore_mem>>
      %dma_start3A_119 = arith.constant 0 : i32
      %dma_start3A_120 = tpu.memref_slice %arg7[%mul3A_2, %dma_start3A_119] : memref<10112x32xf32, #tpu.memory_space<vmem_shared>> -> memref<632x32xf32, #tpu.memory_space<vmem_shared>>
      %dma_start3A_121 = arith.constant 0 : i32
      %dma_start3A_122 = tpu.memref_slice %arg5[%mul3A_2, %dma_start3A_121] : memref<10112x32xf32, #tpu.memory_space<hbm>> -> memref<632x32xf32, #tpu.memory_space<hbm>>
      tpu.enqueue_dma source(%dma_start3A_122 : memref<632x32xf32, #tpu.memory_space<hbm>>) target(%dma_start3A_120 : memref<632x32xf32, #tpu.memory_space<vmem_shared>>) target_semaphore(%run_scoped3A : memref<!tpu.dma_semaphore, #tpu.memory_space<semaphore_mem>>)
      %dma_wait3A_123 = arith.constant 0 : i32
      %dma_wait3A_124 = tpu.memref_slice %arg7[%mul3A_2, %dma_wait3A_123] : memref<10112x32xf32, #tpu.memory_space<vmem_shared>> -> memref<632x32xf32, #tpu.memory_space<vmem_shared>>
      %dma_wait3A_125 = arith.constant 0 : i32
      %dma_wait3A_126 = tpu.memref_slice %arg5[%mul3A_2, %dma_wait3A_125] : memref<10112x32xf32, #tpu.memory_space<hbm>> -> memref<632x32xf32, #tpu.memory_space<hbm>>
      tpu.wait_dma2 semaphore(%run_scoped3A : memref<!tpu.dma_semaphore, #tpu.memory_space<semaphore_mem>>) src(%dma_wait3A_126 : memref<632x32xf32, #tpu.memory_space<hbm>>) dst(%dma_wait3A_124 : memref<632x32xf32, #tpu.memory_space<vmem_shared>>)
      tpu.yield
    }) : () -> ()
    "tpu.region"() ({
      %run_scoped3A = tpu.sem_alloc : memref<!tpu.dma_semaphore, #tpu.memory_space<semaphore_mem>>
      %dma_start3A_119 = arith.constant 0 : i32
      %dma_start3A_120 = arith.constant 0 : i32
      %dma_start3A_121 = tpu.memref_slice %arg2[%add3A, %dma_start3A_119, %dma_start3A_120] : memref<32x80x128xi32, #tpu.memory_space<hbm>> -> memref<1x80x128xi32, #tpu.memory_space<hbm>>
      %dma_start3A_122 = tpu.memref_squeeze %dma_start3A_121 : memref<1x80x128xi32, #tpu.memory_space<hbm>> -> memref<80x128xi32, #tpu.memory_space<hbm>>
      %dma_start3A_123 = arith.constant 0 : i32
      %dma_start3A_124 = arith.constant 0 : i32
      %dma_start3A_125 = tpu.memref_slice %arg2[%add3A, %dma_start3A_123, %dma_start3A_124] : memref<32x80x128xi32, #tpu.memory_space<hbm>> -> memref<1x80x128xi32, #tpu.memory_space<hbm>>
      %dma_start3A_126 = tpu.memref_squeeze %dma_start3A_125 : memref<1x80x128xi32, #tpu.memory_space<hbm>> -> memref<80x128xi32, #tpu.memory_space<hbm>>
      tpu.enqueue_dma source(%dma_start3A_126 : memref<80x128xi32, #tpu.memory_space<hbm>>) target(%arg8 : memref<80x128xi32, #tpu.memory_space<vmem>>) target_semaphore(%run_scoped3A : memref<!tpu.dma_semaphore, #tpu.memory_space<semaphore_mem>>)
      %dma_wait3A_127 = arith.constant 0 : i32
      %dma_wait3A_128 = arith.constant 0 : i32
      %dma_wait3A_129 = tpu.memref_slice %arg2[%add3A, %dma_wait3A_127, %dma_wait3A_128] : memref<32x80x128xi32, #tpu.memory_space<hbm>> -> memref<1x80x128xi32, #tpu.memory_space<hbm>>
      %dma_wait3A_130 = tpu.memref_squeeze %dma_wait3A_129 : memref<1x80x128xi32, #tpu.memory_space<hbm>> -> memref<80x128xi32, #tpu.memory_space<hbm>>
      %dma_wait3A_131 = arith.constant 0 : i32
      %dma_wait3A_132 = arith.constant 0 : i32
      %dma_wait3A_133 = tpu.memref_slice %arg2[%add3A, %dma_wait3A_131, %dma_wait3A_132] : memref<32x80x128xi32, #tpu.memory_space<hbm>> -> memref<1x80x128xi32, #tpu.memory_space<hbm>>
      %dma_wait3A_134 = tpu.memref_squeeze %dma_wait3A_133 : memref<1x80x128xi32, #tpu.memory_space<hbm>> -> memref<80x128xi32, #tpu.memory_space<hbm>>
      tpu.wait_dma2 semaphore(%run_scoped3A : memref<!tpu.dma_semaphore, #tpu.memory_space<semaphore_mem>>) src(%dma_wait3A_134 : memref<80x128xi32, #tpu.memory_space<hbm>>) dst(%arg8 : memref<80x128xi32, #tpu.memory_space<vmem>>)
      tpu.yield
    }) : () -> ()
    "tpu.region"() ({
      %run_scoped3A = tpu.sem_alloc : memref<!tpu.dma_semaphore, #tpu.memory_space<semaphore_mem>>
      %dma_start3A_119 = arith.constant 0 : i32
      %dma_start3A_120 = arith.constant 0 : i32
      %dma_start3A_121 = tpu.memref_slice %arg3[%add3A, %dma_start3A_119, %dma_start3A_120] : memref<32x80x128xi32, #tpu.memory_space<hbm>> -> memref<1x80x128xi32, #tpu.memory_space<hbm>>
      %dma_start3A_122 = tpu.memref_squeeze %dma_start3A_121 : memref<1x80x128xi32, #tpu.memory_space<hbm>> -> memref<80x128xi32, #tpu.memory_space<hbm>>
      %dma_start3A_123 = arith.constant 0 : i32
      %dma_start3A_124 = arith.constant 0 : i32
      %dma_start3A_125 = tpu.memref_slice %arg3[%add3A, %dma_start3A_123, %dma_start3A_124] : memref<32x80x128xi32, #tpu.memory_space<hbm>> -> memref<1x80x128xi32, #tpu.memory_space<hbm>>
      %dma_start3A_126 = tpu.memref_squeeze %dma_start3A_125 : memref<1x80x128xi32, #tpu.memory_space<hbm>> -> memref<80x128xi32, #tpu.memory_space<hbm>>
      tpu.enqueue_dma source(%dma_start3A_126 : memref<80x128xi32, #tpu.memory_space<hbm>>) target(%arg9 : memref<80x128xi32, #tpu.memory_space<vmem>>) target_semaphore(%run_scoped3A : memref<!tpu.dma_semaphore, #tpu.memory_space<semaphore_mem>>)
      %dma_wait3A_127 = arith.constant 0 : i32
      %dma_wait3A_128 = arith.constant 0 : i32
      %dma_wait3A_129 = tpu.memref_slice %arg3[%add3A, %dma_wait3A_127, %dma_wait3A_128] : memref<32x80x128xi32, #tpu.memory_space<hbm>> -> memref<1x80x128xi32, #tpu.memory_space<hbm>>
      %dma_wait3A_130 = tpu.memref_squeeze %dma_wait3A_129 : memref<1x80x128xi32, #tpu.memory_space<hbm>> -> memref<80x128xi32, #tpu.memory_space<hbm>>
      %dma_wait3A_131 = arith.constant 0 : i32
      %dma_wait3A_132 = arith.constant 0 : i32
      %dma_wait3A_133 = tpu.memref_slice %arg3[%add3A, %dma_wait3A_131, %dma_wait3A_132] : memref<32x80x128xi32, #tpu.memory_space<hbm>> -> memref<1x80x128xi32, #tpu.memory_space<hbm>>
      %dma_wait3A_134 = tpu.memref_squeeze %dma_wait3A_133 : memref<1x80x128xi32, #tpu.memory_space<hbm>> -> memref<80x128xi32, #tpu.memory_space<hbm>>
      tpu.wait_dma2 semaphore(%run_scoped3A : memref<!tpu.dma_semaphore, #tpu.memory_space<semaphore_mem>>) src(%dma_wait3A_134 : memref<80x128xi32, #tpu.memory_space<hbm>>) dst(%arg9 : memref<80x128xi32, #tpu.memory_space<vmem>>)
      tpu.yield
    }) : () -> ()
    %barrier3A = arith.constant 0 : index
    tpu.barrier barrier_id(%barrier3A)
    %dma_start3A = arith.constant 0 : i32
    %dma_start3A_3 = arith.constant 0 : i32
    %dma_start3A_4 = tpu.memref_slice %arg8[%dma_start3A, %dma_start3A_3] : memref<80x128xi32, #tpu.memory_space<vmem>> -> memref<1x128xi32, #tpu.memory_space<vmem>>
    %dma_start3A_5 = tpu.memref_squeeze %dma_start3A_4 : memref<1x128xi32, #tpu.memory_space<vmem>> -> memref<128xi32, #tpu.memory_space<vmem>>
    %dma_start3A_6 = arith.constant 0 : i32
    %dma_start3A_7 = arith.constant 0 : i32
    %dma_start3A_8 = tpu.memref_slice %arg4[%dma_start3A_6, %dma_start3A_7] : memref<10112x32xf32, #tpu.memory_space<hbm>> -> memref<10112x32xf32, #tpu.memory_space<hbm>>
    tpu.enqueue_indirect_dma source(%dma_start3A_8 : memref<10112x32xf32, #tpu.memory_space<hbm>>) target(%arg10 : memref<128x32xf32, #tpu.memory_space<vmem>>) offsets(%dma_start3A_5 : memref<128xi32, #tpu.memory_space<vmem>>) semaphore(%arg18 : memref<!tpu.dma_semaphore, #tpu.memory_space<semaphore_mem>>)
    %dma_start3A_9 = arith.constant 1 : i32
    %dma_start3A_10 = arith.constant 0 : i32
    %dma_start3A_11 = tpu.memref_slice %arg8[%dma_start3A_9, %dma_start3A_10] : memref<80x128xi32, #tpu.memory_space<vmem>> -> memref<1x128xi32, #tpu.memory_space<vmem>>
    %dma_start3A_12 = tpu.memref_squeeze %dma_start3A_11 : memref<1x128xi32, #tpu.memory_space<vmem>> -> memref<128xi32, #tpu.memory_space<vmem>>
    %dma_start3A_13 = arith.constant 0 : i32
    %dma_start3A_14 = arith.constant 0 : i32
    %dma_start3A_15 = tpu.memref_slice %arg4[%dma_start3A_13, %dma_start3A_14] : memref<10112x32xf32, #tpu.memory_space<hbm>> -> memref<10112x32xf32, #tpu.memory_space<hbm>>
    tpu.enqueue_indirect_dma source(%dma_start3A_15 : memref<10112x32xf32, #tpu.memory_space<hbm>>) target(%arg11 : memref<128x32xf32, #tpu.memory_space<vmem>>) offsets(%dma_start3A_12 : memref<128xi32, #tpu.memory_space<vmem>>) semaphore(%arg19 : memref<!tpu.dma_semaphore, #tpu.memory_space<semaphore_mem>>)
    %dma_start3A_16 = arith.constant 2 : i32
    %dma_start3A_17 = arith.constant 0 : i32
    %dma_start3A_18 = tpu.memref_slice %arg8[%dma_start3A_16, %dma_start3A_17] : memref<80x128xi32, #tpu.memory_space<vmem>> -> memref<1x128xi32, #tpu.memory_space<vmem>>
    %dma_start3A_19 = tpu.memref_squeeze %dma_start3A_18 : memref<1x128xi32, #tpu.memory_space<vmem>> -> memref<128xi32, #tpu.memory_space<vmem>>
    %dma_start3A_20 = arith.constant 0 : i32
    %dma_start3A_21 = arith.constant 0 : i32
    %dma_start3A_22 = tpu.memref_slice %arg4[%dma_start3A_20, %dma_start3A_21] : memref<10112x32xf32, #tpu.memory_space<hbm>> -> memref<10112x32xf32, #tpu.memory_space<hbm>>
    tpu.enqueue_indirect_dma source(%dma_start3A_22 : memref<10112x32xf32, #tpu.memory_space<hbm>>) target(%arg12 : memref<128x32xf32, #tpu.memory_space<vmem>>) offsets(%dma_start3A_19 : memref<128xi32, #tpu.memory_space<vmem>>) semaphore(%arg20 : memref<!tpu.dma_semaphore, #tpu.memory_space<semaphore_mem>>)
    %dma_start3A_23 = arith.constant 3 : i32
    %dma_start3A_24 = arith.constant 0 : i32
    %dma_start3A_25 = tpu.memref_slice %arg8[%dma_start3A_23, %dma_start3A_24] : memref<80x128xi32, #tpu.memory_space<vmem>> -> memref<1x128xi32, #tpu.memory_space<vmem>>
    %dma_start3A_26 = tpu.memref_squeeze %dma_start3A_25 : memref<1x128xi32, #tpu.memory_space<vmem>> -> memref<128xi32, #tpu.memory_space<vmem>>
    %dma_start3A_27 = arith.constant 0 : i32
    %dma_start3A_28 = arith.constant 0 : i32
    %dma_start3A_29 = tpu.memref_slice %arg4[%dma_start3A_27, %dma_start3A_28] : memref<10112x32xf32, #tpu.memory_space<hbm>> -> memref<10112x32xf32, #tpu.memory_space<hbm>>
    tpu.enqueue_indirect_dma source(%dma_start3A_29 : memref<10112x32xf32, #tpu.memory_space<hbm>>) target(%arg13 : memref<128x32xf32, #tpu.memory_space<vmem>>) offsets(%dma_start3A_26 : memref<128xi32, #tpu.memory_space<vmem>>) semaphore(%arg21 : memref<!tpu.dma_semaphore, #tpu.memory_space<semaphore_mem>>)
    %dma_start3A_30 = arith.constant 4 : i32
    %dma_start3A_31 = arith.constant 0 : i32
    %dma_start3A_32 = tpu.memref_slice %arg8[%dma_start3A_30, %dma_start3A_31] : memref<80x128xi32, #tpu.memory_space<vmem>> -> memref<1x128xi32, #tpu.memory_space<vmem>>
    %dma_start3A_33 = tpu.memref_squeeze %dma_start3A_32 : memref<1x128xi32, #tpu.memory_space<vmem>> -> memref<128xi32, #tpu.memory_space<vmem>>
    %dma_start3A_34 = arith.constant 0 : i32
    %dma_start3A_35 = arith.constant 0 : i32
    %dma_start3A_36 = tpu.memref_slice %arg4[%dma_start3A_34, %dma_start3A_35] : memref<10112x32xf32, #tpu.memory_space<hbm>> -> memref<10112x32xf32, #tpu.memory_space<hbm>>
    tpu.enqueue_indirect_dma source(%dma_start3A_36 : memref<10112x32xf32, #tpu.memory_space<hbm>>) target(%arg14 : memref<128x32xf32, #tpu.memory_space<vmem>>) offsets(%dma_start3A_33 : memref<128xi32, #tpu.memory_space<vmem>>) semaphore(%arg22 : memref<!tpu.dma_semaphore, #tpu.memory_space<semaphore_mem>>)
    %dma_start3A_37 = arith.constant 5 : i32
    %dma_start3A_38 = arith.constant 0 : i32
    %dma_start3A_39 = tpu.memref_slice %arg8[%dma_start3A_37, %dma_start3A_38] : memref<80x128xi32, #tpu.memory_space<vmem>> -> memref<1x128xi32, #tpu.memory_space<vmem>>
    %dma_start3A_40 = tpu.memref_squeeze %dma_start3A_39 : memref<1x128xi32, #tpu.memory_space<vmem>> -> memref<128xi32, #tpu.memory_space<vmem>>
    %dma_start3A_41 = arith.constant 0 : i32
    %dma_start3A_42 = arith.constant 0 : i32
    %dma_start3A_43 = tpu.memref_slice %arg4[%dma_start3A_41, %dma_start3A_42] : memref<10112x32xf32, #tpu.memory_space<hbm>> -> memref<10112x32xf32, #tpu.memory_space<hbm>>
    tpu.enqueue_indirect_dma source(%dma_start3A_43 : memref<10112x32xf32, #tpu.memory_space<hbm>>) target(%arg15 : memref<128x32xf32, #tpu.memory_space<vmem>>) offsets(%dma_start3A_40 : memref<128xi32, #tpu.memory_space<vmem>>) semaphore(%arg23 : memref<!tpu.dma_semaphore, #tpu.memory_space<semaphore_mem>>)
    %dma_start3A_44 = arith.constant 6 : i32
    %dma_start3A_45 = arith.constant 0 : i32
    %dma_start3A_46 = tpu.memref_slice %arg8[%dma_start3A_44, %dma_start3A_45] : memref<80x128xi32, #tpu.memory_space<vmem>> -> memref<1x128xi32, #tpu.memory_space<vmem>>
    %dma_start3A_47 = tpu.memref_squeeze %dma_start3A_46 : memref<1x128xi32, #tpu.memory_space<vmem>> -> memref<128xi32, #tpu.memory_space<vmem>>
    %dma_start3A_48 = arith.constant 0 : i32
    %dma_start3A_49 = arith.constant 0 : i32
    %dma_start3A_50 = tpu.memref_slice %arg4[%dma_start3A_48, %dma_start3A_49] : memref<10112x32xf32, #tpu.memory_space<hbm>> -> memref<10112x32xf32, #tpu.memory_space<hbm>>
    tpu.enqueue_indirect_dma source(%dma_start3A_50 : memref<10112x32xf32, #tpu.memory_space<hbm>>) target(%arg16 : memref<128x32xf32, #tpu.memory_space<vmem>>) offsets(%dma_start3A_47 : memref<128xi32, #tpu.memory_space<vmem>>) semaphore(%arg24 : memref<!tpu.dma_semaphore, #tpu.memory_space<semaphore_mem>>)
    %dma_start3A_51 = arith.constant 7 : i32
    %dma_start3A_52 = arith.constant 0 : i32
    %dma_start3A_53 = tpu.memref_slice %arg8[%dma_start3A_51, %dma_start3A_52] : memref<80x128xi32, #tpu.memory_space<vmem>> -> memref<1x128xi32, #tpu.memory_space<vmem>>
    %dma_start3A_54 = tpu.memref_squeeze %dma_start3A_53 : memref<1x128xi32, #tpu.memory_space<vmem>> -> memref<128xi32, #tpu.memory_space<vmem>>
    %dma_start3A_55 = arith.constant 0 : i32
    %dma_start3A_56 = arith.constant 0 : i32
    %dma_start3A_57 = tpu.memref_slice %arg4[%dma_start3A_55, %dma_start3A_56] : memref<10112x32xf32, #tpu.memory_space<hbm>> -> memref<10112x32xf32, #tpu.memory_space<hbm>>
    tpu.enqueue_indirect_dma source(%dma_start3A_57 : memref<10112x32xf32, #tpu.memory_space<hbm>>) target(%arg17 : memref<128x32xf32, #tpu.memory_space<vmem>>) offsets(%dma_start3A_54 : memref<128xi32, #tpu.memory_space<vmem>>) semaphore(%arg25 : memref<!tpu.dma_semaphore, #tpu.memory_space<semaphore_mem>>)
    %scan3A = arith.constant 0 : i32
    %scan3A_58 = arith.constant 0 : i32
    %scan3A_59 = arith.constant 10 : i32
    %scan3A_60 = arith.addi %scan3A_58, %scan3A_59 : i32
    %scan3A_61 = arith.constant 1 : i32
    scf.for %scan3A_119 = %scan3A_58 to %scan3A_60 step %scan3A_61  : i32 {
      %mul3A_120 = arith.constant 8 : i32
      %mul3A_121 = arith.muli %scan3A_119, %mul3A_120 : i32
      %add3A_122 = arith.constant 0 : i32
      %add3A_123 = arith.addi %mul3A_121, %add3A_122 : i32
      %dma_wait3A_124 = arith.constant 0 : i32
      %dma_wait3A_125 = tpu.memref_slice %arg8[%add3A_123, %dma_wait3A_124] : memref<80x128xi32, #tpu.memory_space<vmem>> -> memref<1x128xi32, #tpu.memory_space<vmem>>
      %dma_wait3A_126 = tpu.memref_squeeze %dma_wait3A_125 : memref<1x128xi32, #tpu.memory_space<vmem>> -> memref<128xi32, #tpu.memory_space<vmem>>
      %dma_wait3A_127 = arith.constant 0 : i32
      %dma_wait3A_128 = arith.constant 0 : i32
      %dma_wait3A_129 = tpu.memref_slice %arg4[%dma_wait3A_127, %dma_wait3A_128] : memref<10112x32xf32, #tpu.memory_space<hbm>> -> memref<10112x32xf32, #tpu.memory_space<hbm>>
      tpu.wait_indirect_dma semaphore(%arg18 : memref<!tpu.dma_semaphore, #tpu.memory_space<semaphore_mem>>) src(%dma_wait3A_129 : memref<10112x32xf32, #tpu.memory_space<hbm>>) dst(%arg10 : memref<128x32xf32, #tpu.memory_space<vmem>>)
      %dma_start3A_130 = arith.constant 0 : i32
      %dma_start3A_131 = tpu.memref_slice %arg9[%add3A_123, %dma_start3A_130] : memref<80x128xi32, #tpu.memory_space<vmem>> -> memref<1x128xi32, #tpu.memory_space<vmem>>
      %dma_start3A_132 = tpu.memref_squeeze %dma_start3A_131 : memref<1x128xi32, #tpu.memory_space<vmem>> -> memref<128xi32, #tpu.memory_space<vmem>>
      %dma_start3A_133 = arith.constant 0 : i32
      %dma_start3A_134 = arith.constant 0 : i32
      %dma_start3A_135 = tpu.memref_slice %arg7[%dma_start3A_133, %dma_start3A_134] : memref<10112x32xf32, #tpu.memory_space<vmem_shared>> -> memref<10112x32xf32, #tpu.memory_space<vmem_shared>>
      tpu.enqueue_indirect_dma source(%arg10 : memref<128x32xf32, #tpu.memory_space<vmem>>) target(%dma_start3A_135 : memref<10112x32xf32, #tpu.memory_space<vmem_shared>>) offsets(%dma_start3A_132 : memref<128xi32, #tpu.memory_space<vmem>>) semaphore(%arg26 : memref<!tpu.dma_semaphore, #tpu.memory_space<semaphore_mem>>) {add = true}
      %add3A_136 = arith.constant 8 : i32
      %add3A_137 = arith.addi %add3A_123, %add3A_136 : i32
      %lt3A = arith.constant 80 : i32
      %lt3A_138 = arith.cmpi slt, %add3A_137, %lt3A : i32
      %convert_element_type3A = arith.extui %lt3A_138 : i1 to i32
      %cond3A = arith.constant 0 : i32
      %cond3A_139 = arith.cmpi ne, %convert_element_type3A, %cond3A : i32
      scf.if %cond3A_139 {
        %dma_wait3A_301 = arith.constant 0 : i32
        %dma_wait3A_302 = tpu.memref_slice %arg9[%add3A_123, %dma_wait3A_301] : memref<80x128xi32, #tpu.memory_space<vmem>> -> memref<1x128xi32, #tpu.memory_space<vmem>>
        %dma_wait3A_303 = tpu.memref_squeeze %dma_wait3A_302 : memref<1x128xi32, #tpu.memory_space<vmem>> -> memref<128xi32, #tpu.memory_space<vmem>>
        %dma_wait3A_304 = arith.constant 0 : i32
        %dma_wait3A_305 = arith.constant 0 : i32
        %dma_wait3A_306 = tpu.memref_slice %arg7[%dma_wait3A_304, %dma_wait3A_305] : memref<10112x32xf32, #tpu.memory_space<vmem_shared>> -> memref<10112x32xf32, #tpu.memory_space<vmem_shared>>
        tpu.wait_indirect_dma semaphore(%arg26 : memref<!tpu.dma_semaphore, #tpu.memory_space<semaphore_mem>>) src(%arg10 : memref<128x32xf32, #tpu.memory_space<vmem>>) dst(%dma_wait3A_306 : memref<10112x32xf32, #tpu.memory_space<vmem_shared>>)
        %dma_start3A_307 = arith.constant 0 : i32
        %dma_start3A_308 = tpu.memref_slice %arg8[%add3A_137, %dma_start3A_307] : memref<80x128xi32, #tpu.memory_space<vmem>> -> memref<1x128xi32, #tpu.memory_space<vmem>>
        %dma_start3A_309 = tpu.memref_squeeze %dma_start3A_308 : memref<1x128xi32, #tpu.memory_space<vmem>> -> memref<128xi32, #tpu.memory_space<vmem>>
        %dma_start3A_310 = arith.constant 0 : i32
        %dma_start3A_311 = arith.constant 0 : i32
        %dma_start3A_312 = tpu.memref_slice %arg4[%dma_start3A_310, %dma_start3A_311] : memref<10112x32xf32, #tpu.memory_space<hbm>> -> memref<10112x32xf32, #tpu.memory_space<hbm>>
        tpu.enqueue_indirect_dma source(%dma_start3A_312 : memref<10112x32xf32, #tpu.memory_space<hbm>>) target(%arg10 : memref<128x32xf32, #tpu.memory_space<vmem>>) offsets(%dma_start3A_309 : memref<128xi32, #tpu.memory_space<vmem>>) semaphore(%arg18 : memref<!tpu.dma_semaphore, #tpu.memory_space<semaphore_mem>>)
      } else {
      }
      %mul3A_140 = arith.constant 8 : i32
      %mul3A_141 = arith.muli %scan3A_119, %mul3A_140 : i32
      %add3A_142 = arith.constant 1 : i32
      %add3A_143 = arith.addi %mul3A_141, %add3A_142 : i32
      %dma_wait3A_144 = arith.constant 0 : i32
      %dma_wait3A_145 = tpu.memref_slice %arg8[%add3A_143, %dma_wait3A_144] : memref<80x128xi32, #tpu.memory_space<vmem>> -> memref<1x128xi32, #tpu.memory_space<vmem>>
      %dma_wait3A_146 = tpu.memref_squeeze %dma_wait3A_145 : memref<1x128xi32, #tpu.memory_space<vmem>> -> memref<128xi32, #tpu.memory_space<vmem>>
      %dma_wait3A_147 = arith.constant 0 : i32
      %dma_wait3A_148 = arith.constant 0 : i32
      %dma_wait3A_149 = tpu.memref_slice %arg4[%dma_wait3A_147, %dma_wait3A_148] : memref<10112x32xf32, #tpu.memory_space<hbm>> -> memref<10112x32xf32, #tpu.memory_space<hbm>>
      tpu.wait_indirect_dma semaphore(%arg19 : memref<!tpu.dma_semaphore, #tpu.memory_space<semaphore_mem>>) src(%dma_wait3A_149 : memref<10112x32xf32, #tpu.memory_space<hbm>>) dst(%arg11 : memref<128x32xf32, #tpu.memory_space<vmem>>)
      %dma_start3A_150 = arith.constant 0 : i32
      %dma_start3A_151 = tpu.memref_slice %arg9[%add3A_143, %dma_start3A_150] : memref<80x128xi32, #tpu.memory_space<vmem>> -> memref<1x128xi32, #tpu.memory_space<vmem>>
      %dma_start3A_152 = tpu.memref_squeeze %dma_start3A_151 : memref<1x128xi32, #tpu.memory_space<vmem>> -> memref<128xi32, #tpu.memory_space<vmem>>
      %dma_start3A_153 = arith.constant 0 : i32
      %dma_start3A_154 = arith.constant 0 : i32
      %dma_start3A_155 = tpu.memref_slice %arg7[%dma_start3A_153, %dma_start3A_154] : memref<10112x32xf32, #tpu.memory_space<vmem_shared>> -> memref<10112x32xf32, #tpu.memory_space<vmem_shared>>
      tpu.enqueue_indirect_dma source(%arg11 : memref<128x32xf32, #tpu.memory_space<vmem>>) target(%dma_start3A_155 : memref<10112x32xf32, #tpu.memory_space<vmem_shared>>) offsets(%dma_start3A_152 : memref<128xi32, #tpu.memory_space<vmem>>) semaphore(%arg27 : memref<!tpu.dma_semaphore, #tpu.memory_space<semaphore_mem>>) {add = true}
      %add3A_156 = arith.constant 8 : i32
      %add3A_157 = arith.addi %add3A_143, %add3A_156 : i32
      %lt3A_158 = arith.constant 80 : i32
      %lt3A_159 = arith.cmpi slt, %add3A_157, %lt3A_158 : i32
      %convert_element_type3A_160 = arith.extui %lt3A_159 : i1 to i32
      %cond3A_161 = arith.constant 0 : i32
      %cond3A_162 = arith.cmpi ne, %convert_element_type3A_160, %cond3A_161 : i32
      scf.if %cond3A_162 {
        %dma_wait3A_301 = arith.constant 0 : i32
        %dma_wait3A_302 = tpu.memref_slice %arg9[%add3A_143, %dma_wait3A_301] : memref<80x128xi32, #tpu.memory_space<vmem>> -> memref<1x128xi32, #tpu.memory_space<vmem>>
        %dma_wait3A_303 = tpu.memref_squeeze %dma_wait3A_302 : memref<1x128xi32, #tpu.memory_space<vmem>> -> memref<128xi32, #tpu.memory_space<vmem>>
        %dma_wait3A_304 = arith.constant 0 : i32
        %dma_wait3A_305 = arith.constant 0 : i32
        %dma_wait3A_306 = tpu.memref_slice %arg7[%dma_wait3A_304, %dma_wait3A_305] : memref<10112x32xf32, #tpu.memory_space<vmem_shared>> -> memref<10112x32xf32, #tpu.memory_space<vmem_shared>>
        tpu.wait_indirect_dma semaphore(%arg27 : memref<!tpu.dma_semaphore, #tpu.memory_space<semaphore_mem>>) src(%arg11 : memref<128x32xf32, #tpu.memory_space<vmem>>) dst(%dma_wait3A_306 : memref<10112x32xf32, #tpu.memory_space<vmem_shared>>)
        %dma_start3A_307 = arith.constant 0 : i32
        %dma_start3A_308 = tpu.memref_slice %arg8[%add3A_157, %dma_start3A_307] : memref<80x128xi32, #tpu.memory_space<vmem>> -> memref<1x128xi32, #tpu.memory_space<vmem>>
        %dma_start3A_309 = tpu.memref_squeeze %dma_start3A_308 : memref<1x128xi32, #tpu.memory_space<vmem>> -> memref<128xi32, #tpu.memory_space<vmem>>
        %dma_start3A_310 = arith.constant 0 : i32
        %dma_start3A_311 = arith.constant 0 : i32
        %dma_start3A_312 = tpu.memref_slice %arg4[%dma_start3A_310, %dma_start3A_311] : memref<10112x32xf32, #tpu.memory_space<hbm>> -> memref<10112x32xf32, #tpu.memory_space<hbm>>
        tpu.enqueue_indirect_dma source(%dma_start3A_312 : memref<10112x32xf32, #tpu.memory_space<hbm>>) target(%arg11 : memref<128x32xf32, #tpu.memory_space<vmem>>) offsets(%dma_start3A_309 : memref<128xi32, #tpu.memory_space<vmem>>) semaphore(%arg19 : memref<!tpu.dma_semaphore, #tpu.memory_space<semaphore_mem>>)
      } else {
      }
      %mul3A_163 = arith.constant 8 : i32
      %mul3A_164 = arith.muli %scan3A_119, %mul3A_163 : i32
      %add3A_165 = arith.constant 2 : i32
      %add3A_166 = arith.addi %mul3A_164, %add3A_165 : i32
      %dma_wait3A_167 = arith.constant 0 : i32
      %dma_wait3A_168 = tpu.memref_slice %arg8[%add3A_166, %dma_wait3A_167] : memref<80x128xi32, #tpu.memory_space<vmem>> -> memref<1x128xi32, #tpu.memory_space<vmem>>
      %dma_wait3A_169 = tpu.memref_squeeze %dma_wait3A_168 : memref<1x128xi32, #tpu.memory_space<vmem>> -> memref<128xi32, #tpu.memory_space<vmem>>
      %dma_wait3A_170 = arith.constant 0 : i32
      %dma_wait3A_171 = arith.constant 0 : i32
      %dma_wait3A_172 = tpu.memref_slice %arg4[%dma_wait3A_170, %dma_wait3A_171] : memref<10112x32xf32, #tpu.memory_space<hbm>> -> memref<10112x32xf32, #tpu.memory_space<hbm>>
      tpu.wait_indirect_dma semaphore(%arg20 : memref<!tpu.dma_semaphore, #tpu.memory_space<semaphore_mem>>) src(%dma_wait3A_172 : memref<10112x32xf32, #tpu.memory_space<hbm>>) dst(%arg12 : memref<128x32xf32, #tpu.memory_space<vmem>>)
      %dma_start3A_173 = arith.constant 0 : i32
      %dma_start3A_174 = tpu.memref_slice %arg9[%add3A_166, %dma_start3A_173] : memref<80x128xi32, #tpu.memory_space<vmem>> -> memref<1x128xi32, #tpu.memory_space<vmem>>
      %dma_start3A_175 = tpu.memref_squeeze %dma_start3A_174 : memref<1x128xi32, #tpu.memory_space<vmem>> -> memref<128xi32, #tpu.memory_space<vmem>>
      %dma_start3A_176 = arith.constant 0 : i32
      %dma_start3A_177 = arith.constant 0 : i32
      %dma_start3A_178 = tpu.memref_slice %arg7[%dma_start3A_176, %dma_start3A_177] : memref<10112x32xf32, #tpu.memory_space<vmem_shared>> -> memref<10112x32xf32, #tpu.memory_space<vmem_shared>>
      tpu.enqueue_indirect_dma source(%arg12 : memref<128x32xf32, #tpu.memory_space<vmem>>) target(%dma_start3A_178 : memref<10112x32xf32, #tpu.memory_space<vmem_shared>>) offsets(%dma_start3A_175 : memref<128xi32, #tpu.memory_space<vmem>>) semaphore(%arg28 : memref<!tpu.dma_semaphore, #tpu.memory_space<semaphore_mem>>) {add = true}
      %add3A_179 = arith.constant 8 : i32
      %add3A_180 = arith.addi %add3A_166, %add3A_179 : i32
      %lt3A_181 = arith.constant 80 : i32
      %lt3A_182 = arith.cmpi slt, %add3A_180, %lt3A_181 : i32
      %convert_element_type3A_183 = arith.extui %lt3A_182 : i1 to i32
      %cond3A_184 = arith.constant 0 : i32
      %cond3A_185 = arith.cmpi ne, %convert_element_type3A_183, %cond3A_184 : i32
      scf.if %cond3A_185 {
        %dma_wait3A_301 = arith.constant 0 : i32
        %dma_wait3A_302 = tpu.memref_slice %arg9[%add3A_166, %dma_wait3A_301] : memref<80x128xi32, #tpu.memory_space<vmem>> -> memref<1x128xi32, #tpu.memory_space<vmem>>
        %dma_wait3A_303 = tpu.memref_squeeze %dma_wait3A_302 : memref<1x128xi32, #tpu.memory_space<vmem>> -> memref<128xi32, #tpu.memory_space<vmem>>
        %dma_wait3A_304 = arith.constant 0 : i32
        %dma_wait3A_305 = arith.constant 0 : i32
        %dma_wait3A_306 = tpu.memref_slice %arg7[%dma_wait3A_304, %dma_wait3A_305] : memref<10112x32xf32, #tpu.memory_space<vmem_shared>> -> memref<10112x32xf32, #tpu.memory_space<vmem_shared>>
        tpu.wait_indirect_dma semaphore(%arg28 : memref<!tpu.dma_semaphore, #tpu.memory_space<semaphore_mem>>) src(%arg12 : memref<128x32xf32, #tpu.memory_space<vmem>>) dst(%dma_wait3A_306 : memref<10112x32xf32, #tpu.memory_space<vmem_shared>>)
        %dma_start3A_307 = arith.constant 0 : i32
        %dma_start3A_308 = tpu.memref_slice %arg8[%add3A_180, %dma_start3A_307] : memref<80x128xi32, #tpu.memory_space<vmem>> -> memref<1x128xi32, #tpu.memory_space<vmem>>
        %dma_start3A_309 = tpu.memref_squeeze %dma_start3A_308 : memref<1x128xi32, #tpu.memory_space<vmem>> -> memref<128xi32, #tpu.memory_space<vmem>>
        %dma_start3A_310 = arith.constant 0 : i32
        %dma_start3A_311 = arith.constant 0 : i32
        %dma_start3A_312 = tpu.memref_slice %arg4[%dma_start3A_310, %dma_start3A_311] : memref<10112x32xf32, #tpu.memory_space<hbm>> -> memref<10112x32xf32, #tpu.memory_space<hbm>>
        tpu.enqueue_indirect_dma source(%dma_start3A_312 : memref<10112x32xf32, #tpu.memory_space<hbm>>) target(%arg12 : memref<128x32xf32, #tpu.memory_space<vmem>>) offsets(%dma_start3A_309 : memref<128xi32, #tpu.memory_space<vmem>>) semaphore(%arg20 : memref<!tpu.dma_semaphore, #tpu.memory_space<semaphore_mem>>)
      } else {
      }
      %mul3A_186 = arith.constant 8 : i32
      %mul3A_187 = arith.muli %scan3A_119, %mul3A_186 : i32
      %add3A_188 = arith.constant 3 : i32
      %add3A_189 = arith.addi %mul3A_187, %add3A_188 : i32
      %dma_wait3A_190 = arith.constant 0 : i32
      %dma_wait3A_191 = tpu.memref_slice %arg8[%add3A_189, %dma_wait3A_190] : memref<80x128xi32, #tpu.memory_space<vmem>> -> memref<1x128xi32, #tpu.memory_space<vmem>>
      %dma_wait3A_192 = tpu.memref_squeeze %dma_wait3A_191 : memref<1x128xi32, #tpu.memory_space<vmem>> -> memref<128xi32, #tpu.memory_space<vmem>>
      %dma_wait3A_193 = arith.constant 0 : i32
      %dma_wait3A_194 = arith.constant 0 : i32
      %dma_wait3A_195 = tpu.memref_slice %arg4[%dma_wait3A_193, %dma_wait3A_194] : memref<10112x32xf32, #tpu.memory_space<hbm>> -> memref<10112x32xf32, #tpu.memory_space<hbm>>
      tpu.wait_indirect_dma semaphore(%arg21 : memref<!tpu.dma_semaphore, #tpu.memory_space<semaphore_mem>>) src(%dma_wait3A_195 : memref<10112x32xf32, #tpu.memory_space<hbm>>) dst(%arg13 : memref<128x32xf32, #tpu.memory_space<vmem>>)
      %dma_start3A_196 = arith.constant 0 : i32
      %dma_start3A_197 = tpu.memref_slice %arg9[%add3A_189, %dma_start3A_196] : memref<80x128xi32, #tpu.memory_space<vmem>> -> memref<1x128xi32, #tpu.memory_space<vmem>>
      %dma_start3A_198 = tpu.memref_squeeze %dma_start3A_197 : memref<1x128xi32, #tpu.memory_space<vmem>> -> memref<128xi32, #tpu.memory_space<vmem>>
      %dma_start3A_199 = arith.constant 0 : i32
      %dma_start3A_200 = arith.constant 0 : i32
      %dma_start3A_201 = tpu.memref_slice %arg7[%dma_start3A_199, %dma_start3A_200] : memref<10112x32xf32, #tpu.memory_space<vmem_shared>> -> memref<10112x32xf32, #tpu.memory_space<vmem_shared>>
      tpu.enqueue_indirect_dma source(%arg13 : memref<128x32xf32, #tpu.memory_space<vmem>>) target(%dma_start3A_201 : memref<10112x32xf32, #tpu.memory_space<vmem_shared>>) offsets(%dma_start3A_198 : memref<128xi32, #tpu.memory_space<vmem>>) semaphore(%arg29 : memref<!tpu.dma_semaphore, #tpu.memory_space<semaphore_mem>>) {add = true}
      %add3A_202 = arith.constant 8 : i32
      %add3A_203 = arith.addi %add3A_189, %add3A_202 : i32
      %lt3A_204 = arith.constant 80 : i32
      %lt3A_205 = arith.cmpi slt, %add3A_203, %lt3A_204 : i32
      %convert_element_type3A_206 = arith.extui %lt3A_205 : i1 to i32
      %cond3A_207 = arith.constant 0 : i32
      %cond3A_208 = arith.cmpi ne, %convert_element_type3A_206, %cond3A_207 : i32
      scf.if %cond3A_208 {
        %dma_wait3A_301 = arith.constant 0 : i32
        %dma_wait3A_302 = tpu.memref_slice %arg9[%add3A_189, %dma_wait3A_301] : memref<80x128xi32, #tpu.memory_space<vmem>> -> memref<1x128xi32, #tpu.memory_space<vmem>>
        %dma_wait3A_303 = tpu.memref_squeeze %dma_wait3A_302 : memref<1x128xi32, #tpu.memory_space<vmem>> -> memref<128xi32, #tpu.memory_space<vmem>>
        %dma_wait3A_304 = arith.constant 0 : i32
        %dma_wait3A_305 = arith.constant 0 : i32
        %dma_wait3A_306 = tpu.memref_slice %arg7[%dma_wait3A_304, %dma_wait3A_305] : memref<10112x32xf32, #tpu.memory_space<vmem_shared>> -> memref<10112x32xf32, #tpu.memory_space<vmem_shared>>
        tpu.wait_indirect_dma semaphore(%arg29 : memref<!tpu.dma_semaphore, #tpu.memory_space<semaphore_mem>>) src(%arg13 : memref<128x32xf32, #tpu.memory_space<vmem>>) dst(%dma_wait3A_306 : memref<10112x32xf32, #tpu.memory_space<vmem_shared>>)
        %dma_start3A_307 = arith.constant 0 : i32
        %dma_start3A_308 = tpu.memref_slice %arg8[%add3A_203, %dma_start3A_307] : memref<80x128xi32, #tpu.memory_space<vmem>> -> memref<1x128xi32, #tpu.memory_space<vmem>>
        %dma_start3A_309 = tpu.memref_squeeze %dma_start3A_308 : memref<1x128xi32, #tpu.memory_space<vmem>> -> memref<128xi32, #tpu.memory_space<vmem>>
        %dma_start3A_310 = arith.constant 0 : i32
        %dma_start3A_311 = arith.constant 0 : i32
        %dma_start3A_312 = tpu.memref_slice %arg4[%dma_start3A_310, %dma_start3A_311] : memref<10112x32xf32, #tpu.memory_space<hbm>> -> memref<10112x32xf32, #tpu.memory_space<hbm>>
        tpu.enqueue_indirect_dma source(%dma_start3A_312 : memref<10112x32xf32, #tpu.memory_space<hbm>>) target(%arg13 : memref<128x32xf32, #tpu.memory_space<vmem>>) offsets(%dma_start3A_309 : memref<128xi32, #tpu.memory_space<vmem>>) semaphore(%arg21 : memref<!tpu.dma_semaphore, #tpu.memory_space<semaphore_mem>>)
      } else {
      }
      %mul3A_209 = arith.constant 8 : i32
      %mul3A_210 = arith.muli %scan3A_119, %mul3A_209 : i32
      %add3A_211 = arith.constant 4 : i32
      %add3A_212 = arith.addi %mul3A_210, %add3A_211 : i32
      %dma_wait3A_213 = arith.constant 0 : i32
      %dma_wait3A_214 = tpu.memref_slice %arg8[%add3A_212, %dma_wait3A_213] : memref<80x128xi32, #tpu.memory_space<vmem>> -> memref<1x128xi32, #tpu.memory_space<vmem>>
      %dma_wait3A_215 = tpu.memref_squeeze %dma_wait3A_214 : memref<1x128xi32, #tpu.memory_space<vmem>> -> memref<128xi32, #tpu.memory_space<vmem>>
      %dma_wait3A_216 = arith.constant 0 : i32
      %dma_wait3A_217 = arith.constant 0 : i32
      %dma_wait3A_218 = tpu.memref_slice %arg4[%dma_wait3A_216, %dma_wait3A_217] : memref<10112x32xf32, #tpu.memory_space<hbm>> -> memref<10112x32xf32, #tpu.memory_space<hbm>>
      tpu.wait_indirect_dma semaphore(%arg22 : memref<!tpu.dma_semaphore, #tpu.memory_space<semaphore_mem>>) src(%dma_wait3A_218 : memref<10112x32xf32, #tpu.memory_space<hbm>>) dst(%arg14 : memref<128x32xf32, #tpu.memory_space<vmem>>)
      %dma_start3A_219 = arith.constant 0 : i32
      %dma_start3A_220 = tpu.memref_slice %arg9[%add3A_212, %dma_start3A_219] : memref<80x128xi32, #tpu.memory_space<vmem>> -> memref<1x128xi32, #tpu.memory_space<vmem>>
      %dma_start3A_221 = tpu.memref_squeeze %dma_start3A_220 : memref<1x128xi32, #tpu.memory_space<vmem>> -> memref<128xi32, #tpu.memory_space<vmem>>
      %dma_start3A_222 = arith.constant 0 : i32
      %dma_start3A_223 = arith.constant 0 : i32
      %dma_start3A_224 = tpu.memref_slice %arg7[%dma_start3A_222, %dma_start3A_223] : memref<10112x32xf32, #tpu.memory_space<vmem_shared>> -> memref<10112x32xf32, #tpu.memory_space<vmem_shared>>
      tpu.enqueue_indirect_dma source(%arg14 : memref<128x32xf32, #tpu.memory_space<vmem>>) target(%dma_start3A_224 : memref<10112x32xf32, #tpu.memory_space<vmem_shared>>) offsets(%dma_start3A_221 : memref<128xi32, #tpu.memory_space<vmem>>) semaphore(%arg30 : memref<!tpu.dma_semaphore, #tpu.memory_space<semaphore_mem>>) {add = true}
      %add3A_225 = arith.constant 8 : i32
      %add3A_226 = arith.addi %add3A_212, %add3A_225 : i32
      %lt3A_227 = arith.constant 80 : i32
      %lt3A_228 = arith.cmpi slt, %add3A_226, %lt3A_227 : i32
      %convert_element_type3A_229 = arith.extui %lt3A_228 : i1 to i32
      %cond3A_230 = arith.constant 0 : i32
      %cond3A_231 = arith.cmpi ne, %convert_element_type3A_229, %cond3A_230 : i32
      scf.if %cond3A_231 {
        %dma_wait3A_301 = arith.constant 0 : i32
        %dma_wait3A_302 = tpu.memref_slice %arg9[%add3A_212, %dma_wait3A_301] : memref<80x128xi32, #tpu.memory_space<vmem>> -> memref<1x128xi32, #tpu.memory_space<vmem>>
        %dma_wait3A_303 = tpu.memref_squeeze %dma_wait3A_302 : memref<1x128xi32, #tpu.memory_space<vmem>> -> memref<128xi32, #tpu.memory_space<vmem>>
        %dma_wait3A_304 = arith.constant 0 : i32
        %dma_wait3A_305 = arith.constant 0 : i32
        %dma_wait3A_306 = tpu.memref_slice %arg7[%dma_wait3A_304, %dma_wait3A_305] : memref<10112x32xf32, #tpu.memory_space<vmem_shared>> -> memref<10112x32xf32, #tpu.memory_space<vmem_shared>>
        tpu.wait_indirect_dma semaphore(%arg30 : memref<!tpu.dma_semaphore, #tpu.memory_space<semaphore_mem>>) src(%arg14 : memref<128x32xf32, #tpu.memory_space<vmem>>) dst(%dma_wait3A_306 : memref<10112x32xf32, #tpu.memory_space<vmem_shared>>)
        %dma_start3A_307 = arith.constant 0 : i32
        %dma_start3A_308 = tpu.memref_slice %arg8[%add3A_226, %dma_start3A_307] : memref<80x128xi32, #tpu.memory_space<vmem>> -> memref<1x128xi32, #tpu.memory_space<vmem>>
        %dma_start3A_309 = tpu.memref_squeeze %dma_start3A_308 : memref<1x128xi32, #tpu.memory_space<vmem>> -> memref<128xi32, #tpu.memory_space<vmem>>
        %dma_start3A_310 = arith.constant 0 : i32
        %dma_start3A_311 = arith.constant 0 : i32
        %dma_start3A_312 = tpu.memref_slice %arg4[%dma_start3A_310, %dma_start3A_311] : memref<10112x32xf32, #tpu.memory_space<hbm>> -> memref<10112x32xf32, #tpu.memory_space<hbm>>
        tpu.enqueue_indirect_dma source(%dma_start3A_312 : memref<10112x32xf32, #tpu.memory_space<hbm>>) target(%arg14 : memref<128x32xf32, #tpu.memory_space<vmem>>) offsets(%dma_start3A_309 : memref<128xi32, #tpu.memory_space<vmem>>) semaphore(%arg22 : memref<!tpu.dma_semaphore, #tpu.memory_space<semaphore_mem>>)
      } else {
      }
      %mul3A_232 = arith.constant 8 : i32
      %mul3A_233 = arith.muli %scan3A_119, %mul3A_232 : i32
      %add3A_234 = arith.constant 5 : i32
      %add3A_235 = arith.addi %mul3A_233, %add3A_234 : i32
      %dma_wait3A_236 = arith.constant 0 : i32
      %dma_wait3A_237 = tpu.memref_slice %arg8[%add3A_235, %dma_wait3A_236] : memref<80x128xi32, #tpu.memory_space<vmem>> -> memref<1x128xi32, #tpu.memory_space<vmem>>
      %dma_wait3A_238 = tpu.memref_squeeze %dma_wait3A_237 : memref<1x128xi32, #tpu.memory_space<vmem>> -> memref<128xi32, #tpu.memory_space<vmem>>
      %dma_wait3A_239 = arith.constant 0 : i32
      %dma_wait3A_240 = arith.constant 0 : i32
      %dma_wait3A_241 = tpu.memref_slice %arg4[%dma_wait3A_239, %dma_wait3A_240] : memref<10112x32xf32, #tpu.memory_space<hbm>> -> memref<10112x32xf32, #tpu.memory_space<hbm>>
      tpu.wait_indirect_dma semaphore(%arg23 : memref<!tpu.dma_semaphore, #tpu.memory_space<semaphore_mem>>) src(%dma_wait3A_241 : memref<10112x32xf32, #tpu.memory_space<hbm>>) dst(%arg15 : memref<128x32xf32, #tpu.memory_space<vmem>>)
      %dma_start3A_242 = arith.constant 0 : i32
      %dma_start3A_243 = tpu.memref_slice %arg9[%add3A_235, %dma_start3A_242] : memref<80x128xi32, #tpu.memory_space<vmem>> -> memref<1x128xi32, #tpu.memory_space<vmem>>
      %dma_start3A_244 = tpu.memref_squeeze %dma_start3A_243 : memref<1x128xi32, #tpu.memory_space<vmem>> -> memref<128xi32, #tpu.memory_space<vmem>>
      %dma_start3A_245 = arith.constant 0 : i32
      %dma_start3A_246 = arith.constant 0 : i32
      %dma_start3A_247 = tpu.memref_slice %arg7[%dma_start3A_245, %dma_start3A_246] : memref<10112x32xf32, #tpu.memory_space<vmem_shared>> -> memref<10112x32xf32, #tpu.memory_space<vmem_shared>>
      tpu.enqueue_indirect_dma source(%arg15 : memref<128x32xf32, #tpu.memory_space<vmem>>) target(%dma_start3A_247 : memref<10112x32xf32, #tpu.memory_space<vmem_shared>>) offsets(%dma_start3A_244 : memref<128xi32, #tpu.memory_space<vmem>>) semaphore(%arg31 : memref<!tpu.dma_semaphore, #tpu.memory_space<semaphore_mem>>) {add = true}
      %add3A_248 = arith.constant 8 : i32
      %add3A_249 = arith.addi %add3A_235, %add3A_248 : i32
      %lt3A_250 = arith.constant 80 : i32
      %lt3A_251 = arith.cmpi slt, %add3A_249, %lt3A_250 : i32
      %convert_element_type3A_252 = arith.extui %lt3A_251 : i1 to i32
      %cond3A_253 = arith.constant 0 : i32
      %cond3A_254 = arith.cmpi ne, %convert_element_type3A_252, %cond3A_253 : i32
      scf.if %cond3A_254 {
        %dma_wait3A_301 = arith.constant 0 : i32
        %dma_wait3A_302 = tpu.memref_slice %arg9[%add3A_235, %dma_wait3A_301] : memref<80x128xi32, #tpu.memory_space<vmem>> -> memref<1x128xi32, #tpu.memory_space<vmem>>
        %dma_wait3A_303 = tpu.memref_squeeze %dma_wait3A_302 : memref<1x128xi32, #tpu.memory_space<vmem>> -> memref<128xi32, #tpu.memory_space<vmem>>
        %dma_wait3A_304 = arith.constant 0 : i32
        %dma_wait3A_305 = arith.constant 0 : i32
        %dma_wait3A_306 = tpu.memref_slice %arg7[%dma_wait3A_304, %dma_wait3A_305] : memref<10112x32xf32, #tpu.memory_space<vmem_shared>> -> memref<10112x32xf32, #tpu.memory_space<vmem_shared>>
        tpu.wait_indirect_dma semaphore(%arg31 : memref<!tpu.dma_semaphore, #tpu.memory_space<semaphore_mem>>) src(%arg15 : memref<128x32xf32, #tpu.memory_space<vmem>>) dst(%dma_wait3A_306 : memref<10112x32xf32, #tpu.memory_space<vmem_shared>>)
        %dma_start3A_307 = arith.constant 0 : i32
        %dma_start3A_308 = tpu.memref_slice %arg8[%add3A_249, %dma_start3A_307] : memref<80x128xi32, #tpu.memory_space<vmem>> -> memref<1x128xi32, #tpu.memory_space<vmem>>
        %dma_start3A_309 = tpu.memref_squeeze %dma_start3A_308 : memref<1x128xi32, #tpu.memory_space<vmem>> -> memref<128xi32, #tpu.memory_space<vmem>>
        %dma_start3A_310 = arith.constant 0 : i32
        %dma_start3A_311 = arith.constant 0 : i32
        %dma_start3A_312 = tpu.memref_slice %arg4[%dma_start3A_310, %dma_start3A_311] : memref<10112x32xf32, #tpu.memory_space<hbm>> -> memref<10112x32xf32, #tpu.memory_space<hbm>>
        tpu.enqueue_indirect_dma source(%dma_start3A_312 : memref<10112x32xf32, #tpu.memory_space<hbm>>) target(%arg15 : memref<128x32xf32, #tpu.memory_space<vmem>>) offsets(%dma_start3A_309 : memref<128xi32, #tpu.memory_space<vmem>>) semaphore(%arg23 : memref<!tpu.dma_semaphore, #tpu.memory_space<semaphore_mem>>)
      } else {
      }
      %mul3A_255 = arith.constant 8 : i32
      %mul3A_256 = arith.muli %scan3A_119, %mul3A_255 : i32
      %add3A_257 = arith.constant 6 : i32
      %add3A_258 = arith.addi %mul3A_256, %add3A_257 : i32
      %dma_wait3A_259 = arith.constant 0 : i32
      %dma_wait3A_260 = tpu.memref_slice %arg8[%add3A_258, %dma_wait3A_259] : memref<80x128xi32, #tpu.memory_space<vmem>> -> memref<1x128xi32, #tpu.memory_space<vmem>>
      %dma_wait3A_261 = tpu.memref_squeeze %dma_wait3A_260 : memref<1x128xi32, #tpu.memory_space<vmem>> -> memref<128xi32, #tpu.memory_space<vmem>>
      %dma_wait3A_262 = arith.constant 0 : i32
      %dma_wait3A_263 = arith.constant 0 : i32
      %dma_wait3A_264 = tpu.memref_slice %arg4[%dma_wait3A_262, %dma_wait3A_263] : memref<10112x32xf32, #tpu.memory_space<hbm>> -> memref<10112x32xf32, #tpu.memory_space<hbm>>
      tpu.wait_indirect_dma semaphore(%arg24 : memref<!tpu.dma_semaphore, #tpu.memory_space<semaphore_mem>>) src(%dma_wait3A_264 : memref<10112x32xf32, #tpu.memory_space<hbm>>) dst(%arg16 : memref<128x32xf32, #tpu.memory_space<vmem>>)
      %dma_start3A_265 = arith.constant 0 : i32
      %dma_start3A_266 = tpu.memref_slice %arg9[%add3A_258, %dma_start3A_265] : memref<80x128xi32, #tpu.memory_space<vmem>> -> memref<1x128xi32, #tpu.memory_space<vmem>>
      %dma_start3A_267 = tpu.memref_squeeze %dma_start3A_266 : memref<1x128xi32, #tpu.memory_space<vmem>> -> memref<128xi32, #tpu.memory_space<vmem>>
      %dma_start3A_268 = arith.constant 0 : i32
      %dma_start3A_269 = arith.constant 0 : i32
      %dma_start3A_270 = tpu.memref_slice %arg7[%dma_start3A_268, %dma_start3A_269] : memref<10112x32xf32, #tpu.memory_space<vmem_shared>> -> memref<10112x32xf32, #tpu.memory_space<vmem_shared>>
      tpu.enqueue_indirect_dma source(%arg16 : memref<128x32xf32, #tpu.memory_space<vmem>>) target(%dma_start3A_270 : memref<10112x32xf32, #tpu.memory_space<vmem_shared>>) offsets(%dma_start3A_267 : memref<128xi32, #tpu.memory_space<vmem>>) semaphore(%arg32 : memref<!tpu.dma_semaphore, #tpu.memory_space<semaphore_mem>>) {add = true}
      %add3A_271 = arith.constant 8 : i32
      %add3A_272 = arith.addi %add3A_258, %add3A_271 : i32
      %lt3A_273 = arith.constant 80 : i32
      %lt3A_274 = arith.cmpi slt, %add3A_272, %lt3A_273 : i32
      %convert_element_type3A_275 = arith.extui %lt3A_274 : i1 to i32
      %cond3A_276 = arith.constant 0 : i32
      %cond3A_277 = arith.cmpi ne, %convert_element_type3A_275, %cond3A_276 : i32
      scf.if %cond3A_277 {
        %dma_wait3A_301 = arith.constant 0 : i32
        %dma_wait3A_302 = tpu.memref_slice %arg9[%add3A_258, %dma_wait3A_301] : memref<80x128xi32, #tpu.memory_space<vmem>> -> memref<1x128xi32, #tpu.memory_space<vmem>>
        %dma_wait3A_303 = tpu.memref_squeeze %dma_wait3A_302 : memref<1x128xi32, #tpu.memory_space<vmem>> -> memref<128xi32, #tpu.memory_space<vmem>>
        %dma_wait3A_304 = arith.constant 0 : i32
        %dma_wait3A_305 = arith.constant 0 : i32
        %dma_wait3A_306 = tpu.memref_slice %arg7[%dma_wait3A_304, %dma_wait3A_305] : memref<10112x32xf32, #tpu.memory_space<vmem_shared>> -> memref<10112x32xf32, #tpu.memory_space<vmem_shared>>
        tpu.wait_indirect_dma semaphore(%arg32 : memref<!tpu.dma_semaphore, #tpu.memory_space<semaphore_mem>>) src(%arg16 : memref<128x32xf32, #tpu.memory_space<vmem>>) dst(%dma_wait3A_306 : memref<10112x32xf32, #tpu.memory_space<vmem_shared>>)
        %dma_start3A_307 = arith.constant 0 : i32
        %dma_start3A_308 = tpu.memref_slice %arg8[%add3A_272, %dma_start3A_307] : memref<80x128xi32, #tpu.memory_space<vmem>> -> memref<1x128xi32, #tpu.memory_space<vmem>>
        %dma_start3A_309 = tpu.memref_squeeze %dma_start3A_308 : memref<1x128xi32, #tpu.memory_space<vmem>> -> memref<128xi32, #tpu.memory_space<vmem>>
        %dma_start3A_310 = arith.constant 0 : i32
        %dma_start3A_311 = arith.constant 0 : i32
        %dma_start3A_312 = tpu.memref_slice %arg4[%dma_start3A_310, %dma_start3A_311] : memref<10112x32xf32, #tpu.memory_space<hbm>> -> memref<10112x32xf32, #tpu.memory_space<hbm>>
        tpu.enqueue_indirect_dma source(%dma_start3A_312 : memref<10112x32xf32, #tpu.memory_space<hbm>>) target(%arg16 : memref<128x32xf32, #tpu.memory_space<vmem>>) offsets(%dma_start3A_309 : memref<128xi32, #tpu.memory_space<vmem>>) semaphore(%arg24 : memref<!tpu.dma_semaphore, #tpu.memory_space<semaphore_mem>>)
      } else {
      }
      %mul3A_278 = arith.constant 8 : i32
      %mul3A_279 = arith.muli %scan3A_119, %mul3A_278 : i32
      %add3A_280 = arith.constant 7 : i32
      %add3A_281 = arith.addi %mul3A_279, %add3A_280 : i32
      %dma_wait3A_282 = arith.constant 0 : i32
      %dma_wait3A_283 = tpu.memref_slice %arg8[%add3A_281, %dma_wait3A_282] : memref<80x128xi32, #tpu.memory_space<vmem>> -> memref<1x128xi32, #tpu.memory_space<vmem>>
      %dma_wait3A_284 = tpu.memref_squeeze %dma_wait3A_283 : memref<1x128xi32, #tpu.memory_space<vmem>> -> memref<128xi32, #tpu.memory_space<vmem>>
      %dma_wait3A_285 = arith.constant 0 : i32
      %dma_wait3A_286 = arith.constant 0 : i32
      %dma_wait3A_287 = tpu.memref_slice %arg4[%dma_wait3A_285, %dma_wait3A_286] : memref<10112x32xf32, #tpu.memory_space<hbm>> -> memref<10112x32xf32, #tpu.memory_space<hbm>>
      tpu.wait_indirect_dma semaphore(%arg25 : memref<!tpu.dma_semaphore, #tpu.memory_space<semaphore_mem>>) src(%dma_wait3A_287 : memref<10112x32xf32, #tpu.memory_space<hbm>>) dst(%arg17 : memref<128x32xf32, #tpu.memory_space<vmem>>)
      %dma_start3A_288 = arith.constant 0 : i32
      %dma_start3A_289 = tpu.memref_slice %arg9[%add3A_281, %dma_start3A_288] : memref<80x128xi32, #tpu.memory_space<vmem>> -> memref<1x128xi32, #tpu.memory_space<vmem>>
      %dma_start3A_290 = tpu.memref_squeeze %dma_start3A_289 : memref<1x128xi32, #tpu.memory_space<vmem>> -> memref<128xi32, #tpu.memory_space<vmem>>
      %dma_start3A_291 = arith.constant 0 : i32
      %dma_start3A_292 = arith.constant 0 : i32
      %dma_start3A_293 = tpu.memref_slice %arg7[%dma_start3A_291, %dma_start3A_292] : memref<10112x32xf32, #tpu.memory_space<vmem_shared>> -> memref<10112x32xf32, #tpu.memory_space<vmem_shared>>
      tpu.enqueue_indirect_dma source(%arg17 : memref<128x32xf32, #tpu.memory_space<vmem>>) target(%dma_start3A_293 : memref<10112x32xf32, #tpu.memory_space<vmem_shared>>) offsets(%dma_start3A_290 : memref<128xi32, #tpu.memory_space<vmem>>) semaphore(%arg33 : memref<!tpu.dma_semaphore, #tpu.memory_space<semaphore_mem>>) {add = true}
      %add3A_294 = arith.constant 8 : i32
      %add3A_295 = arith.addi %add3A_281, %add3A_294 : i32
      %lt3A_296 = arith.constant 80 : i32
      %lt3A_297 = arith.cmpi slt, %add3A_295, %lt3A_296 : i32
      %convert_element_type3A_298 = arith.extui %lt3A_297 : i1 to i32
      %cond3A_299 = arith.constant 0 : i32
      %cond3A_300 = arith.cmpi ne, %convert_element_type3A_298, %cond3A_299 : i32
      scf.if %cond3A_300 {
        %dma_wait3A_301 = arith.constant 0 : i32
        %dma_wait3A_302 = tpu.memref_slice %arg9[%add3A_281, %dma_wait3A_301] : memref<80x128xi32, #tpu.memory_space<vmem>> -> memref<1x128xi32, #tpu.memory_space<vmem>>
        %dma_wait3A_303 = tpu.memref_squeeze %dma_wait3A_302 : memref<1x128xi32, #tpu.memory_space<vmem>> -> memref<128xi32, #tpu.memory_space<vmem>>
        %dma_wait3A_304 = arith.constant 0 : i32
        %dma_wait3A_305 = arith.constant 0 : i32
        %dma_wait3A_306 = tpu.memref_slice %arg7[%dma_wait3A_304, %dma_wait3A_305] : memref<10112x32xf32, #tpu.memory_space<vmem_shared>> -> memref<10112x32xf32, #tpu.memory_space<vmem_shared>>
        tpu.wait_indirect_dma semaphore(%arg33 : memref<!tpu.dma_semaphore, #tpu.memory_space<semaphore_mem>>) src(%arg17 : memref<128x32xf32, #tpu.memory_space<vmem>>) dst(%dma_wait3A_306 : memref<10112x32xf32, #tpu.memory_space<vmem_shared>>)
        %dma_start3A_307 = arith.constant 0 : i32
        %dma_start3A_308 = tpu.memref_slice %arg8[%add3A_295, %dma_start3A_307] : memref<80x128xi32, #tpu.memory_space<vmem>> -> memref<1x128xi32, #tpu.memory_space<vmem>>
        %dma_start3A_309 = tpu.memref_squeeze %dma_start3A_308 : memref<1x128xi32, #tpu.memory_space<vmem>> -> memref<128xi32, #tpu.memory_space<vmem>>
        %dma_start3A_310 = arith.constant 0 : i32
        %dma_start3A_311 = arith.constant 0 : i32
        %dma_start3A_312 = tpu.memref_slice %arg4[%dma_start3A_310, %dma_start3A_311] : memref<10112x32xf32, #tpu.memory_space<hbm>> -> memref<10112x32xf32, #tpu.memory_space<hbm>>
        tpu.enqueue_indirect_dma source(%dma_start3A_312 : memref<10112x32xf32, #tpu.memory_space<hbm>>) target(%arg17 : memref<128x32xf32, #tpu.memory_space<vmem>>) offsets(%dma_start3A_309 : memref<128xi32, #tpu.memory_space<vmem>>) semaphore(%arg25 : memref<!tpu.dma_semaphore, #tpu.memory_space<semaphore_mem>>)
      } else {
      }
    }
    %scan3A_62 = arith.constant 10 : i32
    %dma_wait3A = arith.constant 0 : i32
    %dma_wait3A_63 = arith.constant 0 : i32
    %dma_wait3A_64 = tpu.memref_slice %arg9[%dma_wait3A, %dma_wait3A_63] : memref<80x128xi32, #tpu.memory_space<vmem>> -> memref<1x128xi32, #tpu.memory_space<vmem>>
    %dma_wait3A_65 = tpu.memref_squeeze %dma_wait3A_64 : memref<1x128xi32, #tpu.memory_space<vmem>> -> memref<128xi32, #tpu.memory_space<vmem>>
    %dma_wait3A_66 = arith.constant 0 : i32
    %dma_wait3A_67 = arith.constant 0 : i32
    %dma_wait3A_68 = tpu.memref_slice %arg7[%dma_wait3A_66, %dma_wait3A_67] : memref<10112x32xf32, #tpu.memory_space<vmem_shared>> -> memref<10112x32xf32, #tpu.memory_space<vmem_shared>>
    tpu.wait_indirect_dma semaphore(%arg26 : memref<!tpu.dma_semaphore, #tpu.memory_space<semaphore_mem>>) src(%arg10 : memref<128x32xf32, #tpu.memory_space<vmem>>) dst(%dma_wait3A_68 : memref<10112x32xf32, #tpu.memory_space<vmem_shared>>)
    %dma_wait3A_69 = arith.constant 0 : i32
    %dma_wait3A_70 = arith.constant 0 : i32
    %dma_wait3A_71 = tpu.memref_slice %arg9[%dma_wait3A_69, %dma_wait3A_70] : memref<80x128xi32, #tpu.memory_space<vmem>> -> memref<1x128xi32, #tpu.memory_space<vmem>>
    %dma_wait3A_72 = tpu.memref_squeeze %dma_wait3A_71 : memref<1x128xi32, #tpu.memory_space<vmem>> -> memref<128xi32, #tpu.memory_space<vmem>>
    %dma_wait3A_73 = arith.constant 0 : i32
    %dma_wait3A_74 = arith.constant 0 : i32
    %dma_wait3A_75 = tpu.memref_slice %arg7[%dma_wait3A_73, %dma_wait3A_74] : memref<10112x32xf32, #tpu.memory_space<vmem_shared>> -> memref<10112x32xf32, #tpu.memory_space<vmem_shared>>
    tpu.wait_indirect_dma semaphore(%arg27 : memref<!tpu.dma_semaphore, #tpu.memory_space<semaphore_mem>>) src(%arg11 : memref<128x32xf32, #tpu.memory_space<vmem>>) dst(%dma_wait3A_75 : memref<10112x32xf32, #tpu.memory_space<vmem_shared>>)
    %dma_wait3A_76 = arith.constant 0 : i32
    %dma_wait3A_77 = arith.constant 0 : i32
    %dma_wait3A_78 = tpu.memref_slice %arg9[%dma_wait3A_76, %dma_wait3A_77] : memref<80x128xi32, #tpu.memory_space<vmem>> -> memref<1x128xi32, #tpu.memory_space<vmem>>
    %dma_wait3A_79 = tpu.memref_squeeze %dma_wait3A_78 : memref<1x128xi32, #tpu.memory_space<vmem>> -> memref<128xi32, #tpu.memory_space<vmem>>
    %dma_wait3A_80 = arith.constant 0 : i32
    %dma_wait3A_81 = arith.constant 0 : i32
    %dma_wait3A_82 = tpu.memref_slice %arg7[%dma_wait3A_80, %dma_wait3A_81] : memref<10112x32xf32, #tpu.memory_space<vmem_shared>> -> memref<10112x32xf32, #tpu.memory_space<vmem_shared>>
    tpu.wait_indirect_dma semaphore(%arg28 : memref<!tpu.dma_semaphore, #tpu.memory_space<semaphore_mem>>) src(%arg12 : memref<128x32xf32, #tpu.memory_space<vmem>>) dst(%dma_wait3A_82 : memref<10112x32xf32, #tpu.memory_space<vmem_shared>>)
    %dma_wait3A_83 = arith.constant 0 : i32
    %dma_wait3A_84 = arith.constant 0 : i32
    %dma_wait3A_85 = tpu.memref_slice %arg9[%dma_wait3A_83, %dma_wait3A_84] : memref<80x128xi32, #tpu.memory_space<vmem>> -> memref<1x128xi32, #tpu.memory_space<vmem>>
    %dma_wait3A_86 = tpu.memref_squeeze %dma_wait3A_85 : memref<1x128xi32, #tpu.memory_space<vmem>> -> memref<128xi32, #tpu.memory_space<vmem>>
    %dma_wait3A_87 = arith.constant 0 : i32
    %dma_wait3A_88 = arith.constant 0 : i32
    %dma_wait3A_89 = tpu.memref_slice %arg7[%dma_wait3A_87, %dma_wait3A_88] : memref<10112x32xf32, #tpu.memory_space<vmem_shared>> -> memref<10112x32xf32, #tpu.memory_space<vmem_shared>>
    tpu.wait_indirect_dma semaphore(%arg29 : memref<!tpu.dma_semaphore, #tpu.memory_space<semaphore_mem>>) src(%arg13 : memref<128x32xf32, #tpu.memory_space<vmem>>) dst(%dma_wait3A_89 : memref<10112x32xf32, #tpu.memory_space<vmem_shared>>)
    %dma_wait3A_90 = arith.constant 0 : i32
    %dma_wait3A_91 = arith.constant 0 : i32
    %dma_wait3A_92 = tpu.memref_slice %arg9[%dma_wait3A_90, %dma_wait3A_91] : memref<80x128xi32, #tpu.memory_space<vmem>> -> memref<1x128xi32, #tpu.memory_space<vmem>>
    %dma_wait3A_93 = tpu.memref_squeeze %dma_wait3A_92 : memref<1x128xi32, #tpu.memory_space<vmem>> -> memref<128xi32, #tpu.memory_space<vmem>>
    %dma_wait3A_94 = arith.constant 0 : i32
    %dma_wait3A_95 = arith.constant 0 : i32
    %dma_wait3A_96 = tpu.memref_slice %arg7[%dma_wait3A_94, %dma_wait3A_95] : memref<10112x32xf32, #tpu.memory_space<vmem_shared>> -> memref<10112x32xf32, #tpu.memory_space<vmem_shared>>
    tpu.wait_indirect_dma semaphore(%arg30 : memref<!tpu.dma_semaphore, #tpu.memory_space<semaphore_mem>>) src(%arg14 : memref<128x32xf32, #tpu.memory_space<vmem>>) dst(%dma_wait3A_96 : memref<10112x32xf32, #tpu.memory_space<vmem_shared>>)
    %dma_wait3A_97 = arith.constant 0 : i32
    %dma_wait3A_98 = arith.constant 0 : i32
    %dma_wait3A_99 = tpu.memref_slice %arg9[%dma_wait3A_97, %dma_wait3A_98] : memref<80x128xi32, #tpu.memory_space<vmem>> -> memref<1x128xi32, #tpu.memory_space<vmem>>
    %dma_wait3A_100 = tpu.memref_squeeze %dma_wait3A_99 : memref<1x128xi32, #tpu.memory_space<vmem>> -> memref<128xi32, #tpu.memory_space<vmem>>
    %dma_wait3A_101 = arith.constant 0 : i32
    %dma_wait3A_102 = arith.constant 0 : i32
    %dma_wait3A_103 = tpu.memref_slice %arg7[%dma_wait3A_101, %dma_wait3A_102] : memref<10112x32xf32, #tpu.memory_space<vmem_shared>> -> memref<10112x32xf32, #tpu.memory_space<vmem_shared>>
    tpu.wait_indirect_dma semaphore(%arg31 : memref<!tpu.dma_semaphore, #tpu.memory_space<semaphore_mem>>) src(%arg15 : memref<128x32xf32, #tpu.memory_space<vmem>>) dst(%dma_wait3A_103 : memref<10112x32xf32, #tpu.memory_space<vmem_shared>>)
    %dma_wait3A_104 = arith.constant 0 : i32
    %dma_wait3A_105 = arith.constant 0 : i32
    %dma_wait3A_106 = tpu.memref_slice %arg9[%dma_wait3A_104, %dma_wait3A_105] : memref<80x128xi32, #tpu.memory_space<vmem>> -> memref<1x128xi32, #tpu.memory_space<vmem>>
    %dma_wait3A_107 = tpu.memref_squeeze %dma_wait3A_106 : memref<1x128xi32, #tpu.memory_space<vmem>> -> memref<128xi32, #tpu.memory_space<vmem>>
    %dma_wait3A_108 = arith.constant 0 : i32
    %dma_wait3A_109 = arith.constant 0 : i32
    %dma_wait3A_110 = tpu.memref_slice %arg7[%dma_wait3A_108, %dma_wait3A_109] : memref<10112x32xf32, #tpu.memory_space<vmem_shared>> -> memref<10112x32xf32, #tpu.memory_space<vmem_shared>>
    tpu.wait_indirect_dma semaphore(%arg32 : memref<!tpu.dma_semaphore, #tpu.memory_space<semaphore_mem>>) src(%arg16 : memref<128x32xf32, #tpu.memory_space<vmem>>) dst(%dma_wait3A_110 : memref<10112x32xf32, #tpu.memory_space<vmem_shared>>)
    %dma_wait3A_111 = arith.constant 0 : i32
    %dma_wait3A_112 = arith.constant 0 : i32
    %dma_wait3A_113 = tpu.memref_slice %arg9[%dma_wait3A_111, %dma_wait3A_112] : memref<80x128xi32, #tpu.memory_space<vmem>> -> memref<1x128xi32, #tpu.memory_space<vmem>>
    %dma_wait3A_114 = tpu.memref_squeeze %dma_wait3A_113 : memref<1x128xi32, #tpu.memory_space<vmem>> -> memref<128xi32, #tpu.memory_space<vmem>>
    %dma_wait3A_115 = arith.constant 0 : i32
    %dma_wait3A_116 = arith.constant 0 : i32
    %dma_wait3A_117 = tpu.memref_slice %arg7[%dma_wait3A_115, %dma_wait3A_116] : memref<10112x32xf32, #tpu.memory_space<vmem_shared>> -> memref<10112x32xf32, #tpu.memory_space<vmem_shared>>
    tpu.wait_indirect_dma semaphore(%arg33 : memref<!tpu.dma_semaphore, #tpu.memory_space<semaphore_mem>>) src(%arg17 : memref<128x32xf32, #tpu.memory_space<vmem>>) dst(%dma_wait3A_117 : memref<10112x32xf32, #tpu.memory_space<vmem_shared>>)
    %barrier3A_118 = arith.constant 0 : index
    tpu.barrier barrier_id(%barrier3A_118)
    "tpu.region"() ({
      %run_scoped3A = tpu.sem_alloc : memref<!tpu.dma_semaphore, #tpu.memory_space<semaphore_mem>>
      %dma_start3A_119 = arith.constant 0 : i32
      %dma_start3A_120 = tpu.memref_slice %arg6[%arg0, %mul3A_2, %dma_start3A_119] : memref<2x10112x32xf32, #tpu.memory_space<hbm>> -> memref<1x632x32xf32, #tpu.memory_space<hbm>>
      %dma_start3A_121 = tpu.memref_squeeze %dma_start3A_120 : memref<1x632x32xf32, #tpu.memory_space<hbm>> -> memref<632x32xf32, #tpu.memory_space<hbm>>
      %dma_start3A_122 = arith.constant 0 : i32
      %dma_start3A_123 = tpu.memref_slice %arg7[%mul3A_2, %dma_start3A_122] : memref<10112x32xf32, #tpu.memory_space<vmem_shared>> -> memref<632x32xf32, #tpu.memory_space<vmem_shared>>
      tpu.enqueue_dma source(%dma_start3A_123 : memref<632x32xf32, #tpu.memory_space<vmem_shared>>) target(%dma_start3A_121 : memref<632x32xf32, #tpu.memory_space<hbm>>) target_semaphore(%run_scoped3A : memref<!tpu.dma_semaphore, #tpu.memory_space<semaphore_mem>>)
      %dma_wait3A_124 = arith.constant 0 : i32
      %dma_wait3A_125 = tpu.memref_slice %arg6[%arg0, %mul3A_2, %dma_wait3A_124] : memref<2x10112x32xf32, #tpu.memory_space<hbm>> -> memref<1x632x32xf32, #tpu.memory_space<hbm>>
      %dma_wait3A_126 = tpu.memref_squeeze %dma_wait3A_125 : memref<1x632x32xf32, #tpu.memory_space<hbm>> -> memref<632x32xf32, #tpu.memory_space<hbm>>
      %dma_wait3A_127 = arith.constant 0 : i32
      %dma_wait3A_128 = tpu.memref_slice %arg7[%mul3A_2, %dma_wait3A_127] : memref<10112x32xf32, #tpu.memory_space<vmem_shared>> -> memref<632x32xf32, #tpu.memory_space<vmem_shared>>
      tpu.wait_dma2 semaphore(%run_scoped3A : memref<!tpu.dma_semaphore, #tpu.memory_space<semaphore_mem>>) src(%dma_wait3A_128 : memref<632x32xf32, #tpu.memory_space<vmem_shared>>) dst(%dma_wait3A_126 : memref<632x32xf32, #tpu.memory_space<hbm>>)
      tpu.yield
    }) : () -> ()
    return
  }
}

module attributes {stable_mosaic.version = 14 : i64} {
  func.func @_edges_body(%arg0: i32, %arg1: memref<2x80x128xi32, #tpu.memory_space<vmem>>, %arg2: memref<1x80x128xi32, #tpu.memory_space<vmem>>, %arg3: memref<1x80x128xi32, #tpu.memory_space<vmem>>) attributes {dimension_semantics = [#tpu.dimension_semantics<arbitrary>], iteration_bounds = array<i64: 32>, scalar_prefetch = 0 : i64, scratch_operands = 0 : i64, tpu.core_type = #tpu.core_type<tc>, window_params = [{transform_indices = @transform_0, window_bounds = array<i64: 2, 80, 128>}, {transform_indices = @transform_1, window_bounds = array<i64: 1, 80, 128>}, {transform_indices = @transform_2, window_bounds = array<i64: 1, 80, 128>}]} {
    %mul3A = arith.constant 80 : i32
    %mul3A_0 = arith.muli %arg0, %mul3A : i32
    %iota3A = tpu.iota {dimensions = array<i32: 0>} : vector<80x128xi32>
    %add3A = vector.broadcast %mul3A_0 : i32 to vector<80x128xi32>
    %add3A_1 = arith.addi %add3A, %iota3A : vector<80x128xi32>
    %mul3A_2 = arith.constant 128 : i32
    %mul3A_3 = vector.broadcast %mul3A_2 : i32 to vector<80x128xi32>
    %mul3A_4 = arith.muli %add3A_1, %mul3A_3 : vector<80x128xi32>
    %iota3A_5 = tpu.iota {dimensions = array<i32: 1>} : vector<80x128xi32>
    %add3A_6 = arith.addi %mul3A_4, %iota3A_5 : vector<80x128xi32>
    %lt3A = arith.constant 320000 : i32
    %lt3A_7 = vector.broadcast %lt3A : i32 to vector<80x128xi32>
    %lt3A_8 = arith.cmpi slt, %add3A_6, %lt3A_7 : vector<80x128xi32>
    %jit3A = arith.constant 112 : i32
    %eq3A = arith.constant 0 : i32
    %eq3A_9 = arith.cmpi eq, %jit3A, %eq3A : i32
    %jit3A_10 = arith.constant 1 : i32
    %select_n3A = arith.select %eq3A_9, %jit3A_10, %jit3A : i32
    %rem3A = vector.broadcast %select_n3A : i32 to vector<80x128xi32>
    %rem3A_11 = arith.remsi %add3A_6, %rem3A : vector<80x128xi32>
    %ne3A = arith.constant 0 : i32
    %ne3A_12 = vector.broadcast %ne3A : i32 to vector<80x128xi32>
    %ne3A_13 = arith.cmpi ne, %rem3A_11, %ne3A_12 : vector<80x128xi32>
    %lt3A_14 = arith.constant 0 : i32
    %lt3A_15 = vector.broadcast %lt3A_14 : i32 to vector<80x128xi32>
    %lt3A_16 = arith.cmpi slt, %rem3A_11, %lt3A_15 : vector<80x128xi32>
    %lt3A_17 = arith.constant 0 : i32
    %lt3A_18 = arith.cmpi slt, %select_n3A, %lt3A_17 : i32
    %ne3A_19 = vector.broadcast %lt3A_18 : i1 to vector<80x128xi1>
    %ne3A_20 = vector.broadcast %ne3A_19 : vector<80x128xi1> to vector<80x128xi1>
    %ne3A_21 = arith.xori %lt3A_16, %ne3A_20 : vector<80x128xi1>
    %and3A = arith.andi %ne3A_21, %ne3A_13 : vector<80x128xi1>
    %add3A_22 = vector.broadcast %select_n3A : i32 to vector<80x128xi32>
    %add3A_23 = arith.addi %rem3A_11, %add3A_22 : vector<80x128xi32>
    %select_n3A_24 = arith.select %and3A, %add3A_23, %rem3A_11 : vector<80x128xi1>, vector<80x128xi32>
    %add3A_25 = arith.constant 10000 : i32
    %add3A_26 = vector.broadcast %add3A_25 : i32 to vector<80x128xi32>
    %add3A_27 = arith.addi %add3A_26, %select_n3A_24 : vector<80x128xi32>
    %get3A = arith.constant 0 : index
    %get3A_28 = arith.constant 0 : index
    %get3A_29 = arith.constant 0 : index
    %get3A_30 = vector.load %arg1[%get3A, %get3A_28, %get3A_29] : memref<2x80x128xi32, #tpu.memory_space<vmem>>, vector<1x80x128xi32>
    %get3A_31 = vector.shape_cast %get3A_30 : vector<1x80x128xi32> to vector<80x128xi32>
    %select_n3A_32 = arith.select %lt3A_8, %get3A_31, %add3A_27 : vector<80x128xi1>, vector<80x128xi32>
    %swap3A = arith.constant 0 : index
    %swap3A_33 = arith.constant 0 : index
    %swap3A_34 = arith.constant 0 : index
    %swap3A_35 = vector.load %arg2[%swap3A, %swap3A_33, %swap3A_34] : memref<1x80x128xi32, #tpu.memory_space<vmem>>, vector<1x80x128xi32>
    %swap3A_36 = vector.shape_cast %swap3A_35 : vector<1x80x128xi32> to vector<80x128xi32>
    %swap3A_37 = vector.shape_cast %select_n3A_32 : vector<80x128xi32> to vector<1x80x128xi32>
    tpu.vector_store %arg2[%swap3A, %swap3A_33, %swap3A_34], %swap3A_37 {strides = array<i32>} : memref<1x80x128xi32, #tpu.memory_space<vmem>>, vector<1x80x128xi32>,
    %get3A_38 = arith.constant 1 : index
    %get3A_39 = arith.constant 0 : index
    %get3A_40 = arith.constant 0 : index
    %get3A_41 = vector.load %arg1[%get3A_38, %get3A_39, %get3A_40] : memref<2x80x128xi32, #tpu.memory_space<vmem>>, vector<1x80x128xi32>
    %get3A_42 = vector.shape_cast %get3A_41 : vector<1x80x128xi32> to vector<80x128xi32>
    %select_n3A_43 = arith.select %lt3A_8, %get3A_42, %add3A_27 : vector<80x128xi1>, vector<80x128xi32>
    %swap3A_44 = arith.constant 0 : index
    %swap3A_45 = arith.constant 0 : index
    %swap3A_46 = arith.constant 0 : index
    %swap3A_47 = vector.load %arg3[%swap3A_44, %swap3A_45, %swap3A_46] : memref<1x80x128xi32, #tpu.memory_space<vmem>>, vector<1x80x128xi32>
    %swap3A_48 = vector.shape_cast %swap3A_47 : vector<1x80x128xi32> to vector<80x128xi32>
    %swap3A_49 = vector.shape_cast %select_n3A_43 : vector<80x128xi32> to vector<1x80x128xi32>
    tpu.vector_store %arg3[%swap3A_44, %swap3A_45, %swap3A_46], %swap3A_49 {strides = array<i32>} : memref<1x80x128xi32, #tpu.memory_space<vmem>>, vector<1x80x128xi32>,
    return
  }
  func.func @transform_0(%arg0: i32) -> (i32, i32, i32) {
    %c0_i32 = arith.constant 0 : i32
    %c0_i32_0 = arith.constant 0 : i32
    %c0_i32_1 = arith.constant 0 : i32
    return %c0_i32, %arg0, %c0_i32_0 : i32, i32, i32
  }
  func.func @transform_1(%arg0: i32) -> (i32, i32, i32) {
    %c0_i32 = arith.constant 0 : i32
    %c0_i32_0 = arith.constant 0 : i32
    %c0_i32_1 = arith.constant 0 : i32
    return %arg0, %c0_i32, %c0_i32_0 : i32, i32, i32
  }
  func.func @transform_2(%arg0: i32) -> (i32, i32, i32) {
    %c0_i32 = arith.constant 0 : i32
    %c0_i32_0 = arith.constant 0 : i32
    %c0_i32_1 = arith.constant 0 : i32
    return %arg0, %c0_i32, %c0_i32_0 : i32, i32, i32
  }
}

module attributes {stable_mosaic.version = 14 : i64} {
  func.func @_mm1_body(%arg0: i32, %arg1: memref<632x512xf32, #tpu.memory_space<vmem>>, %arg2: memref<512x128xf32, #tpu.memory_space<vmem>>, %arg3: memref<632x128xf32, #tpu.memory_space<vmem>>) attributes {dimension_semantics = [#tpu.dimension_semantics<arbitrary>], iteration_bounds = array<i64: 4>, scalar_prefetch = 0 : i64, scratch_operands = 0 : i64, tpu.core_type = #tpu.core_type<tc>, window_params = [{transform_indices = @transform_0, window_bounds = array<i64: 632, 512>}, {pipeline_mode = #tpu.pipeline_mode<synchronous>, transform_indices = @transform_1, window_bounds = array<i64: 512, 128>}, {transform_indices = @transform_2, window_bounds = array<i64: 632, 128>}]} {
    %get3A = arith.constant 0 : index
    %get3A_0 = arith.constant 0 : index
    %get3A_1 = vector.load %arg1[%get3A, %get3A_0] : memref<632x512xf32, #tpu.memory_space<vmem>>, vector<632x512xf32>
    %get3A_2 = arith.constant 0 : index
    %get3A_3 = arith.constant 0 : index
    %get3A_4 = vector.load %arg2[%get3A_2, %get3A_3] : memref<512x128xf32, #tpu.memory_space<vmem>>, vector<512x128xf32>
    %dot_general3A = arith.constant dense<0.000000e+00> : vector<632x128xf32>
    %dot_general3A_5 = tpu.matmul %get3A_1, %get3A_4, %dot_general3A {dimension_numbers = #tpu.dot_dimension_numbers<[1], [0], [0], [1], [0, 0, 1, 1], [], []>, transpose_lhs_hint = false} : vector<632x512xf32>, vector<512x128xf32>, vector<632x128xf32> -> vector<632x128xf32>
    %swap3A = arith.constant 0 : index
    %swap3A_6 = arith.constant 0 : index
    %swap3A_7 = vector.load %arg3[%swap3A, %swap3A_6] : memref<632x128xf32, #tpu.memory_space<vmem>>, vector<632x128xf32>
    tpu.vector_store %arg3[%swap3A, %swap3A_6], %dot_general3A_5 {strides = array<i32>} : memref<632x128xf32, #tpu.memory_space<vmem>>, vector<632x128xf32>,
    return
  }
  func.func @transform_0(%arg0: i32) -> (i32, i32) {
    %c0_i32 = arith.constant 0 : i32
    %c0_i32_0 = arith.constant 0 : i32
    return %arg0, %c0_i32 : i32, i32
  }
  func.func @transform_1(%arg0: i32) -> (i32, i32) {
    %c0_i32 = arith.constant 0 : i32
    %c0_i32_0 = arith.constant 0 : i32
    %c0_i32_1 = arith.constant 0 : i32
    return %c0_i32, %c0_i32_0 : i32, i32
  }
  func.func @transform_2(%arg0: i32) -> (i32, i32) {
    %c0_i32 = arith.constant 0 : i32
    %c0_i32_0 = arith.constant 0 : i32
    return %arg0, %c0_i32 : i32, i32
  }
}

module attributes {stable_mosaic.version = 14 : i64} {
  func.func @_scale_body(%arg0: i32, %arg1: memref<1x632x128xf32, #tpu.memory_space<vmem>>, %arg2: memref<1x632x128xf32, #tpu.memory_space<vmem>>, %arg3: memref<632x128xf32, #tpu.memory_space<vmem>>, %arg4: memref<632x128xf32, #tpu.memory_space<vmem>>, %arg5: memref<632x128xf32, #tpu.memory_space<vmem>>) attributes {dimension_semantics = [#tpu.dimension_semantics<arbitrary>], iteration_bounds = array<i64: 4>, scalar_prefetch = 0 : i64, scratch_operands = 0 : i64, tpu.core_type = #tpu.core_type<tc>, window_params = [{transform_indices = @transform_0, window_bounds = array<i64: 1, 632, 128>}, {transform_indices = @transform_1, window_bounds = array<i64: 1, 632, 128>}, {transform_indices = @transform_2, window_bounds = array<i64: 632, 128>}, {transform_indices = @transform_3, window_bounds = array<i64: 632, 128>}, {transform_indices = @transform_4, window_bounds = array<i64: 632, 128>}]} {
    %get3A = arith.constant 0 : index
    %get3A_0 = arith.constant 0 : index
    %get3A_1 = arith.constant 0 : index
    %get3A_2 = vector.load %arg1[%get3A, %get3A_0, %get3A_1] : memref<1x632x128xf32, #tpu.memory_space<vmem>>, vector<1x632x128xf32>
    %get3A_3 = vector.shape_cast %get3A_2 : vector<1x632x128xf32> to vector<632x128xf32>
    %add3A = arith.constant 1.000000e+00 : f32
    %add3A_4 = vector.broadcast %add3A : f32 to vector<632x128xf32>
    %add3A_5 = arith.addf %add3A_4, %get3A_3 : vector<632x128xf32>
    %get3A_6 = arith.constant 0 : index
    %get3A_7 = arith.constant 0 : index
    %get3A_8 = arith.constant 0 : index
    %get3A_9 = vector.load %arg2[%get3A_6, %get3A_7, %get3A_8] : memref<1x632x128xf32, #tpu.memory_space<vmem>>, vector<1x632x128xf32>
    %get3A_10 = vector.shape_cast %get3A_9 : vector<1x632x128xf32> to vector<632x128xf32>
    %add3A_11 = arith.addf %add3A_5, %get3A_10 : vector<632x128xf32>
    %rsqrt3A = math.rsqrt %add3A_11 : vector<632x128xf32>
    %get3A_12 = arith.constant 0 : index
    %get3A_13 = arith.constant 0 : index
    %get3A_14 = vector.load %arg3[%get3A_12, %get3A_13] : memref<632x128xf32, #tpu.memory_space<vmem>>, vector<632x128xf32>
    %mul3A = arith.mulf %get3A_14, %rsqrt3A : vector<632x128xf32>
    %swap3A = arith.constant 0 : index
    %swap3A_15 = arith.constant 0 : index
    %swap3A_16 = vector.load %arg4[%swap3A, %swap3A_15] : memref<632x128xf32, #tpu.memory_space<vmem>>, vector<632x128xf32>
    tpu.vector_store %arg4[%swap3A, %swap3A_15], %mul3A {strides = array<i32>} : memref<632x128xf32, #tpu.memory_space<vmem>>, vector<632x128xf32>,
    %swap3A_17 = arith.constant 0 : index
    %swap3A_18 = arith.constant 0 : index
    %swap3A_19 = vector.load %arg5[%swap3A_17, %swap3A_18] : memref<632x128xf32, #tpu.memory_space<vmem>>, vector<632x128xf32>
    tpu.vector_store %arg5[%swap3A_17, %swap3A_18], %rsqrt3A {strides = array<i32>} : memref<632x128xf32, #tpu.memory_space<vmem>>, vector<632x128xf32>,
    return
  }
  func.func @transform_0(%arg0: i32) -> (i32, i32, i32) {
    %c0_i32 = arith.constant 0 : i32
    %c0_i32_0 = arith.constant 0 : i32
    %c0_i32_1 = arith.constant 0 : i32
    return %c0_i32, %arg0, %c0_i32_0 : i32, i32, i32
  }
  func.func @transform_1(%arg0: i32) -> (i32, i32, i32) {
    %c1_i32 = arith.constant 1 : i32
    %c0_i32 = arith.constant 0 : i32
    %c0_i32_0 = arith.constant 0 : i32
    return %c1_i32, %arg0, %c0_i32 : i32, i32, i32
  }
  func.func @transform_2(%arg0: i32) -> (i32, i32) {
    %c0_i32 = arith.constant 0 : i32
    %c0_i32_0 = arith.constant 0 : i32
    return %arg0, %c0_i32 : i32, i32
  }
  func.func @transform_3(%arg0: i32) -> (i32, i32) {
    %c0_i32 = arith.constant 0 : i32
    %c0_i32_0 = arith.constant 0 : i32
    return %arg0, %c0_i32 : i32, i32
  }
  func.func @transform_4(%arg0: i32) -> (i32, i32) {
    %c0_i32 = arith.constant 0 : i32
    %c0_i32_0 = arith.constant 0 : i32
    return %arg0, %c0_i32 : i32, i32
  }
}

module attributes {stable_mosaic.version = 14 : i64} {
  func.func @_mid_body(%arg0: i32, %arg1: memref<1x632x128xf32, #tpu.memory_space<vmem>>, %arg2: memref<1x632x128xf32, #tpu.memory_space<vmem>>, %arg3: memref<632x128xf32, #tpu.memory_space<vmem>>, %arg4: memref<632x128xf32, #tpu.memory_space<vmem>>, %arg5: memref<128x128xf32, #tpu.memory_space<vmem>>, %arg6: memref<1x128xf32, #tpu.memory_space<vmem>>, %arg7: memref<632x128xf32, #tpu.memory_space<vmem>>) attributes {dimension_semantics = [#tpu.dimension_semantics<arbitrary>], iteration_bounds = array<i64: 4>, scalar_prefetch = 0 : i64, scratch_operands = 0 : i64, tpu.core_type = #tpu.core_type<tc>, window_params = [{transform_indices = @transform_0, window_bounds = array<i64: 1, 632, 128>}, {transform_indices = @transform_1, window_bounds = array<i64: 1, 632, 128>}, {transform_indices = @transform_2, window_bounds = array<i64: 632, 128>}, {transform_indices = @transform_3, window_bounds = array<i64: 632, 128>}, {pipeline_mode = #tpu.pipeline_mode<synchronous>, transform_indices = @transform_4, window_bounds = array<i64: 128, 128>}, {pipeline_mode = #tpu.pipeline_mode<synchronous>, transform_indices = @transform_5, window_bounds = array<i64: 1, 128>}, {transform_indices = @transform_6, window_bounds = array<i64: 632, 128>}]} {
    %get3A = arith.constant 0 : index
    %get3A_0 = arith.constant 0 : index
    %get3A_1 = vector.load %arg4[%get3A, %get3A_0] : memref<632x128xf32, #tpu.memory_space<vmem>>, vector<632x128xf32>
    %get3A_2 = arith.constant 0 : index
    %get3A_3 = arith.constant 0 : index
    %get3A_4 = arith.constant 0 : index
    %get3A_5 = vector.load %arg1[%get3A_2, %get3A_3, %get3A_4] : memref<1x632x128xf32, #tpu.memory_space<vmem>>, vector<1x632x128xf32>
    %get3A_6 = vector.shape_cast %get3A_5 : vector<1x632x128xf32> to vector<632x128xf32>
    %get3A_7 = arith.constant 0 : index
    %get3A_8 = arith.constant 0 : index
    %get3A_9 = arith.constant 0 : index
    %get3A_10 = vector.load %arg2[%get3A_7, %get3A_8, %get3A_9] : memref<1x632x128xf32, #tpu.memory_space<vmem>>, vector<1x632x128xf32>
    %get3A_11 = vector.shape_cast %get3A_10 : vector<1x632x128xf32> to vector<632x128xf32>
    %add3A = arith.addf %get3A_6, %get3A_11 : vector<632x128xf32>
    %get3A_12 = arith.constant 0 : index
    %get3A_13 = arith.constant 0 : index
    %get3A_14 = vector.load %arg3[%get3A_12, %get3A_13] : memref<632x128xf32, #tpu.memory_space<vmem>>, vector<632x128xf32>
    %add3A_15 = arith.addf %add3A, %get3A_14 : vector<632x128xf32>
    %mul3A = arith.mulf %get3A_1, %add3A_15 : vector<632x128xf32>
    %get3A_16 = arith.constant 0 : index
    %get3A_17 = arith.constant 0 : index
    %get3A_18 = vector.load %arg6[%get3A_16, %get3A_17] : memref<1x128xf32, #tpu.memory_space<vmem>>, vector<1x128xf32>
    %add3A_19 = vector.broadcast %get3A_18 : vector<1x128xf32> to vector<632x128xf32>
    %add3A_20 = arith.addf %mul3A, %add3A_19 : vector<632x128xf32>
    %get3A_21 = arith.constant 0 : index
    %get3A_22 = arith.constant 0 : index
    %get3A_23 = vector.load %arg5[%get3A_21, %get3A_22] : memref<128x128xf32, #tpu.memory_space<vmem>>, vector<128x128xf32>
    %dot_general3A = arith.constant dense<0.000000e+00> : vector<632x128xf32>
    %dot_general3A_24 = tpu.matmul %add3A_20, %get3A_23, %dot_general3A {dimension_numbers = #tpu.dot_dimension_numbers<[1], [0], [0], [1], [0, 0, 1, 1], [], []>, transpose_lhs_hint = false} : vector<632x128xf32>, vector<128x128xf32>, vector<632x128xf32> -> vector<632x128xf32>
    %mul3A_25 = arith.constant 632 : i32
    %mul3A_26 = arith.muli %arg0, %mul3A_25 : i32
    %iota3A = tpu.iota {dimensions = array<i32: 0>} : vector<632x128xi32>
    %add3A_27 = vector.broadcast %mul3A_26 : i32 to vector<632x128xi32>
    %add3A_28 = arith.addi %add3A_27, %iota3A : vector<632x128xi32>
    %lt3A = arith.constant 2500 : i32
    %lt3A_29 = vector.broadcast %lt3A : i32 to vector<632x128xi32>
    %lt3A_30 = arith.cmpi slt, %add3A_28, %lt3A_29 : vector<632x128xi32>
    %mul3A_31 = arith.mulf %get3A_1, %dot_general3A_24 : vector<632x128xf32>
    %jit3A = arith.constant 0.000000e+00 : f32
    %broadcast_in_dim3A = vector.broadcast %jit3A : f32 to vector<632x128xf32>
    %select_n3A = arith.select %lt3A_30, %mul3A_31, %broadcast_in_dim3A : vector<632x128xi1>, vector<632x128xf32>
    %swap3A = arith.constant 0 : index
    %swap3A_32 = arith.constant 0 : index
    %swap3A_33 = vector.load %arg7[%swap3A, %swap3A_32] : memref<632x128xf32, #tpu.memory_space<vmem>>, vector<632x128xf32>
    tpu.vector_store %arg7[%swap3A, %swap3A_32], %select_n3A {strides = array<i32>} : memref<632x128xf32, #tpu.memory_space<vmem>>, vector<632x128xf32>,
    return
  }
  func.func @transform_0(%arg0: i32) -> (i32, i32, i32) {
    %c0_i32 = arith.constant 0 : i32
    %c0_i32_0 = arith.constant 0 : i32
    %c0_i32_1 = arith.constant 0 : i32
    return %c0_i32, %arg0, %c0_i32_0 : i32, i32, i32
  }
  func.func @transform_1(%arg0: i32) -> (i32, i32, i32) {
    %c1_i32 = arith.constant 1 : i32
    %c0_i32 = arith.constant 0 : i32
    %c0_i32_0 = arith.constant 0 : i32
    return %c1_i32, %arg0, %c0_i32 : i32, i32, i32
  }
  func.func @transform_2(%arg0: i32) -> (i32, i32) {
    %c0_i32 = arith.constant 0 : i32
    %c0_i32_0 = arith.constant 0 : i32
    return %arg0, %c0_i32 : i32, i32
  }
  func.func @transform_3(%arg0: i32) -> (i32, i32) {
    %c0_i32 = arith.constant 0 : i32
    %c0_i32_0 = arith.constant 0 : i32
    return %arg0, %c0_i32 : i32, i32
  }
  func.func @transform_4(%arg0: i32) -> (i32, i32) {
    %c0_i32 = arith.constant 0 : i32
    %c0_i32_0 = arith.constant 0 : i32
    %c0_i32_1 = arith.constant 0 : i32
    return %c0_i32, %c0_i32_0 : i32, i32
  }
  func.func @transform_5(%arg0: i32) -> (i32, i32) {
    %c0_i32 = arith.constant 0 : i32
    %c0_i32_0 = arith.constant 0 : i32
    %c0_i32_1 = arith.constant 0 : i32
    return %c0_i32, %c0_i32_0 : i32, i32
  }
  func.func @transform_6(%arg0: i32) -> (i32, i32) {
    %c0_i32 = arith.constant 0 : i32
    %c0_i32_0 = arith.constant 0 : i32
    return %arg0, %c0_i32 : i32, i32
  }
}

module attributes {stable_mosaic.version = 14 : i64} {
  func.func @_dec_body(%arg0: i32, %arg1: memref<1x2000x32xf32, #tpu.memory_space<vmem>>, %arg2: memref<1x2000x32xf32, #tpu.memory_space<vmem>>, %arg3: memref<2000x32xf32, #tpu.memory_space<vmem>>, %arg4: memref<2000x32xf32, #tpu.memory_space<vmem>>, %arg5: memref<1x32xf32, #tpu.memory_space<vmem>>, %arg6: memref<2000x16xf32, #tpu.memory_space<vmem>>, %arg7: memref<2000x16xf32, #tpu.memory_space<vmem>>, %arg8: memref<200x10000xf32, #tpu.memory_space<vmem>>, %arg9: memref<10000x16xf32, #tpu.memory_space<vmem>>) attributes {dimension_semantics = [#tpu.dimension_semantics<arbitrary>], iteration_bounds = array<i64: 55>, scalar_prefetch = 0 : i64, scratch_operands = 1 : i64, tpu.core_type = #tpu.core_type<tc>, window_params = [{transform_indices = @transform_0, window_bounds = array<i64: 1, 2000, 32>}, {transform_indices = @transform_1, window_bounds = array<i64: 1, 2000, 32>}, {transform_indices = @transform_2, window_bounds = array<i64: 2000, 32>}, {transform_indices = @transform_3, window_bounds = array<i64: 2000, 32>}, {pipeline_mode = #tpu.pipeline_mode<synchronous>, transform_indices = @transform_4, window_bounds = array<i64: 1, 32>}, {transform_indices = @transform_5, window_bounds = array<i64: 2000, 16>}, {transform_indices = @transform_6, window_bounds = array<i64: 2000, 16>}, {transform_indices = @transform_7, window_bounds = array<i64: 200, 10000>}]} {
    %lt3A = arith.constant 5 : i32
    %lt3A_0 = arith.cmpi slt, %arg0, %lt3A : i32
    %convert_element_type3A = arith.extui %lt3A_0 : i1 to i32
    %cond3A = arith.constant 0 : i32
    %cond3A_1 = arith.cmpi ne, %convert_element_type3A, %cond3A : i32
    scf.if %cond3A_1 {
      %get3A = arith.constant 0 : index
      %get3A_6 = arith.constant 0 : index
      %get3A_7 = vector.load %arg4[%get3A, %get3A_6] : memref<2000x32xf32, #tpu.memory_space<vmem>>, vector<2000x1xf32>
      %get3A_8 = arith.constant 0 : index
      %get3A_9 = arith.constant 0 : index
      %get3A_10 = arith.constant 0 : index
      %get3A_11 = vector.load %arg1[%get3A_8, %get3A_9, %get3A_10] : memref<1x2000x32xf32, #tpu.memory_space<vmem>>, vector<1x2000x32xf32>
      %get3A_12 = vector.shape_cast %get3A_11 : vector<1x2000x32xf32> to vector<2000x32xf32>
      %get3A_13 = arith.constant 0 : index
      %get3A_14 = arith.constant 0 : index
      %get3A_15 = arith.constant 0 : index
      %get3A_16 = vector.load %arg2[%get3A_13, %get3A_14, %get3A_15] : memref<1x2000x32xf32, #tpu.memory_space<vmem>>, vector<1x2000x32xf32>
      %get3A_17 = vector.shape_cast %get3A_16 : vector<1x2000x32xf32> to vector<2000x32xf32>
      %add3A = arith.addf %get3A_12, %get3A_17 : vector<2000x32xf32>
      %get3A_18 = arith.constant 0 : index
      %get3A_19 = arith.constant 0 : index
      %get3A_20 = vector.load %arg3[%get3A_18, %get3A_19] : memref<2000x32xf32, #tpu.memory_space<vmem>>, vector<2000x32xf32>
      %add3A_21 = arith.addf %add3A, %get3A_20 : vector<2000x32xf32>
      %mul3A = vector.broadcast %get3A_7 : vector<2000x1xf32> to vector<2000x32xf32>
      %mul3A_22 = arith.mulf %mul3A, %add3A_21 : vector<2000x32xf32>
      %get3A_23 = arith.constant 0 : index
      %get3A_24 = arith.constant 0 : index
      %get3A_25 = vector.load %arg5[%get3A_23, %get3A_24] : memref<1x32xf32, #tpu.memory_space<vmem>>, vector<1x32xf32>
      %add3A_26 = vector.broadcast %get3A_25 : vector<1x32xf32> to vector<2000x32xf32>
      %add3A_27 = arith.addf %mul3A_22, %add3A_26 : vector<2000x32xf32>
      %slice3A = vector.extract_strided_slice %add3A_27 {offsets = [0, 0], sizes = [2000, 16], strides = [1, 1]} : vector<2000x32xf32> to vector<2000x16xf32>
      %swap3A = arith.constant 0 : index
      %swap3A_28 = arith.constant 0 : index
      %swap3A_29 = vector.load %arg6[%swap3A, %swap3A_28] : memref<2000x16xf32, #tpu.memory_space<vmem>>, vector<2000x16xf32>
      tpu.vector_store %arg6[%swap3A, %swap3A_28], %slice3A {strides = array<i32>} : memref<2000x16xf32, #tpu.memory_space<vmem>>, vector<2000x16xf32>,
      %slice3A_30 = vector.extract_strided_slice %add3A_27 {offsets = [0, 16], sizes = [2000, 16], strides = [1, 1]} : vector<2000x32xf32> to vector<2000x16xf32>
      %swap3A_31 = arith.constant 0 : index
      %swap3A_32 = arith.constant 0 : index
      %swap3A_33 = vector.load %arg7[%swap3A_31, %swap3A_32] : memref<2000x16xf32, #tpu.memory_space<vmem>>, vector<2000x16xf32>
      tpu.vector_store %arg7[%swap3A_31, %swap3A_32], %slice3A_30 {strides = array<i32>} : memref<2000x16xf32, #tpu.memory_space<vmem>>, vector<2000x16xf32>,
      %mul3A_34 = arith.constant 2000 : i32
      %mul3A_35 = arith.muli %arg0, %mul3A_34 : i32
      %swap3A_36 = arith.index_cast %mul3A_35 : i32 to index
      %swap3A_37 = arith.constant 0 : index
      %swap3A_38 = vector.load %arg9[%swap3A_36, %swap3A_37] : memref<10000x16xf32, #tpu.memory_space<vmem>>, vector<2000x16xf32>
      tpu.vector_store %arg9[%swap3A_36, %swap3A_37], %slice3A {strides = array<i32>} : memref<10000x16xf32, #tpu.memory_space<vmem>>, vector<2000x16xf32>,
    } else {
    }
    %ge3A = arith.constant 5 : i32
    %ge3A_2 = arith.cmpi sge, %arg0, %ge3A : i32
    %convert_element_type3A_3 = arith.extui %ge3A_2 : i1 to i32
    %cond3A_4 = arith.constant 0 : i32
    %cond3A_5 = arith.cmpi ne, %convert_element_type3A_3, %cond3A_4 : i32
    scf.if %cond3A_5 {
      %sub3A = arith.constant 5 : i32
      %sub3A_6 = arith.subi %arg0, %sub3A : i32
      %mul3A = arith.constant 200 : i32
      %mul3A_7 = arith.muli %sub3A_6, %mul3A : i32
      %get3A = arith.index_cast %mul3A_7 : i32 to index
      %get3A_8 = arith.constant 0 : index
      %get3A_9 = vector.load %arg9[%get3A, %get3A_8] : memref<10000x16xf32, #tpu.memory_space<vmem>>, vector<200x16xf32>
      %get3A_10 = arith.constant 0 : index
      %get3A_11 = arith.constant 0 : index
      %get3A_12 = vector.load %arg9[%get3A_10, %get3A_11] : memref<10000x16xf32, #tpu.memory_space<vmem>>, vector<10000x16xf32>
      %dot_general3A = arith.constant dense<0.000000e+00> : vector<200x10000xf32>
      %dot_general3A_13 = tpu.matmul %get3A_9, %get3A_12, %dot_general3A {dimension_numbers = #tpu.dot_dimension_numbers<[1], [1], [0], [0], [0, 0, 1, 0], [], []>, transpose_lhs_hint = false} : vector<200x16xf32>, vector<10000x16xf32>, vector<200x10000xf32> -> vector<200x10000xf32>
      %mul3A_14 = arith.constant 5.000000e-01 : f32
      %mul3A_15 = vector.broadcast %mul3A_14 : f32 to vector<200x10000xf32>
      %mul3A_16 = arith.mulf %mul3A_15, %dot_general3A_13 : vector<200x10000xf32>
      %tanh3A = math.tanh %mul3A_16 : vector<200x10000xf32>
      %mul3A_17 = arith.constant 5.000000e-01 : f32
      %mul3A_18 = vector.broadcast %mul3A_17 : f32 to vector<200x10000xf32>
      %mul3A_19 = arith.mulf %mul3A_18, %tanh3A : vector<200x10000xf32>
      %add3A = arith.constant 5.000000e-01 : f32
      %add3A_20 = vector.broadcast %add3A : f32 to vector<200x10000xf32>
      %add3A_21 = arith.addf %mul3A_19, %add3A_20 : vector<200x10000xf32>
      %swap3A = arith.constant 0 : index
      %swap3A_22 = arith.constant 0 : index
      %swap3A_23 = vector.load %arg8[%swap3A, %swap3A_22] : memref<200x10000xf32, #tpu.memory_space<vmem>>, vector<200x10000xf32>
      tpu.vector_store %arg8[%swap3A, %swap3A_22], %add3A_21 {strides = array<i32>} : memref<200x10000xf32, #tpu.memory_space<vmem>>, vector<200x10000xf32>,
    } else {
    }
    return
  }
  func.func @transform_0(%arg0: i32) -> (i32, i32, i32) {
    %min3A = arith.constant 4 : i32
    %min3A_0 = arith.minsi %arg0, %min3A : i32
    %c0_i32 = arith.constant 0 : i32
    %c0_i32_1 = arith.constant 0 : i32
    %c0_i32_2 = arith.constant 0 : i32
    return %c0_i32, %min3A_0, %c0_i32_1 : i32, i32, i32
  }
  func.func @transform_1(%arg0: i32) -> (i32, i32, i32) {
    %min3A = arith.constant 4 : i32
    %min3A_0 = arith.minsi %arg0, %min3A : i32
    %c1_i32 = arith.constant 1 : i32
    %c0_i32 = arith.constant 0 : i32
    %c0_i32_1 = arith.constant 0 : i32
    return %c1_i32, %min3A_0, %c0_i32 : i32, i32, i32
  }
  func.func @transform_2(%arg0: i32) -> (i32, i32) {
    %min3A = arith.constant 4 : i32
    %min3A_0 = arith.minsi %arg0, %min3A : i32
    %c0_i32 = arith.constant 0 : i32
    %c0_i32_1 = arith.constant 0 : i32
    return %min3A_0, %c0_i32 : i32, i32
  }
  func.func @transform_3(%arg0: i32) -> (i32, i32) {
    %min3A = arith.constant 4 : i32
    %min3A_0 = arith.minsi %arg0, %min3A : i32
    %c0_i32 = arith.constant 0 : i32
    %c0_i32_1 = arith.constant 0 : i32
    return %min3A_0, %c0_i32 : i32, i32
  }
  func.func @transform_4(%arg0: i32) -> (i32, i32) {
    %c0_i32 = arith.constant 0 : i32
    %c0_i32_0 = arith.constant 0 : i32
    %c0_i32_1 = arith.constant 0 : i32
    return %c0_i32, %c0_i32_0 : i32, i32
  }
  func.func @transform_5(%arg0: i32) -> (i32, i32) {
    %min3A = arith.constant 4 : i32
    %min3A_0 = arith.minsi %arg0, %min3A : i32
    %c0_i32 = arith.constant 0 : i32
    %c0_i32_1 = arith.constant 0 : i32
    return %min3A_0, %c0_i32 : i32, i32
  }
  func.func @transform_6(%arg0: i32) -> (i32, i32) {
    %min3A = arith.constant 4 : i32
    %min3A_0 = arith.minsi %arg0, %min3A : i32
    %c0_i32 = arith.constant 0 : i32
    %c0_i32_1 = arith.constant 0 : i32
    return %min3A_0, %c0_i32 : i32, i32
  }
  func.func @transform_7(%arg0: i32) -> (i32, i32) {
    %sub3A = arith.constant 5 : i32
    %sub3A_0 = arith.subi %arg0, %sub3A : i32
    %max3A = arith.constant 0 : i32
    %max3A_1 = arith.maxsi %sub3A_0, %max3A : i32
    %c0_i32 = arith.constant 0 : i32
    %c0_i32_2 = arith.constant 0 : i32
    return %max3A_1, %c0_i32 : i32, i32
  }
}

</mosaic_0001>

<sc_bundles>
// kernel: kernel.10.cloned.1.call-start
scs
__scs_entry_jumppad:
0x0: {  	(pc) =	sbr.rel $0x88, $3  }
0x1: {  	(tag) =	ssettag $0x0;
	lr =	simm.s32 $0x1  }
0x2: {  	[smem:$0x3F99] =	sst lr;
	_ =	strace $0xD0000000  }
0x3: {  	_ = 	snop  }
0x4: {  	_ = 	snop  }
0x5: {  	_ = 	snop  }
0x6: {  	_ = 	snop  }
0x7: {  	_ = 	snop  }
__scs_overlays_trampoline_lowered:
0x8: {  	[smem:$0x3FA8] =	sst s0  }
0x9: {  	[smem:$0x3FA9] =	sst s1  }
0xa: {  	[smem:$0x3FAA] =	sst s2  }
0xb: {  	[smem:$0x3FAB] =	sst s3  }
0xc: {  	[smem:$0x3FAC] =	sst s4  }
0xd: {  	[smem:$0x3FAD] =	sst s5  }
0xe: {  	[smem:$0x3FAE] =	sst s6  }
0xf: {  	[smem:$0x3FAF] =	sst s7  }
0x10: {  	[smem:$0x3FB0] =	sst s8  }
0x11: {  	[smem:$0x3FB1] =	sst s9;
	s0 =	simm.s32 @!p0 $0x0  }
0x12: {  	s1 =	sld [smem:$0x3F97];
	s0 =	simm.s32 @p0 $0x1  }
0x13: {  	[smem:$0x3FB2] =	sst s0;
	s0 =	simm.s32 @!p1 $0x0  }
0x14: {  	s2 =	sld [smem:$0x3F96];
	s0 =	simm.s32 @p1 $0x1  }
0x15: {  	[smem:$0x3FB3] =	sst s0;
	s0 =	simm.s32 @!p2 $0x0  }
0x16: {  	s3 =	sld [smem:$0x3FDB];
	s0 =	simm.s32 @p2 $0x1  }
0x17: {  	s4 =	simm.s32 $0x1BF5;
	[smem:$0x3FB5] =	sst s0  }
0x18: {  	s0 =	sld [smem:$0x3F98];
	_ =	swait.ge [sflag:s4], $0x0  }
0x19: {  	s7 =	sld [smem:$0x3F99]  }
0x1a: {  	s8 =	sadd.s32 $0xFFFFE003, lr  }
0x1b: {  	s9 =	sadd.s32 $0xFFFFFEF7, lr;
	s5 =	simm.s32 $0xFFFFFFFF;
	p2 =	slt.u32 s8, $0xFFFFF086  }
0x1c: {  	p1 =	slt.u32 s9, $0xF7A;
	s5 =	simm.s32 @!p2 $0x0  }
0x1d: {  	s5 =	simm.s32 @p1 $0x1;
	p0 =	seq.s32 s7, s2  }
0x1e: {  	s7 =	smul.u32 @!p0 $0xF7A, s2;
	p2 =	seq.s32 @!p0 s5, $0x0  }
0x1f: {  	s9 =	smul.u32 $0xF7A, s1;
	s8 =	simm.s32 @!p0 $0x1BF5;
	p2 =	por !p2, p0  }
0x20: {  	[sflag:s8] =	ssyncset.s32 @!p0 $0xFFFFF086;
	s6 =	sadd.s32 @!p0 s3, s7;
	s7 =	simm.s32 @!p0 $0x108  }
0x21: {  	s3 =	sadd.s32 s3, s9;
	s6 =	sadd.s32 @!p0 $0x88, s6;
	s7 =	simm.s32 @p2 $0x1082  }
0x22: {  	[simem:s7], [sflag:s8] =	dma.local @!p0 [hbm:s6], $0xF7A  }
0x23: {  	s9 =	sor.u32 $0xD0000000, s2;
	s6 =	simm.s32 $0x108;
	_ =	swait.ge @!p0 [sflag:s8], $0x0  }
0x24: {  	s3 =	sadd.s32 $0x88, s3;
	s6 =	simm.s32 @!p1 $0x1082;
	[sflag:s4] =	ssyncset.s32 $0xFFFFF086  }
0x25: {  	[simem:s6], [sflag:s4] =	dma.local [hbm:s3], $0xF7A  }
0x26: {  	[smem:$0x3F99] =	sst s1;
	(tag) =	ssettag s2;
	_ =	strace s9  }
0x27: {  	s1 =	sld [smem:$0x3FA9]  }
0x28: {  	s2 =	sld [smem:$0x3FAA]  }
0x29: {  	s4 =	sld [smem:$0x3FAC]  }
0x2a: {  	p0 =	seq.s32 s5, $0x0;
	s5 =	sld [smem:$0x3FAD]  }
0x2b: {  	s6 =	sld [smem:$0x3FAE]  }
0x2c: {  	s7 =	sld [smem:$0x3FAF]  }
0x2d: {  	s3 =	simm.s32 $0x108;
	s8 =	sld [smem:$0x3FB0]  }
0x2e: {  	s3 =	simm.s32 @!p0 $0x1082;
	s9 =	sld [smem:$0x3FB1]  }
0x2f: {  	lr =	sadd.s32 s0, s3;
	s0 =	sld [smem:$0x3FA8]  }
0x30: {  	s3 =	sld [smem:$0x3FAB]  }
0x31: {  	[smem:$0x3FB4] =	sst s10  }
0x32: {  	s10 =	sld [smem:$0x3FB2];
	_ =	sdelay $0x3  }
0x33: {  	p0 =	seq.s32 s10, $0x1;
	s10 =	sld [smem:$0x3FB4];
	_ =	sdelay $0x3  }
0x34: {  	[smem:$0x3FB4] =	sst s10  }
0x35: {  	s10 =	sld [smem:$0x3FB3];
	_ =	sdelay $0x3  }
0x36: {  	p1 =	seq.s32 s10, $0x1;
	s10 =	sld [smem:$0x3FB4];
	_ =	sdelay $0x3  }
0x37: {  	[smem:$0x3FB4] =	sst s10  }
0x38: {  	s10 =	sld [smem:$0x3FB5]  }
0x39: {  	_ = 	snop;
	(pc) =	sbr.ind lr, $3  }
0x3a: {  	_ = 	snop  }
0x3b: {  	_ = 	snop  }
0x3c: {  	p2 =	seq.s32 s10, $0x1;
	s10 =	sld [smem:$0x3FB4]  }
0x3d: {  	_ =	shalt  }
0x3e: {  	_ =	shalt  }
0x3f: {  	_ =	shalt  }
0x40: {  	_ =	shalt  }
0x41: {  	_ =	shalt  }
0x42: {  	_ =	shalt  }
0x43: {  	_ =	shalt  }
0x44: {  	_ =	shalt  }
0x45: {  	_ =	shalt  }
0x46: {  	_ =	shalt  }
0x47: {  	_ =	shalt  }
0x48: {  	_ =	shalt  }
0x49: {  	_ =	shalt  }
0x4a: {  	_ =	shalt  }
0x4b: {  	_ =	shalt  }
0x4c: {  	_ =	shalt  }
0x4d: {  	_ =	shalt  }
0x4e: {  	_ =	shalt  }
0x4f: {  	_ =	shalt  }
0x50: {  	_ =	shalt  }
0x51: {  	_ =	shalt  }
0x52: {  	_ =	shalt  }
0x53: {  	_ =	shalt  }
0x54: {  	_ =	shalt  }
0x55: {  	_ =	shalt  }
0x56: {  	_ =	shalt  }
0x57: {  	_ =	shalt  }
0x58: {  	_ =	shalt  }
0x59: {  	_ =	shalt  }
0x5a: {  	_ =	shalt  }
0x5b: {  	_ =	shalt  }
0x5c: {  	_ =	shalt  }
0x5d: {  	_ =	shalt  }
0x5e: {  	_ =	shalt  }
0x5f: {  	_ =	shalt  }
0x60: {  	_ =	shalt  }
0x61: {  	_ =	shalt  }
0x62: {  	_ =	shalt  }
0x63: {  	_ =	shalt  }
0x64: {  	_ =	shalt  }
0x65: {  	_ =	shalt  }
0x66: {  	_ =	shalt  }
0x67: {  	_ =	shalt  }
0x68: {  	_ =	shalt  }
0x69: {  	_ =	shalt  }
0x6a: {  	_ =	shalt  }
0x6b: {  	_ =	shalt  }
0x6c: {  	_ =	shalt  }
0x6d: {  	_ =	shalt  }
0x6e: {  	_ =	shalt  }
0x6f: {  	_ =	shalt  }
0x70: {  	_ =	shalt  }
0x71: {  	_ =	shalt  }
0x72: {  	_ =	shalt  }
0x73: {  	_ =	shalt  }
0x74: {  	_ =	shalt  }
0x75: {  	_ =	shalt  }
0x76: {  	_ =	shalt  }
0x77: {  	_ =	shalt  }
0x78: {  	_ =	shalt  }
0x79: {  	_ =	shalt  }
0x7a: {  	_ =	shalt  }
0x7b: {  	_ =	shalt  }
0x7c: {  	_ =	shalt  }
0x7d: {  	_ =	shalt  }
0x7e: {  	_ =	shalt  }
0x7f: {  	_ =	shalt  }
0x80: {  	_ =	shalt  }
0x81: {  	_ =	shalt  }
0x82: {  	_ =	shalt  }
0x83: {  	_ =	shalt  }
0x84: {  	_ =	shalt  }
0x85: {  	_ =	shalt  }
0x86: {  	_ =	shalt  }
0x87: {  	_ =	shalt  }
.Lfunc_end0:
.L_simem_size_0:
called_computation_lowered:
.L_overlay_start_0:
0x88: {  	s2 =	sld [smem:$0x3FD9]  }
0x89: {  	s3 =	sld [smem:$0x3FFE];
	_ =	sdelay $0x1  }
0x8a: {  	s1 =	srdreg.scid  }
0x8b: {  	s0 =	sand.u32 $0x1, s1  }
0x8c: {  	s14 =	sshll.u32 s0, $0xA;
	s2 =	sadd.s32 s3, s2  }
0x8d: {  	s2 =	sadd.s32 s2, s14  }
0x8e: {  	[smem:$0x3FC0] =	sst s2  }
0x8f: {  	_ = 	snop  }
0x90: {  	s2 =	sld [smem:$0x3FD0];
	_ =	sdelay $0x2  }
0x91: {  	s15 =	simm.s32 $0xA;
	s4 =	simm.s32 $0x10  }
0x92: {  	[smem:s4], [sflag:s15] =	dma.local [hbm:s2], $0x1  }
0x93: {  	_ =	swait.eq [sflag:s15], $0x1  }
0x94: {  	[sflag:s15] =	ssyncset.done $0x0  }
0x95: {  	s16 =	sld [smem:$0x10];
	[sflag:s15] =	ssyncadd.s32 $0xFFFFFFFF  }
0x96: {  	s17 =	sld [smem:$0x12];
	(tm) =	ssettm $0x1  }
0x97: {  	s18 =	sld [smem:$0x3FFB];
	_ =	sdelay $0x3  }
0x98: {  	_ =	strace s18  }
0x99: {  	s4 =	sld [smem:$0x3FFC];
	_ =	sdelay $0x3  }
0x9a: {  	_ =	strace s4  }
0x9b: {  	s4 =	sld [smem:$0x3FFD];
	_ =	sdelay $0x3  }
0x9c: {  	_ =	strace s4  }
0x9d: {  	_ =	strace $0x8FFFFFFF  }
0x9e: {  	s19 =	sld [smem:$0x3FDB];
	_ =	sdelay $0x1  }
0x9f: {  	s5 =	simm.s32 $_scs_section_size  }
0xa0: {  	s6 =	simm.s32 $_size__tile_overlayer_lowered;
	s7 =	simm.s32 $_tile_overlayer_lowered  }
0xa1: {  	s22 =	simm.s32 $0x1BFF;
	s21 =	sshll.u32 s7, $0x1;
	s4 =	sadd.s32 s5, s19  }
0xa2: {  	s8 =	simm.s32 $0x0;
	s20 =	sshll.u32 s6, $0x1;
	s6 =	sadd.s32 s21, s4  }
0xa3: {  	[timem:s8], [sflag:s22] =	dma.local [hbm:s6], s20  }
0xa4: {  	_ =	swait.ge [sflag:s22], s20  }
0xa5: {  	s5 =	ssub.s32 $0x0, s20;
	[sflag:s22] =	ssyncset.done $0x0  }
0xa6: {  	[sflag:s22] =	ssyncadd.s32 s5;
	_ =	sdelay $0x1  }
0xa7: {  	s23 =	simm.s32 $0x1B8B  }
0xa8: {  	_ =	swait.ge [sflag:s23], $0x1  }
0xa9: {  	[sflag:s23] =	ssyncset.done $0x0  }
0xaa: {  	s25 =	simm.s32 $0x1B8E;
	s24 =	sld [smem:$0x3FFE];
	[sflag:s23] =	ssyncadd.s32 $0xFFFFFFFF  }
0xab: {  	s26 =	simm.s32 $execute0_lowered;
	[smem:$0x3FD2] =	sst s25  }
0xac: {  	s6 =	sshll.u32 s26, $0x1;
	_ =	strace $0x80000046;
	[dreg:$0x1] =	wrdreg $0xFFFFFFFF  }
0xad: {  	s28 =	simm.s32 $_size_execute0_lowered;
	s4 =	sadd.s32 s4, s6;
	[dreg:$0x0] =	wrdreg $0x0  }
0xae: {  	s6 =	sshll.u32 s28, $0x1;
	[dreg:$0x2] =	wrdreg s4  }
0xaf: {  	[dreg:$0x3] =	wrdreg s6  }
0xb0: {  	[dreg:$0x4] =	wrdreg $0xC0  }
0xb1: {  	_ =	task [dreg:s8], $0x5FFFF  }
0xb2: {  	[dreg:$0x1] =	wrdreg $0xFFFFFFFF  }
0xb3: {  	[dreg:$0x0] =	wrdreg $0x60  }
0xb4: {  	[dreg:$0x2] =	wrdreg s24  }
0xb5: {  	[dreg:$0x3] =	wrdreg s17  }
0xb6: {  	[dreg:$0x4] =	wrdreg s16  }
0xb7: {  	[dreg:$0x5] =	wrdreg $0x0  }
0xb8: {  	[dreg:$0x6] =	wrdreg $0x9  }
0xb9: {  	_ =	task.clear_ibuf [dreg:s8], $0x7FFFF;
	_ =	strace $0x90000046  }
0xba: {  	s29 =	simm.s32 $0x9;
	_ =	strace $0x80000048  }
0xbb: {  	_ =	swait.ge [sflag:s29], $0x1  }
0xbc: {  	[sflag:s29] =	ssyncadd.s32 $0xFFFFFFFF  }
0xbd: {  	_ =	strace $0x90000048  }
0xbe: {  	_ =	sfence  }
0xbf: {  	s30 =	sld [smem:$0x0];
	_ =	sdelay $0x2  }
0xc0: {  	s31 =	sshll.u32 s1, $0xD;
	s1 =	sshrl.u32 s1, $0x2  }
0xc1: {  	s3 =	sand.u32 $0x4000, s31;
	s1 =	sadd.s32 s1, s30  }
0xc2: {  	s0 =	sor.u32 s3, s0;
	s1 =	sshll.u32 s1, $0x11  }
0xc3: {  	s0 =	sor.u32 s1, s0  }
0xc4: {  	s0 =	sadd.s32 $0x8F2B, s0  }
0xc5: {  	[sflag:s0] =	ssyncadd.remote.s32 $0x1  }
0xc6: {  	_ =	sfence.sel $0xFFFF  }
0xc7: {  	[dreg:$0x0] =	wrdreg $0xFFFFFFFF;
	(pc) =	sbr.abs _section_cstart, $3  }
0xc8: {  	[dreg:$0x1] =	wrdreg $0xFFFFFFFF  }
0xc9: {  	_ =	task.clear_ibuf [dreg:s8], $0x2FFFF;
	_ =	strace $0x9FFFFFFF  }
0xca: {  	(tm) =	ssettm $0x7FFFFFFF  }
0xcb: {  	_ =	shalt  }
tec
execute0_lowered:
.L_overlay_start_1:
0x0: {  	(tag) =	ssettag $0x1  }
0x1: {  	s5 =	rddreg [dreg:$0x0]  }
0x2: {  	s1 =	rddreg [dreg:$0x1];
	s2 =	srdreg.scid  }
0x3: {  	s0 =	stileid.u32;
	s8 =	rddreg [dreg:$0x2]  }
0x4: {  	s3 =	rddreg [dreg:$0x3];
	s4 =	simm.s32 $0x0;
	s13 =	simm.s32 $0x7700  }
0x5: {  	s14 =	simm.s32 $0x80;
	s15 =	simm.s32 $0x1;
	s16 =	simm.s32 $0x0  }
0x6: {  	s6 =	sand.u32 $0x1, s2;
	s29 =	sshll.u32 s0, $0x1;
	s2 =	rddreg [dreg:$0x4]  }
0x7: {  	[smem:$0x7FF] =	sst s4;
	s9 =	smul.u32 $0x4F00, s0;
	s31 =	sshll.u32 s0, $0x6  }
0x8: {  	s7 =	sor.u32 s6, s29;
	s10 =	ssub.s32 $0x2, s6;
	s6 =	smul.u32 $0x4F000, s6  }
0x9: {  	_ =	strace $0x80000047;
	s7 =	smul.u32 $0x500, s7;
	s12 =	sshrl.u32 s10, $0x1  }
0xa: {  	s11 =	sshrl.u32 s9, $0x3;
	s30 =	sadd.s32 s9, s3;
	s10 =	ssub.s32 s10, s12  }
0xb: {  	s9 =	sadd.s32 s9, s6;
	s6 =	sor.u32 $0x1C02, s31;
	s12 =	simm.s32 $0x4F00  }
0xc: {  	s7 =	sadd.s32 s7, s5;
	s5 =	sadd.s32 s11, s5;
	s9 =	sshrl.u32 s9, $0x3  }
0xd: {  	s11 =	simm.s32 $0x2;
	s5 =	sadd.s32 $0x17600, s5;
	s7 =	sadd.s32 $0x3600, s7  }
0xe: {  	s8 =	sadd.s32 s8, s9;
	s9 =	smax.u32 s10, $0x1;
	s10 =	sshrl.u32 s30, $0x3  }
.LBB2_1:
0xf: {  	[spmem:s10], [sflag:s6] =	dma.local [hbm:s5], $0x9E0  }
0x10: {  	_ =	swait.ge [sflag:s11], $0x9E0  }
0x11: {  	[sflag:s11] =	ssyncset.done $0x0  }
0x12: {  	[sflag:s11] =	ssyncadd.s32 $0xFFFFF620  }
0x13: {  	[tilespmem:s12], [sflag:$0x2] =	stream.linear.gather [hbm4b:s7+s4], $0x2800, $0x38;
	[tilespmem:$0x8700] =	vst v63  }
0x14: {  	_ =	swait.ge [sflag:s11], $0x2800  }
0x15: {  	[sflag:s11] =	ssyncset.done $0x0  }
0x16: {  	[sflag:s11] =	ssyncadd.s32 $0xFFFFD800  }
0x17: {  	[tilespmem:s13], [sflag:$0x2] =	stream.linear.gather [hbm4b:s1+s4], $0x1000, $0x38;
	[tilespmem:$0x8700] =	vst v63  }
0x18: {  	_ =	swait.ge [sflag:s11], $0x1000  }
0x19: {  	[sflag:s11] =	ssyncset.done $0x0  }
0x1a: {  	[sflag:s11] =	ssyncadd.s32 $0xFFFFF000  }
0x1b: {  	s17 =	simm.s32 $0x4F00;
	[bflag:$0x0] =	sbarrier.arrive $0xFFFF  }
0x1c: {  	[spmem:s3] =	stream.indirect.scatter.add.f32 [tilespmem:s13], [sflag:$0x1], $0x20, s17, s14, $0xb8;
	[tilespmem:$0x8700] =	vst v63  }
0x1d: {  	s30 =	simm.s32 $0x4F80  }
0x1e: {  	[spmem:s3] =	stream.indirect.scatter.add.f32 [tilespmem:s13], [sflag:$0x1], $0x20, s30, s14, $0xb8;
	[tilespmem:$0x8700] =	vst v63  }
0x1f: {  	s31 =	simm.s32 $0x5000  }
0x20: {  	[spmem:s3] =	stream.indirect.scatter.add.f32 [tilespmem:s13], [sflag:$0x1], $0x20, s31, s14, $0xb8;
	[tilespmem:$0x8700] =	vst v63  }
0x21: {  	s18 =	simm.s32 $0x5080  }
0x22: {  	[spmem:s3] =	stream.indirect.scatter.add.f32 [tilespmem:s13], [sflag:$0x1], $0x20, s18, s14, $0xb8;
	[tilespmem:$0x8700] =	vst v63  }
0x23: {  	s19 =	simm.s32 $0x5100  }
0x24: {  	[spmem:s3] =	stream.indirect.scatter.add.f32 [tilespmem:s13], [sflag:$0x1], $0x20, s19, s14, $0xb8;
	[tilespmem:$0x8700] =	vst v63  }
0x25: {  	s20 =	simm.s32 $0x5180  }
0x26: {  	[spmem:s3] =	stream.indirect.scatter.add.f32 [tilespmem:s13], [sflag:$0x1], $0x20, s20, s14, $0xb8;
	[tilespmem:$0x8700] =	vst v63  }
0x27: {  	s21 =	simm.s32 $0x5200  }
0x28: {  	[spmem:s3] =	stream.indirect.scatter.add.f32 [tilespmem:s13], [sflag:$0x1], $0x20, s21, s14, $0xb8;
	[tilespmem:$0x8700] =	vst v63  }
0x29: {  	s22 =	simm.s32 $0x5280  }
0x2a: {  	[spmem:s3] =	stream.indirect.scatter.add.f32 [tilespmem:s13], [sflag:$0x1], $0x20, s22, s14, $0xb8;
	[tilespmem:$0x8700] =	vst v63  }
0x2b: {  	s23 =	simm.s32 $0x5300  }
0x2c: {  	[spmem:s3] =	stream.indirect.scatter.add.f32 [tilespmem:s13], [sflag:$0x1], $0x20, s23, s14, $0xb8;
	[tilespmem:$0x8700] =	vst v63  }
0x2d: {  	s24 =	simm.s32 $0x5380  }
0x2e: {  	[spmem:s3] =	stream.indirect.scatter.add.f32 [tilespmem:s13], [sflag:$0x1], $0x20, s24, s14, $0xb8;
	[tilespmem:$0x8700] =	vst v63  }
0x2f: {  	s25 =	simm.s32 $0x5400  }
0x30: {  	[spmem:s3] =	stream.indirect.scatter.add.f32 [tilespmem:s13], [sflag:$0x1], $0x20, s25, s14, $0xb8;
	[tilespmem:$0x8700] =	vst v63  }
0x31: {  	s26 =	simm.s32 $0x5480  }
0x32: {  	[spmem:s3] =	stream.indirect.scatter.add.f32 [tilespmem:s13], [sflag:$0x1], $0x20, s26, s14, $0xb8;
	[tilespmem:$0x8700] =	vst v63  }
0x33: {  	s28 =	simm.s32 $0x5500  }
0x34: {  	[spmem:s3] =	stream.indirect.scatter.add.f32 [tilespmem:s13], [sflag:$0x1], $0x20, s28, s14, $0xb8;
	[tilespmem:$0x8700] =	vst v63  }
0x35: {  	s29 =	simm.s32 $0x5580  }
0x36: {  	[spmem:s3] =	stream.indirect.scatter.add.f32 [tilespmem:s13], [sflag:$0x1], $0x20, s29, s14, $0xb8;
	[tilespmem:$0x8700] =	vst v63  }
0x37: {  	s30 =	simm.s32 $0x5600  }
0x38: {  	[spmem:s3] =	stream.indirect.scatter.add.f32 [tilespmem:s13], [sflag:$0x1], $0x20, s30, s14, $0xb8;
	[tilespmem:$0x8700] =	vst v63  }
0x39: {  	s31 =	simm.s32 $0x5680  }
0x3a: {  	[spmem:s3] =	stream.indirect.scatter.add.f32 [tilespmem:s13], [sflag:$0x1], $0x20, s31, s14, $0xb8;
	[tilespmem:$0x8700] =	vst v63  }
0x3b: {  	_ =	swait.ge [sflag:s15], $0x1000  }
0x3c: {  	[sflag:s15] =	ssyncset.done $0x0  }
0x3d: {  	[sflag:s15] =	ssyncadd.s32 $0xFFFFF000  }
0x3e: {  	_ =	swait.ge [sflag:s15], $0x1000  }
0x3f: {  	[sflag:s15] =	ssyncset.done $0x0  }
0x40: {  	[sflag:s15] =	ssyncadd.s32 $0xFFFFF000  }
0x41: {  	_ =	swait.ge [sflag:s15], $0x1000  }
0x42: {  	[sflag:s15] =	ssyncset.done $0x0  }
0x43: {  	[sflag:s15] =	ssyncadd.s32 $0xFFFFF000  }
0x44: {  	_ =	swait.ge [sflag:s15], $0x1000  }
0x45: {  	[sflag:s15] =	ssyncset.done $0x0  }
0x46: {  	[sflag:s15] =	ssyncadd.s32 $0xFFFFF000  }
0x47: {  	_ =	swait.ge [sflag:s15], $0x1000  }
0x48: {  	[sflag:s15] =	ssyncset.done $0x0  }
0x49: {  	[sflag:s15] =	ssyncadd.s32 $0xFFFFF000  }
0x4a: {  	_ =	swait.ge [sflag:s15], $0x1000  }
0x4b: {  	[sflag:s15] =	ssyncset.done $0x0  }
0x4c: {  	[sflag:s15] =	ssyncadd.s32 $0xFFFFF000  }
0x4d: {  	_ =	swait.ge [sflag:s15], $0x1000  }
0x4e: {  	[sflag:s15] =	ssyncset.done $0x0  }
0x4f: {  	[sflag:s15] =	ssyncadd.s32 $0xFFFFF000  }
0x50: {  	_ =	swait.ge [sflag:s15], $0x1000  }
0x51: {  	[sflag:s15] =	ssyncset.done $0x0  }
0x52: {  	[sflag:s15] =	ssyncadd.s32 $0xFFFFF000  }
0x53: {  	_ =	swait.ge [sflag:s15], $0x1000  }
0x54: {  	[sflag:s15] =	ssyncset.done $0x0  }
0x55: {  	[sflag:s15] =	ssyncadd.s32 $0xFFFFF000  }
0x56: {  	_ =	swait.ge [sflag:s15], $0x1000  }
0x57: {  	[sflag:s15] =	ssyncset.done $0x0  }
0x58: {  	[sflag:s15] =	ssyncadd.s32 $0xFFFFF000  }
0x59: {  	_ =	swait.ge [sflag:s15], $0x1000  }
0x5a: {  	[sflag:s15] =	ssyncset.done $0x0  }
0x5b: {  	[sflag:s15] =	ssyncadd.s32 $0xFFFFF000  }
0x5c: {  	_ =	swait.ge [sflag:s15], $0x1000  }
0x5d: {  	[sflag:s15] =	ssyncset.done $0x0  }
0x5e: {  	[sflag:s15] =	ssyncadd.s32 $0xFFFFF000  }
0x5f: {  	_ =	swait.ge [sflag:s15], $0x1000  }
0x60: {  	[sflag:s15] =	ssyncset.done $0x0  }
0x61: {  	[sflag:s15] =	ssyncadd.s32 $0xFFFFF000  }
0x62: {  	_ =	swait.ge [sflag:s15], $0x1000  }
0x63: {  	[sflag:s15] =	ssyncset.done $0x0  }
0x64: {  	[sflag:s15] =	ssyncadd.s32 $0xFFFFF000  }
0x65: {  	_ =	swait.ge [sflag:s15], $0x1000  }
0x66: {  	[sflag:s15] =	ssyncset.done $0x0  }
0x67: {  	[sflag:s15] =	ssyncadd.s32 $0xFFFFF000  }
0x68: {  	_ =	swait.ge [sflag:s15], $0x1000  }
0x69: {  	s19 =	simm.s32 $0x800;
	s20 =	simm.s32 $0x4000;
	[sflag:s15] =	ssyncset.done $0x0  }
.LBB2_2:
0x6a: {  	s21 =	sadd.s32 $0x4F00, s19  }
0x6b: {  	[sflag:s15] =	ssyncadd.s32 $0xFFFFF000;
	s18 =	smov.u32 s20;
	s17 =	sadd.s32 $0x2000, s20  }
0x6c: {  	[spmem:s3] =	stream.indirect.scatter.add.f32 [tilespmem:s13], [sflag:$0x1], $0x20, s21, s14, $0xb8;
	[tilespmem:$0x8700] =	vst v63  }
0x6d: {  	p0 =	sne.s32 s20, $0x8000;
	s20 =	sadd.s32 $0x4F80, s19  }
0x6e: {  	[spmem:s3] =	stream.indirect.scatter.add.f32 [tilespmem:s13], [sflag:$0x1], $0x20, s20, s14, $0xb8;
	[tilespmem:$0x8700] =	vst v63  }
0x6f: {  	s20 =	sadd.s32 $0x5000, s19  }
0x70: {  	[spmem:s3] =	stream.indirect.scatter.add.f32 [tilespmem:s13], [sflag:$0x1], $0x20, s20, s14, $0xb8;
	[tilespmem:$0x8700] =	vst v63  }
0x71: {  	s20 =	sadd.s32 $0x5080, s19  }
0x72: {  	[spmem:s3] =	stream.indirect.scatter.add.f32 [tilespmem:s13], [sflag:$0x1], $0x20, s20, s14, $0xb8;
	[tilespmem:$0x8700] =	vst v63  }
0x73: {  	s20 =	sadd.s32 $0x5100, s19  }
0x74: {  	[spmem:s3] =	stream.indirect.scatter.add.f32 [tilespmem:s13], [sflag:$0x1], $0x20, s20, s14, $0xb8;
	[tilespmem:$0x8700] =	vst v63  }
0x75: {  	s20 =	sadd.s32 $0x5180, s19  }
0x76: {  	[spmem:s3] =	stream.indirect.scatter.add.f32 [tilespmem:s13], [sflag:$0x1], $0x20, s20, s14, $0xb8;
	[tilespmem:$0x8700] =	vst v63  }
0x77: {  	s20 =	sadd.s32 $0x5200, s19  }
0x78: {  	[spmem:s3] =	stream.indirect.scatter.add.f32 [tilespmem:s13], [sflag:$0x1], $0x20, s20, s14, $0xb8;
	[tilespmem:$0x8700] =	vst v63  }
0x79: {  	s20 =	sadd.s32 $0x5280, s19  }
0x7a: {  	[spmem:s3] =	stream.indirect.scatter.add.f32 [tilespmem:s13], [sflag:$0x1], $0x20, s20, s14, $0xb8;
	[tilespmem:$0x8700] =	vst v63  }
0x7b: {  	s20 =	sadd.s32 $0x5300, s19  }
0x7c: {  	[spmem:s3] =	stream.indirect.scatter.add.f32 [tilespmem:s13], [sflag:$0x1], $0x20, s20, s14, $0xb8;
	[tilespmem:$0x8700] =	vst v63  }
0x7d: {  	s20 =	sadd.s32 $0x5380, s19  }
0x7e: {  	[spmem:s3] =	stream.indirect.scatter.add.f32 [tilespmem:s13], [sflag:$0x1], $0x20, s20, s14, $0xb8;
	[tilespmem:$0x8700] =	vst v63  }
0x7f: {  	s20 =	sadd.s32 $0x5400, s19  }
0x80: {  	[spmem:s3] =	stream.indirect.scatter.add.f32 [tilespmem:s13], [sflag:$0x1], $0x20, s20, s14, $0xb8;
	[tilespmem:$0x8700] =	vst v63  }
0x81: {  	s20 =	sadd.s32 $0x5480, s19  }
0x82: {  	[spmem:s3] =	stream.indirect.scatter.add.f32 [tilespmem:s13], [sflag:$0x1], $0x20, s20, s14, $0xb8;
	[tilespmem:$0x8700] =	vst v63  }
0x83: {  	s20 =	sadd.s32 $0x5500, s19  }
0x84: {  	[spmem:s3] =	stream.indirect.scatter.add.f32 [tilespmem:s13], [sflag:$0x1], $0x20, s20, s14, $0xb8;
	[tilespmem:$0x8700] =	vst v63  }
0x85: {  	s20 =	sadd.s32 $0x5580, s19  }
0x86: {  	[spmem:s3] =	stream.indirect.scatter.add.f32 [tilespmem:s13], [sflag:$0x1], $0x20, s20, s14, $0xb8;
	[tilespmem:$0x8700] =	vst v63  }
0x87: {  	s20 =	sadd.s32 $0x5600, s19  }
0x88: {  	[spmem:s3] =	stream.indirect.scatter.add.f32 [tilespmem:s13], [sflag:$0x1], $0x20, s20, s14, $0xb8;
	[tilespmem:$0x8700] =	vst v63  }
0x89: {  	s19 =	sadd.s32 $0x5680, s19  }
0x8a: {  	[spmem:s3] =	stream.indirect.scatter.add.f32 [tilespmem:s13], [sflag:$0x1], $0x20, s19, s14, $0xb8;
	[tilespmem:$0x8700] =	vst v63  }
0x8b: {  	_ =	swait.ge [sflag:s15], $0x1000  }
0x8c: {  	[sflag:s15] =	ssyncset.done $0x0  }
0x8d: {  	[sflag:s15] =	ssyncadd.s32 $0xFFFFF000  }
0x8e: {  	_ =	swait.ge [sflag:s15], $0x1000  }
0x8f: {  	[sflag:s15] =	ssyncset.done $0x0  }
0x90: {  	[sflag:s15] =	ssyncadd.s32 $0xFFFFF000  }
0x91: {  	_ =	swait.ge [sflag:s15], $0x1000  }
0x92: {  	[sflag:s15] =	ssyncset.done $0x0  }
0x93: {  	[sflag:s15] =	ssyncadd.s32 $0xFFFFF000  }
0x94: {  	_ =	swait.ge [sflag:s15], $0x1000  }
0x95: {  	[sflag:s15] =	ssyncset.done $0x0  }
0x96: {  	[sflag:s15] =	ssyncadd.s32 $0xFFFFF000  }
0x97: {  	_ =	swait.ge [sflag:s15], $0x1000  }
0x98: {  	[sflag:s15] =	ssyncset.done $0x0  }
0x99: {  	[sflag:s15] =	ssyncadd.s32 $0xFFFFF000  }
0x9a: {  	_ =	swait.ge [sflag:s15], $0x1000  }
0x9b: {  	[sflag:s15] =	ssyncset.done $0x0  }
0x9c: {  	[sflag:s15] =	ssyncadd.s32 $0xFFFFF000  }
0x9d: {  	_ =	swait.ge [sflag:s15], $0x1000  }
0x9e: {  	[sflag:s15] =	ssyncset.done $0x0  }
0x9f: {  	[sflag:s15] =	ssyncadd.s32 $0xFFFFF000  }
0xa0: {  	_ =	swait.ge [sflag:s15], $0x1000  }
0xa1: {  	[sflag:s15] =	ssyncset.done $0x0  }
0xa2: {  	[sflag:s15] =	ssyncadd.s32 $0xFFFFF000  }
0xa3: {  	_ =	swait.ge [sflag:s15], $0x1000  }
0xa4: {  	[sflag:s15] =	ssyncset.done $0x0  }
0xa5: {  	[sflag:s15] =	ssyncadd.s32 $0xFFFFF000  }
0xa6: {  	_ =	swait.ge [sflag:s15], $0x1000  }
0xa7: {  	[sflag:s15] =	ssyncset.done $0x0  }
0xa8: {  	[sflag:s15] =	ssyncadd.s32 $0xFFFFF000  }
0xa9: {  	_ =	swait.ge [sflag:s15], $0x1000  }
0xaa: {  	[sflag:s15] =	ssyncset.done $0x0  }
0xab: {  	[sflag:s15] =	ssyncadd.s32 $0xFFFFF000  }
0xac: {  	_ =	swait.ge [sflag:s15], $0x1000  }
0xad: {  	[sflag:s15] =	ssyncset.done $0x0  }
0xae: {  	[sflag:s15] =	ssyncadd.s32 $0xFFFFF000  }
0xaf: {  	_ =	swait.ge [sflag:s15], $0x1000  }
0xb0: {  	[sflag:s15] =	ssyncset.done $0x0  }
0xb1: {  	[sflag:s15] =	ssyncadd.s32 $0xFFFFF000  }
0xb2: {  	_ =	swait.ge [sflag:s15], $0x1000  }
0xb3: {  	[sflag:s15] =	ssyncset.done $0x0  }
0xb4: {  	[sflag:s15] =	ssyncadd.s32 $0xFFFFF000  }
.Ltmp0:
0xb5: {  	_ =	swait.ge [sflag:s15], $0x1000;
	(pc) =	sbr.rel @p0 .LBB2_2-.Ltmp0, $4  }
0xb6: {  	[sflag:s15] =	ssyncset.done $0x0  }
0xb7: {  	[sflag:s15] =	ssyncadd.s32 $0xFFFFF000  }
0xb8: {  	_ =	swait.ge [sflag:s15], $0x1000  }
0xb9: {  	s20 =	smov.u32 s17;
	s19 =	sshra.s32 s18, $0x2;
	[sflag:s15] =	ssyncset.done $0x0  }
0xba: {  	s17 =	sadd.s32 $0x4F00, s19;
	[sflag:s15] =	ssyncadd.s32 $0xFFFFF000  }
0xbb: {  	[spmem:s3] =	stream.indirect.scatter.add.f32 [tilespmem:s13], [sflag:$0x1], $0x20, s17, s14, $0xb8;
	[tilespmem:$0x8700] =	vst v63  }
0xbc: {  	s29 =	sadd.s32 $0x4F80, s19  }
0xbd: {  	[spmem:s3] =	stream.indirect.scatter.add.f32 [tilespmem:s13], [sflag:$0x1], $0x20, s29, s14, $0xb8;
	[tilespmem:$0x8700] =	vst v63  }
0xbe: {  	s30 =	sadd.s32 $0x5000, s19  }
0xbf: {  	[spmem:s3] =	stream.indirect.scatter.add.f32 [tilespmem:s13], [sflag:$0x1], $0x20, s30, s14, $0xb8;
	[tilespmem:$0x8700] =	vst v63  }
0xc0: {  	s31 =	sadd.s32 $0x5080, s19  }
0xc1: {  	[spmem:s3] =	stream.indirect.scatter.add.f32 [tilespmem:s13], [sflag:$0x1], $0x20, s31, s14, $0xb8;
	[tilespmem:$0x8700] =	vst v63  }
0xc2: {  	s18 =	sadd.s32 $0x5100, s19  }
0xc3: {  	[spmem:s3] =	stream.indirect.scatter.add.f32 [tilespmem:s13], [sflag:$0x1], $0x20, s18, s14, $0xb8;
	[tilespmem:$0x8700] =	vst v63  }
0xc4: {  	s20 =	sadd.s32 $0x5180, s19  }
0xc5: {  	[spmem:s3] =	stream.indirect.scatter.add.f32 [tilespmem:s13], [sflag:$0x1], $0x20, s20, s14, $0xb8;
	[tilespmem:$0x8700] =	vst v63  }
0xc6: {  	s21 =	sadd.s32 $0x5200, s19  }
0xc7: {  	[spmem:s3] =	stream.indirect.scatter.add.f32 [tilespmem:s13], [sflag:$0x1], $0x20, s21, s14, $0xb8;
	[tilespmem:$0x8700] =	vst v63  }
0xc8: {  	s22 =	sadd.s32 $0x5280, s19  }
0xc9: {  	[spmem:s3] =	stream.indirect.scatter.add.f32 [tilespmem:s13], [sflag:$0x1], $0x20, s22, s14, $0xb8;
	[tilespmem:$0x8700] =	vst v63  }
0xca: {  	s23 =	sadd.s32 $0x5300, s19  }
0xcb: {  	[spmem:s3] =	stream.indirect.scatter.add.f32 [tilespmem:s13], [sflag:$0x1], $0x20, s23, s14, $0xb8;
	[tilespmem:$0x8700] =	vst v63  }
0xcc: {  	s24 =	sadd.s32 $0x5380, s19  }
0xcd: {  	[spmem:s3] =	stream.indirect.scatter.add.f32 [tilespmem:s13], [sflag:$0x1], $0x20, s24, s14, $0xb8;
	[tilespmem:$0x8700] =	vst v63  }
0xce: {  	s25 =	sadd.s32 $0x5400, s19  }
0xcf: {  	[spmem:s3] =	stream.indirect.scatter.add.f32 [tilespmem:s13], [sflag:$0x1], $0x20, s25, s14, $0xb8;
	[tilespmem:$0x8700] =	vst v63  }
0xd0: {  	s26 =	sadd.s32 $0x5480, s19  }
0xd1: {  	[spmem:s3] =	stream.indirect.scatter.add.f32 [tilespmem:s13], [sflag:$0x1], $0x20, s26, s14, $0xb8;
	[tilespmem:$0x8700] =	vst v63  }
0xd2: {  	s28 =	sadd.s32 $0x5500, s19  }
0xd3: {  	[spmem:s3] =	stream.indirect.scatter.add.f32 [tilespmem:s13], [sflag:$0x1], $0x20, s28, s14, $0xb8;
	[tilespmem:$0x8700] =	vst v63  }
0xd4: {  	s29 =	sadd.s32 $0x5580, s19  }
0xd5: {  	[spmem:s3] =	stream.indirect.scatter.add.f32 [tilespmem:s13], [sflag:$0x1], $0x20, s29, s14, $0xb8;
	[tilespmem:$0x8700] =	vst v63  }
0xd6: {  	s30 =	sadd.s32 $0x5600, s19  }
0xd7: {  	[spmem:s3] =	stream.indirect.scatter.add.f32 [tilespmem:s13], [sflag:$0x1], $0x20, s30, s14, $0xb8;
	[tilespmem:$0x8700] =	vst v63  }
0xd8: {  	s31 =	sadd.s32 $0x5680, s19  }
0xd9: {  	[spmem:s3] =	stream.indirect.scatter.add.f32 [tilespmem:s13], [sflag:$0x1], $0x20, s31, s14, $0xb8;
	[tilespmem:$0x8700] =	vst v63  }
0xda: {  	_ =	swait.ge [sflag:s15], $0x1000  }
0xdb: {  	[sflag:s15] =	ssyncset.done $0x0  }
0xdc: {  	[sflag:s15] =	ssyncadd.s32 $0xFFFFF000  }
0xdd: {  	_ =	swait.ge [sflag:s15], $0x1000  }
0xde: {  	[sflag:s15] =	ssyncset.done $0x0  }
0xdf: {  	[sflag:s15] =	ssyncadd.s32 $0xFFFFF000  }
0xe0: {  	_ =	swait.ge [sflag:s15], $0x1000  }
0xe1: {  	[sflag:s15] =	ssyncset.done $0x0  }
0xe2: {  	[sflag:s15] =	ssyncadd.s32 $0xFFFFF000  }
0xe3: {  	_ =	swait.ge [sflag:s15], $0x1000  }
0xe4: {  	[sflag:s15] =	ssyncset.done $0x0  }
0xe5: {  	[sflag:s15] =	ssyncadd.s32 $0xFFFFF000  }
0xe6: {  	_ =	swait.ge [sflag:s15], $0x1000  }
0xe7: {  	[sflag:s15] =	ssyncset.done $0x0  }
0xe8: {  	[sflag:s15] =	ssyncadd.s32 $0xFFFFF000  }
0xe9: {  	_ =	swait.ge [sflag:s15], $0x1000  }
0xea: {  	[sflag:s15] =	ssyncset.done $0x0  }
0xeb: {  	[sflag:s15] =	ssyncadd.s32 $0xFFFFF000  }
0xec: {  	_ =	swait.ge [sflag:s15], $0x1000  }
0xed: {  	[sflag:s15] =	ssyncset.done $0x0  }
0xee: {  	[sflag:s15] =	ssyncadd.s32 $0xFFFFF000  }
0xef: {  	_ =	swait.ge [sflag:s15], $0x1000  }
0xf0: {  	[sflag:s15] =	ssyncset.done $0x0  }
0xf1: {  	[sflag:s15] =	ssyncadd.s32 $0xFFFFF000  }
0xf2: {  	_ =	swait.ge [sflag:s15], $0x1000  }
0xf3: {  	[sflag:s15] =	ssyncset.done $0x0  }
0xf4: {  	[sflag:s15] =	ssyncadd.s32 $0xFFFFF000  }
0xf5: {  	_ =	swait.ge [sflag:s15], $0x1000  }
0xf6: {  	[sflag:s15] =	ssyncset.done $0x0  }
0xf7: {  	[sflag:s15] =	ssyncadd.s32 $0xFFFFF000  }
0xf8: {  	_ =	swait.ge [sflag:s15], $0x1000  }
0xf9: {  	[sflag:s15] =	ssyncset.done $0x0  }
0xfa: {  	[sflag:s15] =	ssyncadd.s32 $0xFFFFF000  }
0xfb: {  	_ =	swait.ge [sflag:s15], $0x1000  }
0xfc: {  	[sflag:s15] =	ssyncset.done $0x0  }
0xfd: {  	[sflag:s15] =	ssyncadd.s32 $0xFFFFF000  }
0xfe: {  	_ =	swait.ge [sflag:s15], $0x1000  }
0xff: {  	[sflag:s15] =	ssyncset.done $0x0  }
0x100: {  	[sflag:s15] =	ssyncadd.s32 $0xFFFFF000  }
0x101: {  	_ =	swait.ge [sflag:s15], $0x1000  }
0x102: {  	[sflag:s15] =	ssyncset.done $0x0  }
0x103: {  	[sflag:s15] =	ssyncadd.s32 $0xFFFFF000  }
0x104: {  	_ =	swait.ge [sflag:s15], $0x1000  }
0x105: {  	[sflag:s15] =	ssyncset.done $0x0  }
0x106: {  	[sflag:s15] =	ssyncadd.s32 $0xFFFFF000  }
0x107: {  	_ =	swait.ge [sflag:s15], $0x1000  }
0x108: {  	s16 =	sadd.s32 $0x1, s16;
	[sflag:s15] =	ssyncset.done $0x0  }
0x109: {  	p0 =	sne.s32 s16, s9;
	[sflag:s15] =	ssyncadd.s32 $0xFFFFF000  }
.Ltmp1:
0x10a: {  	[bflag:$0x0] =	sbarrier.arrive $0xFFFF;
	(pc) =	sbr.rel @p0 .LBB2_1-.Ltmp1, $4  }
0x10b: {  	[hbm:s8], [sflag:s6] =	dma.local [spmem:s10], $0x9E0  }
0x10c: {  	_ =	swait.ge [sflag:s11], $0x9E0  }
0x10d: {  	[sflag:s11] =	ssyncset.done $0x0  }
0x10e: {  	[sflag:s11] =	ssyncadd.s32 $0xFFFFF620  }
0x10f: {  	_ =	sfence.sel $0x180000  }
0x110: {  	[bflag:$0x0] =	sbarrier.arrive $0xFFFF  }
0x111: {  	p0 =	sne.s32 s0, $0x0;
	_ =	strace $0x90000047  }
0x112: {  	s0 =	sadd.s32 @!p0 $0x100000, s2;
	[bflag:$0x2] =	sbarrier.arrive $0xFFFF  }
0x113: {  	[sflag:s0] =	ssyncadd.tile.s32 @!p0 $0x1;
	_ =	shalt  }
.Lfunc_end2:
_tile_overlayer_lowered:
.L_overlay_start_2:
0x114: {  	(tag) =	ssettag $0x2  }
0x115: {  	s0 =	rddreg [dreg:$0x0];
	s2 =	stileid.u32  }
0x116: {  	s1 =	rddreg [dreg:$0x1];
	p0 =	sne.s32 s2, $0x0  }
0x117: {  	s3 =	rddreg [dreg:$0x2];
	[bflag:$0x3] =	sbarrier.arrive $0xFFFF;
	s2 =	simm.s32 @!p0 $0x1C02  }
0x118: {  	[timem:s3], [sflag:s2] =	dma.local @!p0 [hbm:s0], s1  }
0x119: {  	s0 =	simm.s32 @!p0 $0x2  }
0x11a: {  	_ =	swait.ge @!p0 [sflag:s0], s1  }
0x11b: {  	s1 =	ssub.s32 @!p0 $0x0, s1;
	[sflag:s0] =	ssyncset.done @!p0 $0x0  }
0x11c: {  	[sflag:s0] =	ssyncadd.s32 @!p0 s1  }
0x11d: {  	[bflag:$0x3] =	sbarrier.arrive $0xFFFF  }
0x11e: {  	_ =	shalt  }

// kernel: kernel.13.cloned.1.call-start
scs
__scs_entry_jumppad:
0x0: {  	(pc) =	sbr.rel $0x88, $3  }
0x1: {  	(tag) =	ssettag $0x0;
	lr =	simm.s32 $0x1  }
0x2: {  	[smem:$0x3F99] =	sst lr;
	_ =	strace $0xD0000000  }
0x3: {  	_ = 	snop  }
0x4: {  	_ = 	snop  }
0x5: {  	_ = 	snop  }
0x6: {  	_ = 	snop  }
0x7: {  	_ = 	snop  }
__scs_overlays_trampoline_lowered:
0x8: {  	[smem:$0x3FA8] =	sst s0  }
0x9: {  	[smem:$0x3FA9] =	sst s1  }
0xa: {  	[smem:$0x3FAA] =	sst s2  }
0xb: {  	[smem:$0x3FAB] =	sst s3  }
0xc: {  	[smem:$0x3FAC] =	sst s4  }
0xd: {  	[smem:$0x3FAD] =	sst s5  }
0xe: {  	[smem:$0x3FAE] =	sst s6  }
0xf: {  	[smem:$0x3FAF] =	sst s7  }
0x10: {  	[smem:$0x3FB0] =	sst s8  }
0x11: {  	[smem:$0x3FB1] =	sst s9;
	s0 =	simm.s32 @!p0 $0x0  }
0x12: {  	s1 =	sld [smem:$0x3F97];
	s0 =	simm.s32 @p0 $0x1  }
0x13: {  	[smem:$0x3FB2] =	sst s0;
	s0 =	simm.s32 @!p1 $0x0  }
0x14: {  	s2 =	sld [smem:$0x3F96];
	s0 =	simm.s32 @p1 $0x1  }
0x15: {  	[smem:$0x3FB3] =	sst s0;
	s0 =	simm.s32 @!p2 $0x0  }
0x16: {  	s3 =	sld [smem:$0x3FDB];
	s0 =	simm.s32 @p2 $0x1  }
0x17: {  	s4 =	simm.s32 $0x1BF5;
	[smem:$0x3FB5] =	sst s0  }
0x18: {  	s0 =	sld [smem:$0x3F98];
	_ =	swait.ge [sflag:s4], $0x0  }
0x19: {  	s7 =	sld [smem:$0x3F99]  }
0x1a: {  	s8 =	sadd.s32 $0xFFFFE003, lr  }
0x1b: {  	s9 =	sadd.s32 $0xFFFFFEF7, lr;
	s5 =	simm.s32 $0xFFFFFFFF;
	p2 =	slt.u32 s8, $0xFFFFF086  }
0x1c: {  	p1 =	slt.u32 s9, $0xF7A;
	s5 =	simm.s32 @!p2 $0x0  }
0x1d: {  	s5 =	simm.s32 @p1 $0x1;
	p0 =	seq.s32 s7, s2  }
0x1e: {  	s7 =	smul.u32 @!p0 $0xF7A, s2;
	p2 =	seq.s32 @!p0 s5, $0x0  }
0x1f: {  	s9 =	smul.u32 $0xF7A, s1;
	s8 =	simm.s32 @!p0 $0x1BF5;
	p2 =	por !p2, p0  }
0x20: {  	[sflag:s8] =	ssyncset.s32 @!p0 $0xFFFFF086;
	s6 =	sadd.s32 @!p0 s3, s7;
	s7 =	simm.s32 @!p0 $0x108  }
0x21: {  	s3 =	sadd.s32 s3, s9;
	s6 =	sadd.s32 @!p0 $0x88, s6;
	s7 =	simm.s32 @p2 $0x1082  }
0x22: {  	[simem:s7], [sflag:s8] =	dma.local @!p0 [hbm:s6], $0xF7A  }
0x23: {  	s9 =	sor.u32 $0xD0000000, s2;
	s6 =	simm.s32 $0x108;
	_ =	swait.ge @!p0 [sflag:s8], $0x0  }
0x24: {  	s3 =	sadd.s32 $0x88, s3;
	s6 =	simm.s32 @!p1 $0x1082;
	[sflag:s4] =	ssyncset.s32 $0xFFFFF086  }
0x25: {  	[simem:s6], [sflag:s4] =	dma.local [hbm:s3], $0xF7A  }
0x26: {  	[smem:$0x3F99] =	sst s1;
	(tag) =	ssettag s2;
	_ =	strace s9  }
0x27: {  	s1 =	sld [smem:$0x3FA9]  }
0x28: {  	s2 =	sld [smem:$0x3FAA]  }
0x29: {  	s4 =	sld [smem:$0x3FAC]  }
0x2a: {  	p0 =	seq.s32 s5, $0x0;
	s5 =	sld [smem:$0x3FAD]  }
0x2b: {  	s6 =	sld [smem:$0x3FAE]  }
0x2c: {  	s7 =	sld [smem:$0x3FAF]  }
0x2d: {  	s3 =	simm.s32 $0x108;
	s8 =	sld [smem:$0x3FB0]  }
0x2e: {  	s3 =	simm.s32 @!p0 $0x1082;
	s9 =	sld [smem:$0x3FB1]  }
0x2f: {  	lr =	sadd.s32 s0, s3;
	s0 =	sld [smem:$0x3FA8]  }
0x30: {  	s3 =	sld [smem:$0x3FAB]  }
0x31: {  	[smem:$0x3FB4] =	sst s10  }
0x32: {  	s10 =	sld [smem:$0x3FB2];
	_ =	sdelay $0x3  }
0x33: {  	p0 =	seq.s32 s10, $0x1;
	s10 =	sld [smem:$0x3FB4];
	_ =	sdelay $0x3  }
0x34: {  	[smem:$0x3FB4] =	sst s10  }
0x35: {  	s10 =	sld [smem:$0x3FB3];
	_ =	sdelay $0x3  }
0x36: {  	p1 =	seq.s32 s10, $0x1;
	s10 =	sld [smem:$0x3FB4];
	_ =	sdelay $0x3  }
0x37: {  	[smem:$0x3FB4] =	sst s10  }
0x38: {  	s10 =	sld [smem:$0x3FB5]  }
0x39: {  	_ = 	snop;
	(pc) =	sbr.ind lr, $3  }
0x3a: {  	_ = 	snop  }
0x3b: {  	_ = 	snop  }
0x3c: {  	p2 =	seq.s32 s10, $0x1;
	s10 =	sld [smem:$0x3FB4]  }
0x3d: {  	_ =	shalt  }
0x3e: {  	_ =	shalt  }
0x3f: {  	_ =	shalt  }
0x40: {  	_ =	shalt  }
0x41: {  	_ =	shalt  }
0x42: {  	_ =	shalt  }
0x43: {  	_ =	shalt  }
0x44: {  	_ =	shalt  }
0x45: {  	_ =	shalt  }
0x46: {  	_ =	shalt  }
0x47: {  	_ =	shalt  }
0x48: {  	_ =	shalt  }
0x49: {  	_ =	shalt  }
0x4a: {  	_ =	shalt  }
0x4b: {  	_ =	shalt  }
0x4c: {  	_ =	shalt  }
0x4d: {  	_ =	shalt  }
0x4e: {  	_ =	shalt  }
0x4f: {  	_ =	shalt  }
0x50: {  	_ =	shalt  }
0x51: {  	_ =	shalt  }
0x52: {  	_ =	shalt  }
0x53: {  	_ =	shalt  }
0x54: {  	_ =	shalt  }
0x55: {  	_ =	shalt  }
0x56: {  	_ =	shalt  }
0x57: {  	_ =	shalt  }
0x58: {  	_ =	shalt  }
0x59: {  	_ =	shalt  }
0x5a: {  	_ =	shalt  }
0x5b: {  	_ =	shalt  }
0x5c: {  	_ =	shalt  }
0x5d: {  	_ =	shalt  }
0x5e: {  	_ =	shalt  }
0x5f: {  	_ =	shalt  }
0x60: {  	_ =	shalt  }
0x61: {  	_ =	shalt  }
0x62: {  	_ =	shalt  }
0x63: {  	_ =	shalt  }
0x64: {  	_ =	shalt  }
0x65: {  	_ =	shalt  }
0x66: {  	_ =	shalt  }
0x67: {  	_ =	shalt  }
0x68: {  	_ =	shalt  }
0x69: {  	_ =	shalt  }
0x6a: {  	_ =	shalt  }
0x6b: {  	_ =	shalt  }
0x6c: {  	_ =	shalt  }
0x6d: {  	_ =	shalt  }
0x6e: {  	_ =	shalt  }
0x6f: {  	_ =	shalt  }
0x70: {  	_ =	shalt  }
0x71: {  	_ =	shalt  }
0x72: {  	_ =	shalt  }
0x73: {  	_ =	shalt  }
0x74: {  	_ =	shalt  }
0x75: {  	_ =	shalt  }
0x76: {  	_ =	shalt  }
0x77: {  	_ =	shalt  }
0x78: {  	_ =	shalt  }
0x79: {  	_ =	shalt  }
0x7a: {  	_ =	shalt  }
0x7b: {  	_ =	shalt  }
0x7c: {  	_ =	shalt  }
0x7d: {  	_ =	shalt  }
0x7e: {  	_ =	shalt  }
0x7f: {  	_ =	shalt  }
0x80: {  	_ =	shalt  }
0x81: {  	_ =	shalt  }
0x82: {  	_ =	shalt  }
0x83: {  	_ =	shalt  }
0x84: {  	_ =	shalt  }
0x85: {  	_ =	shalt  }
0x86: {  	_ =	shalt  }
0x87: {  	_ =	shalt  }
.Lfunc_end0:
.L_simem_size_0:
called_computation.1_lowered:
.L_overlay_start_0:
0x88: {  	s2 =	sld [smem:$0x3FD9]  }
0x89: {  	s3 =	sld [smem:$0x3FFE];
	_ =	sdelay $0x1  }
0x8a: {  	s1 =	srdreg.scid  }
0x8b: {  	s0 =	sand.u32 $0x1, s1  }
0x8c: {  	s14 =	sshll.u32 s0, $0xA;
	s2 =	sadd.s32 s3, s2  }
0x8d: {  	s2 =	sadd.s32 s2, s14  }
0x8e: {  	[smem:$0x3FC0] =	sst s2  }
0x8f: {  	_ = 	snop  }
0x90: {  	s2 =	sld [smem:$0x3FD0];
	_ =	sdelay $0x2  }
0x91: {  	s15 =	simm.s32 $0xA;
	s4 =	simm.s32 $0x10  }
0x92: {  	[smem:s4], [sflag:s15] =	dma.local [hbm:s2], $0x1  }
0x93: {  	_ =	swait.eq [sflag:s15], $0x1  }
0x94: {  	[sflag:s15] =	ssyncset.done $0x0  }
0x95: {  	[sflag:s15] =	ssyncadd.s32 $0xFFFFFFFF  }
0x96: {  	s16 =	sld [smem:$0x10];
	(tm) =	ssettm $0x1  }
0x97: {  	s17 =	sld [smem:$0x3FFB];
	_ =	sdelay $0x3  }
0x98: {  	_ =	strace s17  }
0x99: {  	s3 =	sld [smem:$0x3FFC];
	_ =	sdelay $0x3  }
0x9a: {  	_ =	strace s3  }
0x9b: {  	s3 =	sld [smem:$0x3FFD];
	_ =	sdelay $0x3  }
0x9c: {  	_ =	strace s3  }
0x9d: {  	_ =	strace $0x8FFFFFFF  }
0x9e: {  	s18 =	sld [smem:$0x3FDB];
	_ =	sdelay $0x1  }
0x9f: {  	s19 =	simm.s32 $_scs_section_size  }
0xa0: {  	s5 =	simm.s32 $_size__tile_overlayer_lowered;
	s6 =	simm.s32 $_tile_overlayer_lowered  }
0xa1: {  	s22 =	simm.s32 $0x1BFF;
	s21 =	sshll.u32 s6, $0x1;
	s3 =	sadd.s32 s19, s18  }
0xa2: {  	s7 =	simm.s32 $0x0;
	s20 =	sshll.u32 s5, $0x1;
	s5 =	sadd.s32 s21, s3  }
0xa3: {  	[timem:s7], [sflag:s22] =	dma.local [hbm:s5], s20  }
0xa4: {  	_ =	swait.ge [sflag:s22], s20  }
0xa5: {  	s4 =	ssub.s32 $0x0, s20;
	[sflag:s22] =	ssyncset.done $0x0  }
0xa6: {  	[sflag:s22] =	ssyncadd.s32 s4;
	_ =	sdelay $0x1  }
0xa7: {  	s23 =	simm.s32 $0x1B8B  }
0xa8: {  	_ =	swait.ge [sflag:s23], $0x1  }
0xa9: {  	[sflag:s23] =	ssyncset.done $0x0  }
0xaa: {  	s25 =	simm.s32 $0x1B8E;
	s24 =	sld [smem:$0x3FFE];
	[sflag:s23] =	ssyncadd.s32 $0xFFFFFFFF  }
0xab: {  	s26 =	simm.s32 $execute0_lowered;
	[smem:$0x3FD2] =	sst s25  }
0xac: {  	s5 =	sshll.u32 s26, $0x1;
	_ =	strace $0x80000049;
	[dreg:$0x1] =	wrdreg $0xFFFFFFFF  }
0xad: {  	s28 =	simm.s32 $_size_execute0_lowered;
	s3 =	sadd.s32 s3, s5;
	[dreg:$0x0] =	wrdreg $0x0  }
0xae: {  	s5 =	sshll.u32 s28, $0x1;
	[dreg:$0x2] =	wrdreg s3  }
0xaf: {  	[dreg:$0x3] =	wrdreg s5  }
0xb0: {  	[dreg:$0x4] =	wrdreg $0xC0  }
0xb1: {  	_ =	task [dreg:s7], $0x5FFFF  }
0xb2: {  	[dreg:$0x1] =	wrdreg $0xFFFFFFFF  }
0xb3: {  	[dreg:$0x0] =	wrdreg $0x60  }
0xb4: {  	[dreg:$0x2] =	wrdreg s24  }
0xb5: {  	[dreg:$0x3] =	wrdreg s16  }
0xb6: {  	[dreg:$0x4] =	wrdreg $0x0  }
0xb7: {  	[dreg:$0x5] =	wrdreg $0x9  }
0xb8: {  	_ =	task.clear_ibuf [dreg:s7], $0x6FFFF;
	_ =	strace $0x90000049  }
0xb9: {  	s29 =	simm.s32 $0x9;
	_ =	strace $0x8000004B  }
0xba: {  	_ =	swait.ge [sflag:s29], $0x1  }
0xbb: {  	[sflag:s29] =	ssyncadd.s32 $0xFFFFFFFF  }
0xbc: {  	_ =	strace $0x9000004B  }
0xbd: {  	_ =	sfence  }
0xbe: {  	s30 =	sld [smem:$0x0];
	_ =	sdelay $0x2  }
0xbf: {  	s31 =	sshll.u32 s1, $0xD;
	s1 =	sshrl.u32 s1, $0x2  }
0xc0: {  	s3 =	sand.u32 $0x4000, s31;
	s1 =	sadd.s32 s1, s30  }
0xc1: {  	s0 =	sor.u32 s3, s0;
	s1 =	sshll.u32 s1, $0x11  }
0xc2: {  	s0 =	sor.u32 s1, s0  }
0xc3: {  	s0 =	sadd.s32 $0x8F2B, s0  }
0xc4: {  	[sflag:s0] =	ssyncadd.remote.s32 $0x1  }
0xc5: {  	_ =	sfence.sel $0xFFFF  }
0xc6: {  	[dreg:$0x0] =	wrdreg $0xFFFFFFFF;
	(pc) =	sbr.abs _section_cstart, $3  }
0xc7: {  	[dreg:$0x1] =	wrdreg $0xFFFFFFFF  }
0xc8: {  	_ =	task.clear_ibuf [dreg:s7], $0x2FFFF;
	_ =	strace $0x9FFFFFFF  }
0xc9: {  	(tm) =	ssettm $0x7FFFFFFF  }
tec
execute0_lowered:
.L_overlay_start_1:
0x0: {  	(tag) =	ssettag $0x1  }
0x1: {  	s0 =	rddreg [dreg:$0x0]  }
0x2: {  	s1 =	srdreg.scid;
	s3 =	rddreg [dreg:$0x1]  }
0x3: {  	s10 =	stileid.u32;
	s2 =	rddreg [dreg:$0x2];
	s5 =	simm.s32 $0x0  }
0x4: {  	s12 =	simm.s32 $0x11;
	s15 =	simm.s32 $0x80;
	s16 =	simm.s32 $0x9F00  }
0x5: {  	s29 =	simm.s32 $0xFF00;
	s31 =	simm.s32 $0x10F00;
	s14 =	simm.s32 $0x5  }
0x6: {  	s17 =	simm.s32 $0x7;
	s18 =	simm.s32 $0x8;
	s28 =	simm.s32 $0xF  }
0x7: {  	s30 =	simm.s32 $0x10;
	s1 =	sand.u32 $0x1, s1;
	s4 =	sshll.u32 s10, $0x1  }
0x8: {  	[smem:$0x7FF] =	sst s5;
	s20 =	smul.u32 $0x4F00, s10;
	s22 =	sshll.u32 s10, $0x6  }
0x9: {  	s4 =	sor.u32 s1, s4;
	s8 =	ssub.s32 $0x2, s1;
	s1 =	smul.u32 $0x4F000, s1  }
0xa: {  	_ =	strace $0x8000004A;
	s4 =	smul.u32 $0x500, s4;
	s21 =	sshrl.u32 s8, $0x1  }
0xb: {  	s6 =	sshrl.u32 s20, $0x3;
	s9 =	sadd.s32 s20, s2;
	s8 =	ssub.s32 s8, s21  }
0xc: {  	s23 =	sadd.s32 s20, s1;
	s11 =	sshrl.u32 s9, $0x3;
	s20 =	simm.s32 $0xBF00  }
0xd: {  	s1 =	simm.s32 $0x1;
	s7 =	sadd.s32 s4, s0;
	s4 =	sadd.s32 $0x21400, s0  }
0xe: {  	s0 =	sadd.s32 s6, s0;
	s6 =	sor.u32 $0x1C11, s22;
	s26 =	smax.u32 s8, $0x1  }
0xf: {  	s22 =	simm.s32 $0xB;
	s0 =	sadd.s32 $0x17600, s0;
	[dreg:$0x8] =	wrdreg s26  }
.Ltmp0:
0x10: {  	s24 =	sadd.s32 $0xD600, s7;
	[dreg:$0x4] =	wrdreg s0;
	(pc) =	sbr.rel .LBB2_1-.Ltmp0, $4  }
0x11: {  	s25 =	sadd.s32 $0x3600, s7;
	s26 =	simm.s32 $0xE;
	[dreg:$0x5] =	wrdreg s24  }
0x12: {  	[dreg:$0x6] =	wrdreg s25;
	s0 =	sshrl.u32 s23, $0x3;
	s24 =	simm.s32 $0xDF00  }
0x13: {  	s23 =	simm.s32 $0xC;
	s25 =	simm.s32 $0xD;
	s0 =	sadd.s32 s3, s0  }
0x14: {  	s3 =	simm.s32 $0x0;
	[dreg:$0x7] =	wrdreg s0;
	s0 =	simm.s32 $0x3  }
.LBB2_4:
0x15: {  	_ =	swait.ge [sflag:s18], $0x1000  }
0x16: {  	[sflag:s18] =	ssyncset.done $0x0  }
0x17: {  	s5 =	simm.s32 $0x9;
	[sflag:s18] =	ssyncadd.s32 $0xFFFFF000  }
0x18: {  	[spmem:s2] =	stream.indirect.scatter.add.f32 [tilespmem:s31], [sflag:$0x10], $0x20, s8, s15, $0xb8;
	[tilespmem:$0x11F00] =	vst v63  }
0x19: {  	_ =	swait.ge [sflag:s5], $0x1000  }
0x1a: {  	[sflag:s5] =	ssyncset.done $0x0  }
0x1b: {  	s13 =	simm.s32 $0xA;
	[sflag:s5] =	ssyncadd.s32 $0xFFFFF000  }
0x1c: {  	_ =	swait.ge [sflag:s13], $0x1000  }
0x1d: {  	[sflag:s13] =	ssyncset.done $0x0  }
0x1e: {  	[sflag:s13] =	ssyncadd.s32 $0xFFFFF000  }
0x1f: {  	_ =	swait.ge [sflag:s22], $0x1000  }
0x20: {  	[sflag:s22] =	ssyncset.done $0x0  }
0x21: {  	[sflag:s22] =	ssyncadd.s32 $0xFFFFF000  }
0x22: {  	_ =	swait.ge [sflag:s23], $0x1000  }
0x23: {  	[sflag:s23] =	ssyncset.done $0x0  }
0x24: {  	[sflag:s23] =	ssyncadd.s32 $0xFFFFF000  }
0x25: {  	_ =	swait.ge [sflag:s25], $0x1000  }
0x26: {  	[sflag:s25] =	ssyncset.done $0x0  }
0x27: {  	[sflag:s25] =	ssyncadd.s32 $0xFFFFF000  }
0x28: {  	_ =	swait.ge [sflag:s26], $0x1000  }
0x29: {  	[sflag:s26] =	ssyncset.done $0x0  }
0x2a: {  	[sflag:s26] =	ssyncadd.s32 $0xFFFFF000  }
0x2b: {  	_ =	swait.ge [sflag:s28], $0x1000  }
0x2c: {  	[sflag:s28] =	ssyncset.done $0x0  }
0x2d: {  	[sflag:s28] =	ssyncadd.s32 $0xFFFFF000  }
0x2e: {  	_ =	swait.ge [sflag:s30], $0x1000  }
0x2f: {  	[sflag:s30] =	ssyncset.done $0x0  }
0x30: {  	[sflag:s30] =	ssyncadd.s32 $0xFFFFF000  }
0x31: {  	[bflag:$0x0] =	sbarrier.arrive $0xFFFF  }
0x32: {  	s19 =	rddreg [dreg:$0x7]  }
0x33: {  	[hbm:s19], [sflag:s6] =	dma.local [spmem:s11], $0x9E0  }
0x34: {  	_ =	swait.ge [sflag:s12], $0x9E0  }
0x35: {  	s3 =	sadd.s32 $0x1, s3;
	s21 =	rddreg [dreg:$0x8]  }
0x36: {  	p0 =	sne.s32 s3, s21  }
.Ltmp1:
0x37: {  	_ = 	snop;
	(pc) =	sbr.rel @!p0 .LBB2_5-.Ltmp1, $3  }
0x38: {  	_ =	sdelay $0x1  }
0x39: {  	[sflag:s12] =	ssyncset.done $0x0  }
0x3a: {  	[sflag:s12] =	ssyncadd.s32 $0xFFFFF620  }
.LBB2_1:
0x3b: {  	s5 =	rddreg [dreg:$0x4]  }
0x3c: {  	[spmem:s11], [sflag:s6] =	dma.local [hbm:s5], $0x9E0  }
0x3d: {  	_ =	swait.ge [sflag:s12], $0x9E0  }
0x3e: {  	s21 =	simm.s32 $0x0;
	[sflag:s12] =	ssyncset.done $0x0  }
0x3f: {  	s8 =	simm.s32 $0x4F00;
	s7 =	rddreg [dreg:$0x5];
	[sflag:s12] =	ssyncadd.s32 $0xFFFFF620  }
0x40: {  	[tilespmem:s8], [sflag:$0x11] =	stream.linear.gather [hbm4b:s7+s21], $0x2800, $0x38;
	[tilespmem:$0x11F00] =	vst v63  }
0x41: {  	_ =	swait.ge [sflag:s12], $0x2800  }
0x42: {  	[sflag:s12] =	ssyncset.done $0x0  }
0x43: {  	s9 =	simm.s32 $0x7700;
	s10 =	rddreg [dreg:$0x6];
	[sflag:s12] =	ssyncadd.s32 $0xFFFFD800  }
0x44: {  	[tilespmem:s9], [sflag:$0x11] =	stream.linear.gather [hbm4b:s10+s21], $0x2800, $0x38;
	[tilespmem:$0x11F00] =	vst v63  }
0x45: {  	_ =	swait.ge [sflag:s12], $0x2800  }
0x46: {  	[sflag:s12] =	ssyncset.done $0x0  }
0x47: {  	[sflag:s12] =	ssyncadd.s32 $0xFFFFD800  }
0x48: {  	[bflag:$0x0] =	sbarrier.arrive $0xFFFF  }
0x49: {  	[tilespmem:s16], [sflag:$0x1] =	stream.indirect.gather [hbm4b:s4+s15], $0x20, s8, s15, $0xb8;
	[tilespmem:$0x11F00] =	vst v63  }
0x4a: {  	s13 =	simm.s32 $0x4F80;
	s19 =	simm.s32 $0xAF00  }
0x4b: {  	[tilespmem:s19], [sflag:$0x2] =	stream.indirect.gather [hbm4b:s4+s15], $0x20, s13, s15, $0xb8;
	[tilespmem:$0x11F00] =	vst v63  }
0x4c: {  	s21 =	simm.s32 $0x5000  }
0x4d: {  	[tilespmem:s20], [sflag:$0x3] =	stream.indirect.gather [hbm4b:s4+s15], $0x20, s21, s15, $0xb8;
	[tilespmem:$0x11F00] =	vst v63  }
0x4e: {  	s7 =	simm.s32 $0x5080;
	s8 =	simm.s32 $0xCF00  }
0x4f: {  	[tilespmem:s8], [sflag:$0x4] =	stream.indirect.gather [hbm4b:s4+s15], $0x20, s7, s15, $0xb8;
	[tilespmem:$0x11F00] =	vst v63  }
0x50: {  	s9 =	simm.s32 $0x5100  }
0x51: {  	[tilespmem:s24], [sflag:$0x5] =	stream.indirect.gather [hbm4b:s4+s15], $0x20, s9, s15, $0xb8;
	[tilespmem:$0x11F00] =	vst v63  }
0x52: {  	s10 =	simm.s32 $0x5180;
	s13 =	simm.s32 $0xEF00  }
0x53: {  	[tilespmem:s13], [sflag:$0x6] =	stream.indirect.gather [hbm4b:s4+s15], $0x20, s10, s15, $0xb8;
	[tilespmem:$0x11F00] =	vst v63  }
0x54: {  	s19 =	simm.s32 $0x5200  }
0x55: {  	[tilespmem:s29], [sflag:$0x7] =	stream.indirect.gather [hbm4b:s4+s15], $0x20, s19, s15, $0xb8;
	[tilespmem:$0x11F00] =	vst v63  }
0x56: {  	s5 =	simm.s32 $0x0;
	s21 =	simm.s32 $0x5280  }
0x57: {  	[tilespmem:s31], [sflag:$0x8] =	stream.indirect.gather [hbm4b:s4+s15], $0x20, s21, s15, $0xb8;
	[tilespmem:$0x11F00] =	vst v63  }
.LBB2_2:
0x58: {  	_ =	swait.ge [sflag:s1], $0x1000  }
0x59: {  	s7 =	sshra.s32 s5, $0x2;
	[sflag:s1] =	ssyncset.done $0x0  }
0x5a: {  	p0 =	seq.s32 s5, $0x9000;
	s8 =	sadd.s32 $0x7700, s7;
	[sflag:s1] =	ssyncadd.s32 $0xFFFFF000  }
0x5b: {  	[spmem:s2] =	stream.indirect.scatter.add.f32 [tilespmem:s16], [sflag:$0x9], $0x20, s8, s15, $0xb8;
	[tilespmem:$0x11F00] =	vst v63  }
0x5c: {  	s8 =	simm.s32 @p0 $0x2  }
0x5d: {  	_ =	swait.ge @p0 [sflag:s8], $0x1000  }
0x5e: {  	s13 =	sshra.s32 @p0 s5, $0x2;
	s10 =	simm.s32 @p0 $0x80;
	[sflag:s8] =	ssyncset.done @p0 $0x0  }
0x5f: {  	s9 =	simm.s32 @p0 $0xAF00;
	[sflag:s8] =	ssyncadd.s32 @p0 $0xFFFFF000;
	s8 =	sadd.s32 @p0 $0x7780, s13  }
0x60: {  	[spmem:s2] =	stream.indirect.scatter.add.f32 @p0 [tilespmem:s9], [sflag:$0xA], $0x20, s8, s10, $0xb8;
	[tilespmem:$0x11F00] =	vst v63  }
0x61: {  	s8 =	simm.s32 @!p0 $0x9  }
0x62: {  	_ =	swait.ge @!p0 [sflag:s8], $0x1000  }
0x63: {  	[sflag:s8] =	ssyncset.done @!p0 $0x0  }
0x64: {  	[sflag:s8] =	ssyncadd.s32 @!p0 $0xFFFFF000;
	s8 =	sshra.s32 @!p0 s5, $0x2  }
0x65: {  	s21 =	simm.s32 @!p0 $0x9F00;
	s9 =	simm.s32 @!p0 $0x80;
	s19 =	sadd.s32 @!p0 $0x5300, s8  }
0x66: {  	[tilespmem:s21], [sflag:$0x1] =	stream.indirect.gather @!p0 [hbm4b:s4+s9], $0x20, s19, s9, $0xb8;
	[tilespmem:$0x11F00] =	vst v63  }
0x67: {  	s19 =	simm.s32 @!p0 $0x2  }
0x68: {  	_ =	swait.ge @!p0 [sflag:s19], $0x1000  }
0x69: {  	[sflag:s19] =	ssyncset.done @!p0 $0x0  }
0x6a: {  	s21 =	simm.s32 @!p0 $0xAF00;
	[sflag:s19] =	ssyncadd.s32 @!p0 $0xFFFFF000;
	s19 =	sadd.s32 @!p0 $0x7780, s8  }
0x6b: {  	[spmem:s2] =	stream.indirect.scatter.add.f32 @!p0 [tilespmem:s21], [sflag:$0xA], $0x20, s19, s9, $0xb8;
	[tilespmem:$0x11F00] =	vst v63  }
0x6c: {  	s19 =	simm.s32 @!p0 $0xA  }
0x6d: {  	_ =	swait.ge @!p0 [sflag:s19], $0x1000  }
0x6e: {  	[sflag:s19] =	ssyncset.done @!p0 $0x0  }
0x6f: {  	[sflag:s19] =	ssyncadd.s32 @!p0 $0xFFFFF000;
	s19 =	sadd.s32 @!p0 $0x5380, s8  }
0x70: {  	[tilespmem:s21], [sflag:$0x2] =	stream.indirect.gather @!p0 [hbm4b:s4+s9], $0x20, s19, s9, $0xb8;
	[tilespmem:$0x11F00] =	vst v63  }
0x71: {  	_ =	swait.ge [sflag:s0], $0x1000  }
0x72: {  	[sflag:s0] =	ssyncset.done $0x0  }
0x73: {  	s21 =	sadd.s32 $0x7800, s7;
	s19 =	simm.s32 @p0 $0x4;
	[sflag:s0] =	ssyncadd.s32 $0xFFFFF000  }
0x74: {  	[spmem:s2] =	stream.indirect.scatter.add.f32 [tilespmem:s20], [sflag:$0xB], $0x20, s21, s15, $0xb8;
	[tilespmem:$0x11F00] =	vst v63  }
0x75: {  	_ =	swait.ge @p0 [sflag:s19], $0x1000  }
0x76: {  	[sflag:s19] =	ssyncset.done @p0 $0x0  }
0x77: {  	s21 =	simm.s32 @p0 $0xCF00;
	[sflag:s19] =	ssyncadd.s32 @p0 $0xFFFFF000;
	s19 =	sadd.s32 @p0 $0x7880, s13  }
0x78: {  	[spmem:s2] =	stream.indirect.scatter.add.f32 @p0 [tilespmem:s21], [sflag:$0xC], $0x20, s19, s10, $0xb8;
	[tilespmem:$0x11F00] =	vst v63  }
0x79: {  	s19 =	simm.s32 @!p0 $0xB  }
0x7a: {  	_ =	swait.ge @!p0 [sflag:s19], $0x1000  }
0x7b: {  	[sflag:s19] =	ssyncset.done @!p0 $0x0  }
0x7c: {  	s21 =	simm.s32 @!p0 $0xBF00;
	[sflag:s19] =	ssyncadd.s32 @!p0 $0xFFFFF000;
	s19 =	sadd.s32 @!p0 $0x5400, s8  }
0x7d: {  	[tilespmem:s21], [sflag:$0x3] =	stream.indirect.gather @!p0 [hbm4b:s4+s9], $0x20, s19, s9, $0xb8;
	[tilespmem:$0x11F00] =	vst v63  }
0x7e: {  	s19 =	simm.s32 @!p0 $0x4  }
0x7f: {  	_ =	swait.ge @!p0 [sflag:s19], $0x1000  }
0x80: {  	[sflag:s19] =	ssyncset.done @!p0 $0x0  }
0x81: {  	s21 =	simm.s32 @!p0 $0xCF00;
	[sflag:s19] =	ssyncadd.s32 @!p0 $0xFFFFF000;
	s19 =	sadd.s32 @!p0 $0x7880, s8  }
0x82: {  	[spmem:s2] =	stream.indirect.scatter.add.f32 @!p0 [tilespmem:s21], [sflag:$0xC], $0x20, s19, s9, $0xb8;
	[tilespmem:$0x11F00] =	vst v63  }
0x83: {  	s19 =	simm.s32 @!p0 $0xC  }
0x84: {  	_ =	swait.ge @!p0 [sflag:s19], $0x1000  }
0x85: {  	[sflag:s19] =	ssyncset.done @!p0 $0x0  }
0x86: {  	[sflag:s19] =	ssyncadd.s32 @!p0 $0xFFFFF000;
	s19 =	sadd.s32 @!p0 $0x5480, s8  }
0x87: {  	[tilespmem:s21], [sflag:$0x4] =	stream.indirect.gather @!p0 [hbm4b:s4+s9], $0x20, s19, s9, $0xb8;
	[tilespmem:$0x11F00] =	vst v63  }
0x88: {  	_ =	swait.ge [sflag:s14], $0x1000  }
0x89: {  	[sflag:s14] =	ssyncset.done $0x0  }
0x8a: {  	s21 =	sadd.s32 $0x7900, s7;
	s19 =	simm.s32 @p0 $0x6;
	[sflag:s14] =	ssyncadd.s32 $0xFFFFF000  }
0x8b: {  	[spmem:s2] =	stream.indirect.scatter.add.f32 [tilespmem:s24], [sflag:$0xD], $0x20, s21, s15, $0xb8;
	[tilespmem:$0x11F00] =	vst v63  }
0x8c: {  	_ =	swait.ge @p0 [sflag:s19], $0x1000  }
0x8d: {  	[sflag:s19] =	ssyncset.done @p0 $0x0  }
0x8e: {  	s13 =	sadd.s32 @p0 $0x7980, s13;
	[sflag:s19] =	ssyncadd.s32 @p0 $0xFFFFF000;
	s19 =	simm.s32 @p0 $0xEF00  }
0x8f: {  	[spmem:s2] =	stream.indirect.scatter.add.f32 @p0 [tilespmem:s19], [sflag:$0xE], $0x20, s13, s10, $0xb8;
	[tilespmem:$0x11F00] =	vst v63  }
0x90: {  	s10 =	simm.s32 @!p0 $0xD  }
0x91: {  	_ =	swait.ge @!p0 [sflag:s10], $0x1000  }
0x92: {  	[sflag:s10] =	ssyncset.done @!p0 $0x0  }
0x93: {  	s13 =	simm.s32 @!p0 $0xDF00;
	[sflag:s10] =	ssyncadd.s32 @!p0 $0xFFFFF000;
	s10 =	sadd.s32 @!p0 $0x5500, s8  }
0x94: {  	[tilespmem:s13], [sflag:$0x5] =	stream.indirect.gather @!p0 [hbm4b:s4+s9], $0x20, s10, s9, $0xb8;
	[tilespmem:$0x11F00] =	vst v63  }
0x95: {  	s10 =	simm.s32 @!p0 $0x6  }
0x96: {  	_ =	swait.ge @!p0 [sflag:s10], $0x1000  }
0x97: {  	[sflag:s10] =	ssyncset.done @!p0 $0x0  }
0x98: {  	s13 =	simm.s32 @!p0 $0xEF00;
	[sflag:s10] =	ssyncadd.s32 @!p0 $0xFFFFF000;
	s10 =	sadd.s32 @!p0 $0x7980, s8  }
0x99: {  	[spmem:s2] =	stream.indirect.scatter.add.f32 @!p0 [tilespmem:s13], [sflag:$0xE], $0x20, s10, s9, $0xb8;
	[tilespmem:$0x11F00] =	vst v63  }
0x9a: {  	s10 =	simm.s32 @!p0 $0xE  }
0x9b: {  	_ =	swait.ge @!p0 [sflag:s10], $0x1000  }
0x9c: {  	[sflag:s10] =	ssyncset.done @!p0 $0x0  }
0x9d: {  	s8 =	sadd.s32 @!p0 $0x5580, s8;
	[sflag:s10] =	ssyncadd.s32 @!p0 $0xFFFFF000  }
0x9e: {  	[tilespmem:s13], [sflag:$0x6] =	stream.indirect.gather @!p0 [hbm4b:s4+s9], $0x20, s8, s9, $0xb8;
	[tilespmem:$0x11F00] =	vst v63  }
.Ltmp2:
0x9f: {  	_ = 	snop;
	(pc) =	sbr.rel @p0 .LBB2_4-.Ltmp2, $4  }
0xa0: {  	_ =	swait.ge [sflag:s17], $0x1000  }
0xa1: {  	[sflag:s17] =	ssyncset.done $0x0  }
0xa2: {  	s21 =	sadd.s32 $0x7A00, s7;
	s8 =	sadd.s32 $0x7A80, s7;
	[sflag:s17] =	ssyncadd.s32 $0xFFFFF000  }
0xa3: {  	[spmem:s2] =	stream.indirect.scatter.add.f32 [tilespmem:s29], [sflag:$0xF], $0x20, s21, s15, $0xb8;
	[tilespmem:$0x11F00] =	vst v63  }
0xa4: {  	_ =	swait.ge [sflag:s28], $0x1000  }
0xa5: {  	[sflag:s28] =	ssyncset.done $0x0  }
0xa6: {  	s9 =	sadd.s32 $0x5600, s7;
	[sflag:s28] =	ssyncadd.s32 $0xFFFFF000  }
0xa7: {  	[tilespmem:s29], [sflag:$0x7] =	stream.indirect.gather [hbm4b:s4+s15], $0x20, s9, s15, $0xb8;
	[tilespmem:$0x11F00] =	vst v63  }
0xa8: {  	_ =	swait.ge [sflag:s18], $0x1000  }
0xa9: {  	[sflag:s18] =	ssyncset.done $0x0  }
0xaa: {  	[sflag:s18] =	ssyncadd.s32 $0xFFFFF000  }
0xab: {  	[spmem:s2] =	stream.indirect.scatter.add.f32 [tilespmem:s31], [sflag:$0x10], $0x20, s8, s15, $0xb8;
	[tilespmem:$0x11F00] =	vst v63  }
.Ltmp3:
0xac: {  	_ = 	snop;
	(pc) =	sbr.rel .LBB2_2-.Ltmp3, $4  }
0xad: {  	_ =	swait.ge [sflag:s30], $0x1000  }
0xae: {  	[sflag:s30] =	ssyncset.done $0x0  }
0xaf: {  	s21 =	sadd.s32 $0x5680, s7;
	s5 =	sadd.s32 $0x1000, s5;
	[sflag:s30] =	ssyncadd.s32 $0xFFFFF000  }
0xb0: {  	[tilespmem:s31], [sflag:$0x8] =	stream.indirect.gather [hbm4b:s4+s15], $0x20, s21, s15, $0xb8;
	[tilespmem:$0x11F00] =	vst v63  }
.LBB2_5:
0xb1: {  	_ =	sfence.sel $0x180000  }
0xb2: {  	[bflag:$0x0] =	sbarrier.arrive $0xFFFF  }
0xb3: {  	_ =	strace $0x9000004A  }
0xb4: {  	s0 =	stileid.u32;
	[bflag:$0x2] =	sbarrier.arrive $0xFFFF  }
0xb5: {  	p0 =	sne.s32 s0, $0x0;
	s0 =	rddreg [dreg:$0x3]  }
0xb6: {  	s0 =	sadd.s32 @!p0 $0x100000, s0  }
0xb7: {  	[sflag:s0] =	ssyncadd.tile.s32 @!p0 $0x1;
	_ =	shalt  }
.Lfunc_end2:
_tile_overlayer_lowered:
.L_overlay_start_2:
0xb8: {  	(tag) =	ssettag $0x2  }
0xb9: {  	s0 =	rddreg [dreg:$0x0];
	s2 =	stileid.u32  }
0xba: {  	s1 =	rddreg [dreg:$0x1];
	p0 =	sne.s32 s2, $0x0  }
0xbb: {  	s3 =	rddreg [dreg:$0x2];
	[bflag:$0x3] =	sbarrier.arrive $0xFFFF;
	s2 =	simm.s32 @!p0 $0x1C11  }
0xbc: {  	[timem:s3], [sflag:s2] =	dma.local @!p0 [hbm:s0], s1  }
0xbd: {  	s0 =	simm.s32 @!p0 $0x11  }
0xbe: {  	_ =	swait.ge @!p0 [sflag:s0], s1  }
0xbf: {  	s1 =	ssub.s32 @!p0 $0x0, s1;
	[sflag:s0] =	ssyncset.done @!p0 $0x0  }
0xc0: {  	[sflag:s0] =	ssyncadd.s32 @!p0 s1  }
0xc1: {  	[bflag:$0x3] =	sbarrier.arrive $0xFFFF  }
0xc2: {  	_ =	shalt  }

// kernel: kernel.16.cloned.1.call-start
scs
__scs_entry_jumppad:
0x0: {  	(pc) =	sbr.rel $0x88, $3  }
0x1: {  	(tag) =	ssettag $0x0;
	lr =	simm.s32 $0x1  }
0x2: {  	[smem:$0x3F99] =	sst lr;
	_ =	strace $0xD0000000  }
0x3: {  	_ = 	snop  }
0x4: {  	_ = 	snop  }
0x5: {  	_ = 	snop  }
0x6: {  	_ = 	snop  }
0x7: {  	_ = 	snop  }
__scs_overlays_trampoline_lowered:
0x8: {  	[smem:$0x3FA8] =	sst s0  }
0x9: {  	[smem:$0x3FA9] =	sst s1  }
0xa: {  	[smem:$0x3FAA] =	sst s2  }
0xb: {  	[smem:$0x3FAB] =	sst s3  }
0xc: {  	[smem:$0x3FAC] =	sst s4  }
0xd: {  	[smem:$0x3FAD] =	sst s5  }
0xe: {  	[smem:$0x3FAE] =	sst s6  }
0xf: {  	[smem:$0x3FAF] =	sst s7  }
0x10: {  	[smem:$0x3FB0] =	sst s8  }
0x11: {  	[smem:$0x3FB1] =	sst s9;
	s0 =	simm.s32 @!p0 $0x0  }
0x12: {  	s1 =	sld [smem:$0x3F97];
	s0 =	simm.s32 @p0 $0x1  }
0x13: {  	[smem:$0x3FB2] =	sst s0;
	s0 =	simm.s32 @!p1 $0x0  }
0x14: {  	s2 =	sld [smem:$0x3F96];
	s0 =	simm.s32 @p1 $0x1  }
0x15: {  	[smem:$0x3FB3] =	sst s0;
	s0 =	simm.s32 @!p2 $0x0  }
0x16: {  	s3 =	sld [smem:$0x3FDB];
	s0 =	simm.s32 @p2 $0x1  }
0x17: {  	s4 =	simm.s32 $0x1BF5;
	[smem:$0x3FB5] =	sst s0  }
0x18: {  	s0 =	sld [smem:$0x3F98];
	_ =	swait.ge [sflag:s4], $0x0  }
0x19: {  	s7 =	sld [smem:$0x3F99]  }
0x1a: {  	s8 =	sadd.s32 $0xFFFFE003, lr  }
0x1b: {  	s9 =	sadd.s32 $0xFFFFFEF7, lr;
	s5 =	simm.s32 $0xFFFFFFFF;
	p2 =	slt.u32 s8, $0xFFFFF086  }
0x1c: {  	p1 =	slt.u32 s9, $0xF7A;
	s5 =	simm.s32 @!p2 $0x0  }
0x1d: {  	s5 =	simm.s32 @p1 $0x1;
	p0 =	seq.s32 s7, s2  }
0x1e: {  	s7 =	smul.u32 @!p0 $0xF7A, s2;
	p2 =	seq.s32 @!p0 s5, $0x0  }
0x1f: {  	s9 =	smul.u32 $0xF7A, s1;
	s8 =	simm.s32 @!p0 $0x1BF5;
	p2 =	por !p2, p0  }
0x20: {  	[sflag:s8] =	ssyncset.s32 @!p0 $0xFFFFF086;
	s6 =	sadd.s32 @!p0 s3, s7;
	s7 =	simm.s32 @!p0 $0x108  }
0x21: {  	s3 =	sadd.s32 s3, s9;
	s6 =	sadd.s32 @!p0 $0x88, s6;
	s7 =	simm.s32 @p2 $0x1082  }
0x22: {  	[simem:s7], [sflag:s8] =	dma.local @!p0 [hbm:s6], $0xF7A  }
0x23: {  	s9 =	sor.u32 $0xD0000000, s2;
	s6 =	simm.s32 $0x108;
	_ =	swait.ge @!p0 [sflag:s8], $0x0  }
0x24: {  	s3 =	sadd.s32 $0x88, s3;
	s6 =	simm.s32 @!p1 $0x1082;
	[sflag:s4] =	ssyncset.s32 $0xFFFFF086  }
0x25: {  	[simem:s6], [sflag:s4] =	dma.local [hbm:s3], $0xF7A  }
0x26: {  	[smem:$0x3F99] =	sst s1;
	(tag) =	ssettag s2;
	_ =	strace s9  }
0x27: {  	s1 =	sld [smem:$0x3FA9]  }
0x28: {  	s2 =	sld [smem:$0x3FAA]  }
0x29: {  	s4 =	sld [smem:$0x3FAC]  }
0x2a: {  	p0 =	seq.s32 s5, $0x0;
	s5 =	sld [smem:$0x3FAD]  }
0x2b: {  	s6 =	sld [smem:$0x3FAE]  }
0x2c: {  	s7 =	sld [smem:$0x3FAF]  }
0x2d: {  	s3 =	simm.s32 $0x108;
	s8 =	sld [smem:$0x3FB0]  }
0x2e: {  	s3 =	simm.s32 @!p0 $0x1082;
	s9 =	sld [smem:$0x3FB1]  }
0x2f: {  	lr =	sadd.s32 s0, s3;
	s0 =	sld [smem:$0x3FA8]  }
0x30: {  	s3 =	sld [smem:$0x3FAB]  }
0x31: {  	[smem:$0x3FB4] =	sst s10  }
0x32: {  	s10 =	sld [smem:$0x3FB2];
	_ =	sdelay $0x3  }
0x33: {  	p0 =	seq.s32 s10, $0x1;
	s10 =	sld [smem:$0x3FB4];
	_ =	sdelay $0x3  }
0x34: {  	[smem:$0x3FB4] =	sst s10  }
0x35: {  	s10 =	sld [smem:$0x3FB3];
	_ =	sdelay $0x3  }
0x36: {  	p1 =	seq.s32 s10, $0x1;
	s10 =	sld [smem:$0x3FB4];
	_ =	sdelay $0x3  }
0x37: {  	[smem:$0x3FB4] =	sst s10  }
0x38: {  	s10 =	sld [smem:$0x3FB5]  }
0x39: {  	_ = 	snop;
	(pc) =	sbr.ind lr, $3  }
0x3a: {  	_ = 	snop  }
0x3b: {  	_ = 	snop  }
0x3c: {  	p2 =	seq.s32 s10, $0x1;
	s10 =	sld [smem:$0x3FB4]  }
0x3d: {  	_ =	shalt  }
0x3e: {  	_ =	shalt  }
0x3f: {  	_ =	shalt  }
0x40: {  	_ =	shalt  }
0x41: {  	_ =	shalt  }
0x42: {  	_ =	shalt  }
0x43: {  	_ =	shalt  }
0x44: {  	_ =	shalt  }
0x45: {  	_ =	shalt  }
0x46: {  	_ =	shalt  }
0x47: {  	_ =	shalt  }
0x48: {  	_ =	shalt  }
0x49: {  	_ =	shalt  }
0x4a: {  	_ =	shalt  }
0x4b: {  	_ =	shalt  }
0x4c: {  	_ =	shalt  }
0x4d: {  	_ =	shalt  }
0x4e: {  	_ =	shalt  }
0x4f: {  	_ =	shalt  }
0x50: {  	_ =	shalt  }
0x51: {  	_ =	shalt  }
0x52: {  	_ =	shalt  }
0x53: {  	_ =	shalt  }
0x54: {  	_ =	shalt  }
0x55: {  	_ =	shalt  }
0x56: {  	_ =	shalt  }
0x57: {  	_ =	shalt  }
0x58: {  	_ =	shalt  }
0x59: {  	_ =	shalt  }
0x5a: {  	_ =	shalt  }
0x5b: {  	_ =	shalt  }
0x5c: {  	_ =	shalt  }
0x5d: {  	_ =	shalt  }
0x5e: {  	_ =	shalt  }
0x5f: {  	_ =	shalt  }
0x60: {  	_ =	shalt  }
0x61: {  	_ =	shalt  }
0x62: {  	_ =	shalt  }
0x63: {  	_ =	shalt  }
0x64: {  	_ =	shalt  }
0x65: {  	_ =	shalt  }
0x66: {  	_ =	shalt  }
0x67: {  	_ =	shalt  }
0x68: {  	_ =	shalt  }
0x69: {  	_ =	shalt  }
0x6a: {  	_ =	shalt  }
0x6b: {  	_ =	shalt  }
0x6c: {  	_ =	shalt  }
0x6d: {  	_ =	shalt  }
0x6e: {  	_ =	shalt  }
0x6f: {  	_ =	shalt  }
0x70: {  	_ =	shalt  }
0x71: {  	_ =	shalt  }
0x72: {  	_ =	shalt  }
0x73: {  	_ =	shalt  }
0x74: {  	_ =	shalt  }
0x75: {  	_ =	shalt  }
0x76: {  	_ =	shalt  }
0x77: {  	_ =	shalt  }
0x78: {  	_ =	shalt  }
0x79: {  	_ =	shalt  }
0x7a: {  	_ =	shalt  }
0x7b: {  	_ =	shalt  }
0x7c: {  	_ =	shalt  }
0x7d: {  	_ =	shalt  }
0x7e: {  	_ =	shalt  }
0x7f: {  	_ =	shalt  }
0x80: {  	_ =	shalt  }
0x81: {  	_ =	shalt  }
0x82: {  	_ =	shalt  }
0x83: {  	_ =	shalt  }
0x84: {  	_ =	shalt  }
0x85: {  	_ =	shalt  }
0x86: {  	_ =	shalt  }
0x87: {  	_ =	shalt  }
.Lfunc_end0:
.L_simem_size_0:
called_computation.2_lowered:
.L_overlay_start_0:
0x88: {  	s2 =	sld [smem:$0x3FD9]  }
0x89: {  	s3 =	sld [smem:$0x3FFE];
	_ =	sdelay $0x1  }
0x8a: {  	s1 =	srdreg.scid  }
0x8b: {  	s0 =	sand.u32 $0x1, s1  }
0x8c: {  	s14 =	sshll.u32 s0, $0xA;
	s2 =	sadd.s32 s3, s2  }
0x8d: {  	s2 =	sadd.s32 s2, s14  }
0x8e: {  	[smem:$0x3FC0] =	sst s2  }
0x8f: {  	_ = 	snop  }
0x90: {  	s2 =	sld [smem:$0x3FD0];
	_ =	sdelay $0x2  }
0x91: {  	s15 =	simm.s32 $0xA;
	s4 =	simm.s32 $0x10  }
0x92: {  	[smem:s4], [sflag:s15] =	dma.local [hbm:s2], $0x1  }
0x93: {  	_ =	swait.eq [sflag:s15], $0x1  }
0x94: {  	[sflag:s15] =	ssyncset.done $0x0  }
0x95: {  	[sflag:s15] =	ssyncadd.s32 $0xFFFFFFFF  }
0x96: {  	s16 =	sld [smem:$0x10];
	(tm) =	ssettm $0x1  }
0x97: {  	s17 =	sld [smem:$0x3FFB];
	_ =	sdelay $0x3  }
0x98: {  	_ =	strace s17  }
0x99: {  	s3 =	sld [smem:$0x3FFC];
	_ =	sdelay $0x3  }
0x9a: {  	_ =	strace s3  }
0x9b: {  	s3 =	sld [smem:$0x3FFD];
	_ =	sdelay $0x3  }
0x9c: {  	_ =	strace s3  }
0x9d: {  	_ =	strace $0x8FFFFFFF  }
0x9e: {  	s18 =	sld [smem:$0x3FDB];
	_ =	sdelay $0x1  }
0x9f: {  	s19 =	simm.s32 $_scs_section_size  }
0xa0: {  	s5 =	simm.s32 $_size__tile_overlayer_lowered;
	s6 =	simm.s32 $_tile_overlayer_lowered  }
0xa1: {  	s22 =	simm.s32 $0x1BFF;
	s21 =	sshll.u32 s6, $0x1;
	s3 =	sadd.s32 s19, s18  }
0xa2: {  	s7 =	simm.s32 $0x0;
	s20 =	sshll.u32 s5, $0x1;
	s5 =	sadd.s32 s21, s3  }
0xa3: {  	[timem:s7], [sflag:s22] =	dma.local [hbm:s5], s20  }
0xa4: {  	_ =	swait.ge [sflag:s22], s20  }
0xa5: {  	s4 =	ssub.s32 $0x0, s20;
	[sflag:s22] =	ssyncset.done $0x0  }
0xa6: {  	[sflag:s22] =	ssyncadd.s32 s4;
	_ =	sdelay $0x1  }
0xa7: {  	s23 =	simm.s32 $0x1B8B  }
0xa8: {  	_ =	swait.ge [sflag:s23], $0x1  }
0xa9: {  	[sflag:s23] =	ssyncset.done $0x0  }
0xaa: {  	s25 =	simm.s32 $0x1B8E;
	s24 =	sld [smem:$0x3FFE];
	[sflag:s23] =	ssyncadd.s32 $0xFFFFFFFF  }
0xab: {  	s26 =	simm.s32 $execute0_lowered;
	[smem:$0x3FD2] =	sst s25  }
0xac: {  	s5 =	sshll.u32 s26, $0x1;
	_ =	strace $0x8000004C;
	[dreg:$0x1] =	wrdreg $0xFFFFFFFF  }
0xad: {  	s28 =	simm.s32 $_size_execute0_lowered;
	s3 =	sadd.s32 s3, s5;
	[dreg:$0x0] =	wrdreg $0x0  }
0xae: {  	s5 =	sshll.u32 s28, $0x1;
	[dreg:$0x2] =	wrdreg s3  }
0xaf: {  	[dreg:$0x3] =	wrdreg s5  }
0xb0: {  	[dreg:$0x4] =	wrdreg $0xC0  }
0xb1: {  	_ =	task [dreg:s7], $0x5FFFF  }
0xb2: {  	[dreg:$0x1] =	wrdreg $0xFFFFFFFF  }
0xb3: {  	[dreg:$0x0] =	wrdreg $0x60  }
0xb4: {  	[dreg:$0x2] =	wrdreg s24  }
0xb5: {  	[dreg:$0x3] =	wrdreg s16  }
0xb6: {  	[dreg:$0x4] =	wrdreg $0x0  }
0xb7: {  	[dreg:$0x5] =	wrdreg $0x9  }
0xb8: {  	_ =	task.clear_ibuf [dreg:s7], $0x6FFFF;
	_ =	strace $0x9000004C  }
0xb9: {  	s29 =	simm.s32 $0x9;
	_ =	strace $0x8000004E  }
0xba: {  	_ =	swait.ge [sflag:s29], $0x1  }
0xbb: {  	[sflag:s29] =	ssyncadd.s32 $0xFFFFFFFF  }
0xbc: {  	_ =	strace $0x9000004E  }
0xbd: {  	_ =	sfence  }
0xbe: {  	s30 =	sld [smem:$0x0];
	_ =	sdelay $0x2  }
0xbf: {  	s31 =	sshll.u32 s1, $0xD;
	s1 =	sshrl.u32 s1, $0x2  }
0xc0: {  	s3 =	sand.u32 $0x4000, s31;
	s1 =	sadd.s32 s1, s30  }
0xc1: {  	s0 =	sor.u32 s3, s0;
	s1 =	sshll.u32 s1, $0x11  }
0xc2: {  	s0 =	sor.u32 s1, s0  }
0xc3: {  	s0 =	sadd.s32 $0x8F2B, s0  }
0xc4: {  	[sflag:s0] =	ssyncadd.remote.s32 $0x1  }
0xc5: {  	_ =	sfence.sel $0xFFFF  }
0xc6: {  	[dreg:$0x0] =	wrdreg $0xFFFFFFFF;
	(pc) =	sbr.abs _section_cstart, $3  }
0xc7: {  	[dreg:$0x1] =	wrdreg $0xFFFFFFFF  }
0xc8: {  	_ =	task.clear_ibuf [dreg:s7], $0x2FFFF;
	_ =	strace $0x9FFFFFFF  }
0xc9: {  	(tm) =	ssettm $0x7FFFFFFF  }
tec
execute0_lowered:
.L_overlay_start_1:
0x0: {  	(tag) =	ssettag $0x1  }
0x1: {  	s0 =	rddreg [dreg:$0x0]  }
0x2: {  	s1 =	srdreg.scid;
	s3 =	rddreg [dreg:$0x1]  }
0x3: {  	s10 =	stileid.u32;
	s2 =	rddreg [dreg:$0x2];
	s5 =	simm.s32 $0x0  }
0x4: {  	s12 =	simm.s32 $0x11;
	s15 =	simm.s32 $0x80;
	s16 =	simm.s32 $0x9F00  }
0x5: {  	s29 =	simm.s32 $0xFF00;
	s31 =	simm.s32 $0x10F00;
	s14 =	simm.s32 $0x5  }
0x6: {  	s17 =	simm.s32 $0x7;
	s18 =	simm.s32 $0x8;
	s28 =	simm.s32 $0xF  }
0x7: {  	s30 =	simm.s32 $0x10;
	s1 =	sand.u32 $0x1, s1;
	s4 =	sshll.u32 s10, $0x1  }
0x8: {  	[smem:$0x7FF] =	sst s5;
	s20 =	smul.u32 $0x4F00, s10;
	s22 =	sshll.u32 s10, $0x6  }
0x9: {  	s4 =	sor.u32 s1, s4;
	s8 =	ssub.s32 $0x2, s1;
	s1 =	smul.u32 $0x4F000, s1  }
0xa: {  	_ =	strace $0x8000004D;
	s4 =	smul.u32 $0x500, s4;
	s21 =	sshrl.u32 s8, $0x1  }
0xb: {  	s6 =	sshrl.u32 s20, $0x3;
	s9 =	sadd.s32 s20, s2;
	s8 =	ssub.s32 s8, s21  }
0xc: {  	s23 =	sadd.s32 s20, s1;
	s11 =	sshrl.u32 s9, $0x3;
	s20 =	simm.s32 $0xBF00  }
0xd: {  	s1 =	simm.s32 $0x1;
	s7 =	sadd.s32 s4, s0;
	s4 =	sadd.s32 $0x21400, s0  }
0xe: {  	s0 =	sadd.s32 s6, s0;
	s6 =	sor.u32 $0x1C11, s22;
	s26 =	smax.u32 s8, $0x1  }
0xf: {  	s22 =	simm.s32 $0xB;
	s0 =	sadd.s32 $0x17600, s0;
	[dreg:$0x8] =	wrdreg s26  }
.Ltmp0:
0x10: {  	s24 =	sadd.s32 $0xD600, s7;
	[dreg:$0x4] =	wrdreg s0;
	(pc) =	sbr.rel .LBB2_1-.Ltmp0, $4  }
0x11: {  	s25 =	sadd.s32 $0x3600, s7;
	s26 =	simm.s32 $0xE;
	[dreg:$0x5] =	wrdreg s24  }
0x12: {  	[dreg:$0x6] =	wrdreg s25;
	s0 =	sshrl.u32 s23, $0x3;
	s24 =	simm.s32 $0xDF00  }
0x13: {  	s23 =	simm.s32 $0xC;
	s25 =	simm.s32 $0xD;
	s0 =	sadd.s32 s3, s0  }
0x14: {  	s3 =	simm.s32 $0x0;
	[dreg:$0x7] =	wrdreg s0;
	s0 =	simm.s32 $0x3  }
.LBB2_4:
0x15: {  	_ =	swait.ge [sflag:s18], $0x1000  }
0x16: {  	[sflag:s18] =	ssyncset.done $0x0  }
0x17: {  	s5 =	simm.s32 $0x9;
	[sflag:s18] =	ssyncadd.s32 $0xFFFFF000  }
0x18: {  	[spmem:s2] =	stream.indirect.scatter.add.f32 [tilespmem:s31], [sflag:$0x10], $0x20, s8, s15, $0xb8;
	[tilespmem:$0x11F00] =	vst v63  }
0x19: {  	_ =	swait.ge [sflag:s5], $0x1000  }
0x1a: {  	[sflag:s5] =	ssyncset.done $0x0  }
0x1b: {  	s13 =	simm.s32 $0xA;
	[sflag:s5] =	ssyncadd.s32 $0xFFFFF000  }
0x1c: {  	_ =	swait.ge [sflag:s13], $0x1000  }
0x1d: {  	[sflag:s13] =	ssyncset.done $0x0  }
0x1e: {  	[sflag:s13] =	ssyncadd.s32 $0xFFFFF000  }
0x1f: {  	_ =	swait.ge [sflag:s22], $0x1000  }
0x20: {  	[sflag:s22] =	ssyncset.done $0x0  }
0x21: {  	[sflag:s22] =	ssyncadd.s32 $0xFFFFF000  }
0x22: {  	_ =	swait.ge [sflag:s23], $0x1000  }
0x23: {  	[sflag:s23] =	ssyncset.done $0x0  }
0x24: {  	[sflag:s23] =	ssyncadd.s32 $0xFFFFF000  }
0x25: {  	_ =	swait.ge [sflag:s25], $0x1000  }
0x26: {  	[sflag:s25] =	ssyncset.done $0x0  }
0x27: {  	[sflag:s25] =	ssyncadd.s32 $0xFFFFF000  }
0x28: {  	_ =	swait.ge [sflag:s26], $0x1000  }
0x29: {  	[sflag:s26] =	ssyncset.done $0x0  }
0x2a: {  	[sflag:s26] =	ssyncadd.s32 $0xFFFFF000  }
0x2b: {  	_ =	swait.ge [sflag:s28], $0x1000  }
0x2c: {  	[sflag:s28] =	ssyncset.done $0x0  }
0x2d: {  	[sflag:s28] =	ssyncadd.s32 $0xFFFFF000  }
0x2e: {  	_ =	swait.ge [sflag:s30], $0x1000  }
0x2f: {  	[sflag:s30] =	ssyncset.done $0x0  }
0x30: {  	[sflag:s30] =	ssyncadd.s32 $0xFFFFF000  }
0x31: {  	[bflag:$0x0] =	sbarrier.arrive $0xFFFF  }
0x32: {  	s19 =	rddreg [dreg:$0x7]  }
0x33: {  	[hbm:s19], [sflag:s6] =	dma.local [spmem:s11], $0x9E0  }
0x34: {  	_ =	swait.ge [sflag:s12], $0x9E0  }
0x35: {  	s3 =	sadd.s32 $0x1, s3;
	s21 =	rddreg [dreg:$0x8]  }
0x36: {  	p0 =	sne.s32 s3, s21  }
.Ltmp1:
0x37: {  	_ = 	snop;
	(pc) =	sbr.rel @!p0 .LBB2_5-.Ltmp1, $3  }
0x38: {  	_ =	sdelay $0x1  }
0x39: {  	[sflag:s12] =	ssyncset.done $0x0  }
0x3a: {  	[sflag:s12] =	ssyncadd.s32 $0xFFFFF620  }
.LBB2_1:
0x3b: {  	s5 =	rddreg [dreg:$0x4]  }
0x3c: {  	[spmem:s11], [sflag:s6] =	dma.local [hbm:s5], $0x9E0  }
0x3d: {  	_ =	swait.ge [sflag:s12], $0x9E0  }
0x3e: {  	s21 =	simm.s32 $0x0;
	[sflag:s12] =	ssyncset.done $0x0  }
0x3f: {  	s8 =	simm.s32 $0x4F00;
	s7 =	rddreg [dreg:$0x5];
	[sflag:s12] =	ssyncadd.s32 $0xFFFFF620  }
0x40: {  	[tilespmem:s8], [sflag:$0x11] =	stream.linear.gather [hbm4b:s7+s21], $0x2800, $0x38;
	[tilespmem:$0x11F00] =	vst v63  }
0x41: {  	_ =	swait.ge [sflag:s12], $0x2800  }
0x42: {  	[sflag:s12] =	ssyncset.done $0x0  }
0x43: {  	s9 =	simm.s32 $0x7700;
	s10 =	rddreg [dreg:$0x6];
	[sflag:s12] =	ssyncadd.s32 $0xFFFFD800  }
0x44: {  	[tilespmem:s9], [sflag:$0x11] =	stream.linear.gather [hbm4b:s10+s21], $0x2800, $0x38;
	[tilespmem:$0x11F00] =	vst v63  }
0x45: {  	_ =	swait.ge [sflag:s12], $0x2800  }
0x46: {  	[sflag:s12] =	ssyncset.done $0x0  }
0x47: {  	[sflag:s12] =	ssyncadd.s32 $0xFFFFD800  }
0x48: {  	[bflag:$0x0] =	sbarrier.arrive $0xFFFF  }
0x49: {  	[tilespmem:s16], [sflag:$0x1] =	stream.indirect.gather [hbm4b:s4+s15], $0x20, s8, s15, $0xb8;
	[tilespmem:$0x11F00] =	vst v63  }
0x4a: {  	s13 =	simm.s32 $0x4F80;
	s19 =	simm.s32 $0xAF00  }
0x4b: {  	[tilespmem:s19], [sflag:$0x2] =	stream.indirect.gather [hbm4b:s4+s15], $0x20, s13, s15, $0xb8;
	[tilespmem:$0x11F00] =	vst v63  }
0x4c: {  	s21 =	simm.s32 $0x5000  }
0x4d: {  	[tilespmem:s20], [sflag:$0x3] =	stream.indirect.gather [hbm4b:s4+s15], $0x20, s21, s15, $0xb8;
	[tilespmem:$0x11F00] =	vst v63  }
0x4e: {  	s7 =	simm.s32 $0x5080;
	s8 =	simm.s32 $0xCF00  }
0x4f: {  	[tilespmem:s8], [sflag:$0x4] =	stream.indirect.gather [hbm4b:s4+s15], $0x20, s7, s15, $0xb8;
	[tilespmem:$0x11F00] =	vst v63  }
0x50: {  	s9 =	simm.s32 $0x5100  }
0x51: {  	[tilespmem:s24], [sflag:$0x5] =	stream.indirect.gather [hbm4b:s4+s15], $0x20, s9, s15, $0xb8;
	[tilespmem:$0x11F00] =	vst v63  }
0x52: {  	s10 =	simm.s32 $0x5180;
	s13 =	simm.s32 $0xEF00  }
0x53: {  	[tilespmem:s13], [sflag:$0x6] =	stream.indirect.gather [hbm4b:s4+s15], $0x20, s10, s15, $0xb8;
	[tilespmem:$0x11F00] =	vst v63  }
0x54: {  	s19 =	simm.s32 $0x5200  }
0x55: {  	[tilespmem:s29], [sflag:$0x7] =	stream.indirect.gather [hbm4b:s4+s15], $0x20, s19, s15, $0xb8;
	[tilespmem:$0x11F00] =	vst v63  }
0x56: {  	s5 =	simm.s32 $0x0;
	s21 =	simm.s32 $0x5280  }
0x57: {  	[tilespmem:s31], [sflag:$0x8] =	stream.indirect.gather [hbm4b:s4+s15], $0x20, s21, s15, $0xb8;
	[tilespmem:$0x11F00] =	vst v63  }
.LBB2_2:
0x58: {  	_ =	swait.ge [sflag:s1], $0x1000  }
0x59: {  	s7 =	sshra.s32 s5, $0x2;
	[sflag:s1] =	ssyncset.done $0x0  }
0x5a: {  	p0 =	seq.s32 s5, $0x9000;
	s8 =	sadd.s32 $0x7700, s7;
	[sflag:s1] =	ssyncadd.s32 $0xFFFFF000  }
0x5b: {  	[spmem:s2] =	stream.indirect.scatter.add.f32 [tilespmem:s16], [sflag:$0x9], $0x20, s8, s15, $0xb8;
	[tilespmem:$0x11F00] =	vst v63  }
0x5c: {  	s8 =	simm.s32 @p0 $0x2  }
0x5d: {  	_ =	swait.ge @p0 [sflag:s8], $0x1000  }
0x5e: {  	s13 =	sshra.s32 @p0 s5, $0x2;
	s10 =	simm.s32 @p0 $0x80;
	[sflag:s8] =	ssyncset.done @p0 $0x0  }
0x5f: {  	s9 =	simm.s32 @p0 $0xAF00;
	[sflag:s8] =	ssyncadd.s32 @p0 $0xFFFFF000;
	s8 =	sadd.s32 @p0 $0x7780, s13  }
0x60: {  	[spmem:s2] =	stream.indirect.scatter.add.f32 @p0 [tilespmem:s9], [sflag:$0xA], $0x20, s8, s10, $0xb8;
	[tilespmem:$0x11F00] =	vst v63  }
0x61: {  	s8 =	simm.s32 @!p0 $0x9  }
0x62: {  	_ =	swait.ge @!p0 [sflag:s8], $0x1000  }
0x63: {  	[sflag:s8] =	ssyncset.done @!p0 $0x0  }
0x64: {  	[sflag:s8] =	ssyncadd.s32 @!p0 $0xFFFFF000;
	s8 =	sshra.s32 @!p0 s5, $0x2  }
0x65: {  	s21 =	simm.s32 @!p0 $0x9F00;
	s9 =	simm.s32 @!p0 $0x80;
	s19 =	sadd.s32 @!p0 $0x5300, s8  }
0x66: {  	[tilespmem:s21], [sflag:$0x1] =	stream.indirect.gather @!p0 [hbm4b:s4+s9], $0x20, s19, s9, $0xb8;
	[tilespmem:$0x11F00] =	vst v63  }
0x67: {  	s19 =	simm.s32 @!p0 $0x2  }
0x68: {  	_ =	swait.ge @!p0 [sflag:s19], $0x1000  }
0x69: {  	[sflag:s19] =	ssyncset.done @!p0 $0x0  }
0x6a: {  	s21 =	simm.s32 @!p0 $0xAF00;
	[sflag:s19] =	ssyncadd.s32 @!p0 $0xFFFFF000;
	s19 =	sadd.s32 @!p0 $0x7780, s8  }
0x6b: {  	[spmem:s2] =	stream.indirect.scatter.add.f32 @!p0 [tilespmem:s21], [sflag:$0xA], $0x20, s19, s9, $0xb8;
	[tilespmem:$0x11F00] =	vst v63  }
0x6c: {  	s19 =	simm.s32 @!p0 $0xA  }
0x6d: {  	_ =	swait.ge @!p0 [sflag:s19], $0x1000  }
0x6e: {  	[sflag:s19] =	ssyncset.done @!p0 $0x0  }
0x6f: {  	[sflag:s19] =	ssyncadd.s32 @!p0 $0xFFFFF000;
	s19 =	sadd.s32 @!p0 $0x5380, s8  }
0x70: {  	[tilespmem:s21], [sflag:$0x2] =	stream.indirect.gather @!p0 [hbm4b:s4+s9], $0x20, s19, s9, $0xb8;
	[tilespmem:$0x11F00] =	vst v63  }
0x71: {  	_ =	swait.ge [sflag:s0], $0x1000  }
0x72: {  	[sflag:s0] =	ssyncset.done $0x0  }
0x73: {  	s21 =	sadd.s32 $0x7800, s7;
	s19 =	simm.s32 @p0 $0x4;
	[sflag:s0] =	ssyncadd.s32 $0xFFFFF000  }
0x74: {  	[spmem:s2] =	stream.indirect.scatter.add.f32 [tilespmem:s20], [sflag:$0xB], $0x20, s21, s15, $0xb8;
	[tilespmem:$0x11F00] =	vst v63  }
0x75: {  	_ =	swait.ge @p0 [sflag:s19], $0x1000  }
0x76: {  	[sflag:s19] =	ssyncset.done @p0 $0x0  }
0x77: {  	s21 =	simm.s32 @p0 $0xCF00;
	[sflag:s19] =	ssyncadd.s32 @p0 $0xFFFFF000;
	s19 =	sadd.s32 @p0 $0x7880, s13  }
0x78: {  	[spmem:s2] =	stream.indirect.scatter.add.f32 @p0 [tilespmem:s21], [sflag:$0xC], $0x20, s19, s10, $0xb8;
	[tilespmem:$0x11F00] =	vst v63  }
0x79: {  	s19 =	simm.s32 @!p0 $0xB  }
0x7a: {  	_ =	swait.ge @!p0 [sflag:s19], $0x1000  }
0x7b: {  	[sflag:s19] =	ssyncset.done @!p0 $0x0  }
0x7c: {  	s21 =	simm.s32 @!p0 $0xBF00;
	[sflag:s19] =	ssyncadd.s32 @!p0 $0xFFFFF000;
	s19 =	sadd.s32 @!p0 $0x5400, s8  }
0x7d: {  	[tilespmem:s21], [sflag:$0x3] =	stream.indirect.gather @!p0 [hbm4b:s4+s9], $0x20, s19, s9, $0xb8;
	[tilespmem:$0x11F00] =	vst v63  }
0x7e: {  	s19 =	simm.s32 @!p0 $0x4  }
0x7f: {  	_ =	swait.ge @!p0 [sflag:s19], $0x1000  }
0x80: {  	[sflag:s19] =	ssyncset.done @!p0 $0x0  }
0x81: {  	s21 =	simm.s32 @!p0 $0xCF00;
	[sflag:s19] =	ssyncadd.s32 @!p0 $0xFFFFF000;
	s19 =	sadd.s32 @!p0 $0x7880, s8  }
0x82: {  	[spmem:s2] =	stream.indirect.scatter.add.f32 @!p0 [tilespmem:s21], [sflag:$0xC], $0x20, s19, s9, $0xb8;
	[tilespmem:$0x11F00] =	vst v63  }
0x83: {  	s19 =	simm.s32 @!p0 $0xC  }
0x84: {  	_ =	swait.ge @!p0 [sflag:s19], $0x1000  }
0x85: {  	[sflag:s19] =	ssyncset.done @!p0 $0x0  }
0x86: {  	[sflag:s19] =	ssyncadd.s32 @!p0 $0xFFFFF000;
	s19 =	sadd.s32 @!p0 $0x5480, s8  }
0x87: {  	[tilespmem:s21], [sflag:$0x4] =	stream.indirect.gather @!p0 [hbm4b:s4+s9], $0x20, s19, s9, $0xb8;
	[tilespmem:$0x11F00] =	vst v63  }
0x88: {  	_ =	swait.ge [sflag:s14], $0x1000  }
0x89: {  	[sflag:s14] =	ssyncset.done $0x0  }
0x8a: {  	s21 =	sadd.s32 $0x7900, s7;
	s19 =	simm.s32 @p0 $0x6;
	[sflag:s14] =	ssyncadd.s32 $0xFFFFF000  }
0x8b: {  	[spmem:s2] =	stream.indirect.scatter.add.f32 [tilespmem:s24], [sflag:$0xD], $0x20, s21, s15, $0xb8;
	[tilespmem:$0x11F00] =	vst v63  }
0x8c: {  	_ =	swait.ge @p0 [sflag:s19], $0x1000  }
0x8d: {  	[sflag:s19] =	ssyncset.done @p0 $0x0  }
0x8e: {  	s13 =	sadd.s32 @p0 $0x7980, s13;
	[sflag:s19] =	ssyncadd.s32 @p0 $0xFFFFF000;
	s19 =	simm.s32 @p0 $0xEF00  }
0x8f: {  	[spmem:s2] =	stream.indirect.scatter.add.f32 @p0 [tilespmem:s19], [sflag:$0xE], $0x20, s13, s10, $0xb8;
	[tilespmem:$0x11F00] =	vst v63  }
0x90: {  	s10 =	simm.s32 @!p0 $0xD  }
0x91: {  	_ =	swait.ge @!p0 [sflag:s10], $0x1000  }
0x92: {  	[sflag:s10] =	ssyncset.done @!p0 $0x0  }
0x93: {  	s13 =	simm.s32 @!p0 $0xDF00;
	[sflag:s10] =	ssyncadd.s32 @!p0 $0xFFFFF000;
	s10 =	sadd.s32 @!p0 $0x5500, s8  }
0x94: {  	[tilespmem:s13], [sflag:$0x5] =	stream.indirect.gather @!p0 [hbm4b:s4+s9], $0x20, s10, s9, $0xb8;
	[tilespmem:$0x11F00] =	vst v63  }
0x95: {  	s10 =	simm.s32 @!p0 $0x6  }
0x96: {  	_ =	swait.ge @!p0 [sflag:s10], $0x1000  }
0x97: {  	[sflag:s10] =	ssyncset.done @!p0 $0x0  }
0x98: {  	s13 =	simm.s32 @!p0 $0xEF00;
	[sflag:s10] =	ssyncadd.s32 @!p0 $0xFFFFF000;
	s10 =	sadd.s32 @!p0 $0x7980, s8  }
0x99: {  	[spmem:s2] =	stream.indirect.scatter.add.f32 @!p0 [tilespmem:s13], [sflag:$0xE], $0x20, s10, s9, $0xb8;
	[tilespmem:$0x11F00] =	vst v63  }
0x9a: {  	s10 =	simm.s32 @!p0 $0xE  }
0x9b: {  	_ =	swait.ge @!p0 [sflag:s10], $0x1000  }
0x9c: {  	[sflag:s10] =	ssyncset.done @!p0 $0x0  }
0x9d: {  	s8 =	sadd.s32 @!p0 $0x5580, s8;
	[sflag:s10] =	ssyncadd.s32 @!p0 $0xFFFFF000  }
0x9e: {  	[tilespmem:s13], [sflag:$0x6] =	stream.indirect.gather @!p0 [hbm4b:s4+s9], $0x20, s8, s9, $0xb8;
	[tilespmem:$0x11F00] =	vst v63  }
.Ltmp2:
0x9f: {  	_ = 	snop;
	(pc) =	sbr.rel @p0 .LBB2_4-.Ltmp2, $4  }
0xa0: {  	_ =	swait.ge [sflag:s17], $0x1000  }
0xa1: {  	[sflag:s17] =	ssyncset.done $0x0  }
0xa2: {  	s21 =	sadd.s32 $0x7A00, s7;
	s8 =	sadd.s32 $0x7A80, s7;
	[sflag:s17] =	ssyncadd.s32 $0xFFFFF000  }
0xa3: {  	[spmem:s2] =	stream.indirect.scatter.add.f32 [tilespmem:s29], [sflag:$0xF], $0x20, s21, s15, $0xb8;
	[tilespmem:$0x11F00] =	vst v63  }
0xa4: {  	_ =	swait.ge [sflag:s28], $0x1000  }
0xa5: {  	[sflag:s28] =	ssyncset.done $0x0  }
0xa6: {  	s9 =	sadd.s32 $0x5600, s7;
	[sflag:s28] =	ssyncadd.s32 $0xFFFFF000  }
0xa7: {  	[tilespmem:s29], [sflag:$0x7] =	stream.indirect.gather [hbm4b:s4+s15], $0x20, s9, s15, $0xb8;
	[tilespmem:$0x11F00] =	vst v63  }
0xa8: {  	_ =	swait.ge [sflag:s18], $0x1000  }
0xa9: {  	[sflag:s18] =	ssyncset.done $0x0  }
0xaa: {  	[sflag:s18] =	ssyncadd.s32 $0xFFFFF000  }
0xab: {  	[spmem:s2] =	stream.indirect.scatter.add.f32 [tilespmem:s31], [sflag:$0x10], $0x20, s8, s15, $0xb8;
	[tilespmem:$0x11F00] =	vst v63  }
.Ltmp3:
0xac: {  	_ = 	snop;
	(pc) =	sbr.rel .LBB2_2-.Ltmp3, $4  }
0xad: {  	_ =	swait.ge [sflag:s30], $0x1000  }
0xae: {  	[sflag:s30] =	ssyncset.done $0x0  }
0xaf: {  	s21 =	sadd.s32 $0x5680, s7;
	s5 =	sadd.s32 $0x1000, s5;
	[sflag:s30] =	ssyncadd.s32 $0xFFFFF000  }
0xb0: {  	[tilespmem:s31], [sflag:$0x8] =	stream.indirect.gather [hbm4b:s4+s15], $0x20, s21, s15, $0xb8;
	[tilespmem:$0x11F00] =	vst v63  }
.LBB2_5:
0xb1: {  	_ =	sfence.sel $0x180000  }
0xb2: {  	[bflag:$0x0] =	sbarrier.arrive $0xFFFF  }
0xb3: {  	_ =	strace $0x9000004D  }
0xb4: {  	s0 =	stileid.u32;
	[bflag:$0x2] =	sbarrier.arrive $0xFFFF  }
0xb5: {  	p0 =	sne.s32 s0, $0x0;
	s0 =	rddreg [dreg:$0x3]  }
0xb6: {  	s0 =	sadd.s32 @!p0 $0x100000, s0  }
0xb7: {  	[sflag:s0] =	ssyncadd.tile.s32 @!p0 $0x1;
	_ =	shalt  }
.Lfunc_end2:
_tile_overlayer_lowered:
.L_overlay_start_2:
0xb8: {  	(tag) =	ssettag $0x2  }
0xb9: {  	s0 =	rddreg [dreg:$0x0];
	s2 =	stileid.u32  }
0xba: {  	s1 =	rddreg [dreg:$0x1];
	p0 =	sne.s32 s2, $0x0  }
0xbb: {  	s3 =	rddreg [dreg:$0x2];
	[bflag:$0x3] =	sbarrier.arrive $0xFFFF;
	s2 =	simm.s32 @!p0 $0x1C11  }
0xbc: {  	[timem:s3], [sflag:s2] =	dma.local @!p0 [hbm:s0], s1  }
0xbd: {  	s0 =	simm.s32 @!p0 $0x11  }
0xbe: {  	_ =	swait.ge @!p0 [sflag:s0], s1  }
0xbf: {  	s1 =	ssub.s32 @!p0 $0x0, s1;
	[sflag:s0] =	ssyncset.done @!p0 $0x0  }
0xc0: {  	[sflag:s0] =	ssyncadd.s32 @!p0 s1  }
0xc1: {  	[bflag:$0x3] =	sbarrier.arrive $0xFFFF  }
0xc2: {  	_ =	shalt  }

</sc_bundles>
